<compile_context>
chip_gen: v7x
topology: tpu7x:2x2x1
jax: 0.10.2.dev20260603
libtpu: 0.0.44.dev20260713+nightly
codegen_flags: <defaults>
</compile_context>

<pallas_src>
import functools

import jax
import jax.numpy as jnp
from jax import lax
from jax.experimental import pallas as pl
from jax.experimental.pallas import tpu as pltpu
from jax.experimental.pallas import tpu_sc as plsc

_N0 = 32768
_N1 = 8192
_N2 = 2048
_NX = 128
_NY = 256
_E0 = 131072
_E1 = 32768
_E2 = 8192
_NTOT = _N0 + _N1 + _N2
_ETOT = _E0 + _E1 + _E2

_NC = 2
_NS = 16
_NW = _NC * _NS
_CH = 128


def _sc_mesh():
    return plsc.VectorSubcoreMesh(
        core_axis_name="c", subcore_axis_name="s",
        num_cores=_NC, num_subcores=_NS)


@functools.lru_cache(maxsize=None)
def _deg_kernel():
    KD = _ETOT // (_CH * _NW)
    RPT = _NTOT // _NS
    mesh = _sc_mesh()

    @functools.partial(
        pl.kernel,
        mesh=mesh,
        out_type=jax.ShapeDtypeStruct((_NC, _NTOT, 16), jnp.float32),
        compiler_params=pltpu.CompilerParams(use_tc_tiling_on_sc=False),
        scratch_types=[
            pltpu.VMEM((KD, _CH), jnp.int32),
            pltpu.VMEM((_CH, 16), jnp.float32),
            pltpu.VMEM((_CH, 16), jnp.float32),
            pltpu.VMEM_SHARED((_NTOT, 16), jnp.float32),
        ],
    )
    def deg(dst_hbm, out_hbm, didx, ones_v, zbuf, acc):
        c = lax.axis_index("c")
        s = lax.axis_index("s")
        wid = c * _NS + s
        ones16 = jnp.ones((16,), jnp.float32)
        zeros16 = jnp.zeros((16,), jnp.float32)

        def fill(i, _):
            ones_v[i, :] = ones16
            zbuf[i, :] = zeros16
            return 0

        lax.fori_loop(0, _CH, fill, 0)

        base = s * RPT

        def zacc(j, _):
            pltpu.sync_copy(zbuf, acc.at[pl.ds(base + j * _CH, _CH)])
            return 0

        lax.fori_loop(0, RPT // _CH, zacc, 0)

        pltpu.sync_copy(dst_hbm.at[wid], didx)
        plsc.subcore_barrier()

        def chunk(j, _):
            pltpu.sync_copy(ones_v, acc.at[didx.at[j]], add=True)
            return 0

        lax.fori_loop(0, KD, chunk, 0)
        plsc.subcore_barrier()

        def wb(j, _):
            pltpu.sync_copy(
                acc.at[pl.ds(base + j * _CH, _CH)],
                out_hbm.at[c, pl.ds(base + j * _CH, _CH)],
            )
            return 0

        lax.fori_loop(0, RPT // _CH, wb, 0)

    return deg


@functools.lru_cache(maxsize=None)
def _seg_kernel(N, E):
    K = E // (_CH * _NW)
    RPT = N // _NS
    ZCH = min(RPT, _CH)
    mesh = _sc_mesh()

    @functools.partial(
        pl.kernel,
        mesh=mesh,
        out_type=jax.ShapeDtypeStruct((_NC, N, 32), jnp.float32),
        compiler_params=pltpu.CompilerParams(use_tc_tiling_on_sc=False),
        scratch_types=[
            pltpu.VMEM((K, _CH), jnp.int32),
            pltpu.VMEM((K, _CH), jnp.int32),
            pltpu.VMEM((_CH, 32), jnp.float32),
            pltpu.VMEM((ZCH, 32), jnp.float32),
            pltpu.VMEM_SHARED((N, 32), jnp.float32),
            pltpu.SemaphoreType.DMA,
        ],
    )
    def seg(y_hbm, src_hbm, dst_hbm, out_hbm, sidx, didx, rows, zbuf, acc, sem):
        c = lax.axis_index("c")
        s = lax.axis_index("s")
        wid = c * _NS + s
        zeros16 = jnp.zeros((16,), jnp.float32)

        def fill(i, _):
            zbuf[i, pl.ds(0, 16)] = zeros16
            zbuf[i, pl.ds(16, 16)] = zeros16
            return 0

        lax.fori_loop(0, ZCH, fill, 0)

        base = s * RPT

        def zacc(j, _):
            pltpu.sync_copy(zbuf, acc.at[pl.ds(base + j * ZCH, ZCH)])
            return 0

        lax.fori_loop(0, RPT // ZCH, zacc, 0)

        pltpu.sync_copy(src_hbm.at[wid], sidx)
        pltpu.sync_copy(dst_hbm.at[wid], didx)
        plsc.subcore_barrier()

        def chunk(j, _):
            pltpu.async_copy(y_hbm.at[sidx.at[j]], rows, sem).wait()
            pltpu.sync_copy(rows, acc.at[didx.at[j]], add=True)
            return 0

        lax.fori_loop(0, K, chunk, 0)
        plsc.subcore_barrier()

        def wb(j, _):
            pltpu.sync_copy(
                acc.at[pl.ds(base + j * ZCH, ZCH)],
                out_hbm.at[c, pl.ds(base + j * ZCH, ZCH)],
            )
            return 0

        lax.fori_loop(0, RPT // ZCH, wb, 0)

    return seg


def _dinv_body(deg_ref, dinv_ref):
    d = deg_ref[0] + deg_ref[1]
    dinv_ref[...] = lax.rsqrt(d[:, 0:1] + 1.0)


def _dinv_call(degp):
    blk = 2048
    grid = _NTOT // blk
    return pl.pallas_call(
        _dinv_body,
        grid=(grid,),
        in_specs=[pl.BlockSpec((_NC, blk, 16), lambda i: (0, i, 0))],
        out_specs=pl.BlockSpec((blk, 1), lambda i: (i, 0)),
        out_shape=jax.ShapeDtypeStruct((_NTOT, 1), jnp.float32),
    )(degp)


def _fc1prep_body(x_ref, wf_ref, bf_ref, w1_ref, dinv_ref, y_ref):
    h = jnp.dot(x_ref[...], wf_ref[...], preferred_element_type=jnp.float32)
    h = jnp.maximum(h + bf_ref[...], 0.0)
    y = jnp.dot(h, w1_ref[...], preferred_element_type=jnp.float32)
    y_ref[...] = y * dinv_ref[...]


def _fc1prep(x, wfT, bf, w1T, dinv):
    blk = 4096
    grid = _N0 // blk
    return pl.pallas_call(
        _fc1prep_body,
        grid=(grid,),
        in_specs=[
            pl.BlockSpec((blk, 4), lambda i: (i, 0)),
            pl.BlockSpec((4, 32), lambda i: (0, 0)),
            pl.BlockSpec((1, 32), lambda i: (0, 0)),
            pl.BlockSpec((32, 32), lambda i: (0, 0)),
            pl.BlockSpec((blk, 1), lambda i: (i, 0)),
        ],
        out_specs=pl.BlockSpec((blk, 32), lambda i: (i, 0)),
        out_shape=jax.ShapeDtypeStruct((_N0, 32), jnp.float32),
    )(x, wfT, bf, w1T, dinv)


def _prep_body(x_ref, w_ref, dinv_ref, y_ref):
    y = jnp.dot(x_ref[...], w_ref[...], preferred_element_type=jnp.float32)
    y_ref[...] = y * dinv_ref[...]


def _prep(x, wT, dinv):
    n = x.shape[0]
    blk = min(n, 4096)
    return pl.pallas_call(
        _prep_body,
        grid=(n // blk,),
        in_specs=[
            pl.BlockSpec((blk, 32), lambda i: (i, 0)),
            pl.BlockSpec((32, 32), lambda i: (0, 0)),
            pl.BlockSpec((blk, 1), lambda i: (i, 0)),
        ],
        out_specs=pl.BlockSpec((blk, 32), lambda i: (i, 0)),
        out_shape=jax.ShapeDtypeStruct((n, 32), jnp.float32),
    )(x, wT, dinv)


def _prep_add_body(a_ref, b_ref, w_ref, dinv_ref, y_ref):
    y = jnp.dot(a_ref[...] + b_ref[...], w_ref[...],
                preferred_element_type=jnp.float32)
    y_ref[...] = y * dinv_ref[...]


def _prep_add(a, b, wT, dinv):
    n = a.shape[0]
    blk = min(n, 4096)
    return pl.pallas_call(
        _prep_add_body,
        grid=(n // blk,),
        in_specs=[
            pl.BlockSpec((blk, 32), lambda i: (i, 0)),
            pl.BlockSpec((blk, 32), lambda i: (i, 0)),
            pl.BlockSpec((32, 32), lambda i: (0, 0)),
            pl.BlockSpec((blk, 1), lambda i: (i, 0)),
        ],
        out_specs=pl.BlockSpec((blk, 32), lambda i: (i, 0)),
        out_shape=jax.ShapeDtypeStruct((n, 32), jnp.float32),
    )(a, b, wT, dinv)


def _comb_body(acc_ref, y_ref, dinv_ref, b_ref, h_ref):
    a = acc_ref[0] + acc_ref[1] + y_ref[...]
    h_ref[...] = jnp.maximum(dinv_ref[...] * a + b_ref[...], 0.0)


def _comb(acc, y, dinv, b):
    n = y.shape[0]
    blk = min(n, 4096)
    return pl.pallas_call(
        _comb_body,
        grid=(n // blk,),
        in_specs=[
            pl.BlockSpec((_NC, blk, 32), lambda i: (0, i, 0)),
            pl.BlockSpec((blk, 32), lambda i: (i, 0)),
            pl.BlockSpec((blk, 1), lambda i: (i, 0)),
            pl.BlockSpec((1, 32), lambda i: (0, 0)),
        ],
        out_specs=pl.BlockSpec((blk, 32), lambda i: (i, 0)),
        out_shape=jax.ShapeDtypeStruct((n, 32), jnp.float32),
    )(acc, y, dinv, b)


def _comb_fc2_body(acc_ref, y_ref, dinv_ref, b_ref, w2_ref, b2_ref, o_ref):
    a = acc_ref[0] + acc_ref[1] + y_ref[...]
    h = jnp.maximum(dinv_ref[...] * a + b_ref[...], 0.0)
    o = jnp.dot(h, w2_ref[...], preferred_element_type=jnp.float32)
    o_ref[...] = o + b2_ref[...]


def _comb_fc2(acc, y, dinv, b, w2T, b2):
    blk = 4096
    return pl.pallas_call(
        _comb_fc2_body,
        grid=(_N0 // blk,),
        in_specs=[
            pl.BlockSpec((_NC, blk, 32), lambda i: (0, i, 0)),
            pl.BlockSpec((blk, 32), lambda i: (i, 0)),
            pl.BlockSpec((blk, 1), lambda i: (i, 0)),
            pl.BlockSpec((1, 32), lambda i: (0, 0)),
            pl.BlockSpec((32, 2), lambda i: (0, 0)),
            pl.BlockSpec((1, 2), lambda i: (0, 0)),
        ],
        out_specs=pl.BlockSpec((blk, 2), lambda i: (i, 0)),
        out_shape=jax.ShapeDtypeStruct((_N0, 2), jnp.float32),
    )(acc, y, dinv, b, w2T, b2)


def _down(h, nx, ny):
    return h.reshape(nx, ny, 32)[::2, ::2, :].reshape(-1, 32)


def _up(x, channels):
    x = x.T
    for _ in range(2):
        x = x.reshape(channels, -1)
        x = jnp.repeat(x, 2, axis=1)
        channels = channels * 2
    return x.T.reshape(-1, 32)


def kernel(x, edge_index0, edge_index1, edge_index2, W_fc1, b_fc1, W1, b1,
           W2, b2, W3, b3, W4, b4, W5, b5, W_fc2, b_fc2):
    src0 = edge_index0[0].reshape(_NW, -1, _CH)
    dst0 = edge_index0[1].reshape(_NW, -1, _CH)
    src1 = edge_index1[0].reshape(_NW, -1, _CH)
    dst1 = edge_index1[1].reshape(_NW, -1, _CH)
    src2 = edge_index2[0].reshape(_NW, -1, _CH)
    dst2 = edge_index2[1].reshape(_NW, -1, _CH)
    dst_all = jnp.concatenate(
        [edge_index0[1], edge_index1[1] + _N0, edge_index2[1] + (_N0 + _N1)]
    ).reshape(_NW, -1, _CH)

    degp = _deg_kernel()(dst_all)
    dinv_all = _dinv_call(degp)
    dinv0 = dinv_all[:_N0]
    dinv1 = dinv_all[_N0:_N0 + _N1]
    dinv2 = dinv_all[_N0 + _N1:]

    b1r = b1.reshape(1, 32)
    b2r = b2.reshape(1, 32)
    b3r = b3.reshape(1, 32)
    b4r = b4.reshape(1, 32)
    b5r = b5.reshape(1, 32)

    y1 = _fc1prep(x, W_fc1.T, b_fc1.reshape(1, 32), W1.T, dinv0)
    acc1 = _seg_kernel(_N0, _E0)(y1, src0, dst0)
    hb = _comb(acc1, y1, dinv0, b1r)

    x1 = _down(hb, _NX, _NY)
    y2 = _prep(x1, W2.T, dinv1)
    acc2 = _seg_kernel(_N1, _E1)(y2, src1, dst1)
    x1c = _comb(acc2, y2, dinv1, b2r)

    x2 = _down(x1c, _NX // 2, _NY // 2)
    y3 = _prep(x2, W3.T, dinv2)
    acc3 = _seg_kernel(_N2, _E2)(y3, src2, dst2)
    x2c = _comb(acc3, y3, dinv2, b3r)

    x2u = _up(x2c, 32)
    y4 = _prep_add(x1c, x2u, W4.T, dinv1)
    acc4 = _seg_kernel(_N1, _E1)(y4, src1, dst1)
    x1uc = _comb(acc4, y4, dinv1, b4r)

    xu = _up(x1uc, 32)
    y5 = _prep_add(hb, xu, W5.T, dinv0)
    acc5 = _seg_kernel(_N0, _E0)(y5, src0, dst0)
    return _comb_fc2(acc5, y5, dinv0, b5r, W_fc2.T, b_fc2.reshape(1, 2))

# --- scband reference (transcript-rebuilt; emitter-appended) ---
"""Pipeline reference for scband-net-multi-11390253269727 (READ-ONLY COPY).

The authoritative reference and input builder live on the scoring server;
editing this copy changes nothing except your own understanding.
"""

import jax, jax.numpy as jnp
import numpy as np

N0 = 32768
N1 = 8192
N2 = 2048
n_x = 128
n_y = 256


def gcn_conv(x, edge_index, W, b, num_nodes):
    # PyG GCNConv: linear transform, add self-loops, symmetric deg^-1/2 norm, scatter-add to dst
    xw = x @ W.T
    loop = jnp.arange(num_nodes, dtype=edge_index.dtype)
    src = jnp.concatenate([edge_index[0], loop])
    dst = jnp.concatenate([edge_index[1], loop])
    ones = jnp.ones(src.shape[0], dtype=x.dtype)
    deg = jax.ops.segment_sum(ones, dst, num_segments=num_nodes)
    dinv = jnp.where(deg > 0, 1.0 / jnp.sqrt(deg), 0.0)
    norm = dinv[src] * dinv[dst]
    msg = xw[src] * norm[:, None]
    out = jax.ops.segment_sum(msg, dst, num_segments=num_nodes)
    return out + b


def upsample(x, dim, channels, scale):
    # faithful port of the torch helper: transpose, repeated 1D nearest upsample with
    # channel-doubling reinterpretation, transpose back
    x = x.T
    for _ in range(dim):
        x = x.reshape(channels, -1)
        x = jnp.repeat(x, scale, axis=1)
        channels = channels * 2
    return x.T


def setup_inputs(seed: int = 0):
    key = jax.random.key(seed)
    ks = jax.random.split(key, 24)
    inp = {}
    inp["x"] = jax.random.normal(ks[0], (N0, 4), dtype=jnp.float32)
    inp["edge_index0"] = jax.random.randint(ks[1], (2, 131072), 0, N0, dtype=jnp.int32)
    inp["edge_index1"] = jax.random.randint(ks[2], (2, 32768), 0, N1, dtype=jnp.int32)
    inp["edge_index2"] = jax.random.randint(ks[3], (2, 8192), 0, N2, dtype=jnp.int32)
    inp["W_fc1"] = jax.random.normal(ks[4], (32, 4), dtype=jnp.float32) * 0.3
    inp["b_fc1"] = jnp.zeros((32,), dtype=jnp.float32)
    inp["W1"] = jax.random.normal(ks[5], (32, 32), dtype=jnp.float32) * 0.15
    inp["b1"] = jnp.zeros((32,), dtype=jnp.float32)
    inp["W2"] = jax.random.normal(ks[6], (32, 32), dtype=jnp.float32) * 0.15
    inp["b2"] = jnp.zeros((32,), dtype=jnp.float32)
    inp["W3"] = jax.random.normal(ks[7], (32, 32), dtype=jnp.float32) * 0.15
    inp["b3"] = jnp.zeros((32,), dtype=jnp.float32)
    inp["W4"] = jax.random.normal(ks[8], (32, 32), dtype=jnp.float32) * 0.15
    inp["b4"] = jnp.zeros((32,), dtype=jnp.float32)
    inp["W5"] = jax.random.normal(ks[9], (32, 32), dtype=jnp.float32) * 0.15
    inp["b5"] = jnp.zeros((32,), dtype=jnp.float32)
    inp["W_fc2"] = jax.random.normal(ks[10], (2, 32), dtype=jnp.float32) * 0.15
    inp["b_fc2"] = jnp.zeros((2,), dtype=jnp.float32)
    return inp


def reference(x, edge_index0, edge_index1, edge_index2, W_fc1, b_fc1, W1, b1, W2, b2, W3, b3, W4, b4, W5, b5, W_fc2, b_fc2):
    h = jax.nn.relu(x @ W_fc1.T + b_fc1)
    h = jax.nn.relu(gcn_conv(h, edge_index0, W1, b1, N0))
    x1 = h.reshape(n_x, n_y, 32)[::2, ::2, :].reshape(-1, 32)
    x1 = jax.nn.relu(gcn_conv(x1, edge_index1, W2, b2, N1))
    x2 = x1.reshape(n_x // 2, n_y // 2, 32)[::2, ::2, :].reshape(-1, 32)
    x2 = jax.nn.relu(gcn_conv(x2, edge_index2, W3, b3, N2))
    x2_up = upsample(x2, 2, 32, 2).reshape(-1, 32)
    x1_up = x1 + x2_up
    x1_up = jax.nn.relu(gcn_conv(x1_up, edge_index1, W4, b4, N1))
    x_up = upsample(x1_up, 2, 32, 2).reshape(-1, 32)
    h = h + x_up
    h = jax.nn.relu(gcn_conv(h, edge_index0, W5, b5, N0))
    return h @ W_fc2.T + b_fc2

if __name__ == "__main__":
    import jax
    _d = setup_inputs()
    print(jax.jit(kernel)(*tuple(_d.values())))

</pallas_src>

<mosaic_0001>
#map = affine_map<(d0, d1) -> (0, 0)>
#map1 = affine_map<(d0, d1) -> (0, 0, 0)>
module attributes {stable_mosaic.version = 14 : i64} {
  func.func @seg(%arg0: i32, %arg1: i32, %arg2: memref<32768x32xf32, #tpu.memory_space<hbm>>, %arg3: memref<32x32x128xi32, #tpu.memory_space<hbm>>, %arg4: memref<32x32x128xi32, #tpu.memory_space<hbm>>, %arg5: memref<2x32768x32xf32, #tpu.memory_space<hbm>>, %arg6: memref<32x128xi32, #tpu.memory_space<vmem>>, %arg7: memref<32x128xi32, #tpu.memory_space<vmem>>, %arg8: memref<128x32xf32, #tpu.memory_space<vmem>>, %arg9: memref<128x32xf32, #tpu.memory_space<vmem>>, %arg10: memref<32768x32xf32, #tpu.memory_space<vmem_shared>>, %arg11: memref<!tpu.dma_semaphore, #tpu.memory_space<semaphore_mem>>) attributes {dimension_semantics = [#tpu.dimension_semantics<core_parallel>, #tpu.dimension_semantics<subcore_parallel>], iteration_bounds = array<i64: 2, 16>, scalar_prefetch = 0 : i64, scratch_operands = 6 : i64, tpu.core_type = #tpu.core_type<sc_vector_subcore>, window_params = [{transform_indices = #map}, {transform_indices = #map1}, {transform_indices = #map1}, {transform_indices = #map1}]} {
    %mul3A = arith.constant 16 : i32
    %mul3A_0 = arith.muli %arg0, %mul3A : i32
    %add3A = arith.addi %mul3A_0, %arg1 : i32
    %broadcast_in_dim3A = arith.constant 0.000000e+00 : f32
    %broadcast_in_dim3A_1 = vector.broadcast %broadcast_in_dim3A : f32 to vector<16xf32>
    %scan3A = arith.constant 0 : i32
    %scan3A_2 = arith.constant 0 : i32
    %scan3A_3 = arith.constant 128 : i32
    %scan3A_4 = arith.addi %scan3A_2, %scan3A_3 : i32
    %scan3A_5 = arith.constant 1 : i32
    %scan3A_6 = scf.for %scan3A_32 = %scan3A_2 to %scan3A_4 step %scan3A_5 iter_args(%scan3A_33 = %scan3A) -> (i32)  : i32 {
      %swap3A = arith.index_cast %scan3A_32 : i32 to index
      %swap3A_34 = arith.constant 0 : index
      %swap3A_35 = tpu.vector_load %arg9[%swap3A, %swap3A_34] {strides = array<i32>} : memref<128x32xf32, #tpu.memory_space<vmem>>, vector<1x16xf32>,
      %swap3A_36 = vector.shape_cast %swap3A_35 : vector<1x16xf32> to vector<16xf32>
      %swap3A_37 = vector.shape_cast %broadcast_in_dim3A_1 : vector<16xf32> to vector<1x16xf32>
      tpu.vector_store %arg9[%swap3A, %swap3A_34], %swap3A_37 {strides = array<i32>} : memref<128x32xf32, #tpu.memory_space<vmem>>, vector<1x16xf32>,
      %swap3A_38 = arith.index_cast %scan3A_32 : i32 to index
      %swap3A_39 = arith.constant 16 : index
      %swap3A_40 = tpu.vector_load %arg9[%swap3A_38, %swap3A_39] {strides = array<i32>} : memref<128x32xf32, #tpu.memory_space<vmem>>, vector<1x16xf32>,
      %swap3A_41 = vector.shape_cast %swap3A_40 : vector<1x16xf32> to vector<16xf32>
      %swap3A_42 = vector.shape_cast %broadcast_in_dim3A_1 : vector<16xf32> to vector<1x16xf32>
      tpu.vector_store %arg9[%swap3A_38, %swap3A_39], %swap3A_42 {strides = array<i32>} : memref<128x32xf32, #tpu.memory_space<vmem>>, vector<1x16xf32>,
      %scan3A_43 = arith.constant 0 : i32
      scf.yield %scan3A_43 : i32
    }
    %scan3A_7 = arith.constant 128 : i32
    %mul3A_8 = arith.constant 2048 : i32
    %mul3A_9 = arith.muli %arg1, %mul3A_8 : i32
    %scan3A_10 = arith.constant 0 : i32
    %scan3A_11 = arith.constant 0 : i32
    %scan3A_12 = arith.constant 16 : i32
    %scan3A_13 = arith.addi %scan3A_11, %scan3A_12 : i32
    %scan3A_14 = arith.constant 1 : i32
    %scan3A_15 = scf.for %scan3A_32 = %scan3A_11 to %scan3A_13 step %scan3A_14 iter_args(%scan3A_33 = %scan3A_10) -> (i32)  : i32 {
      %mul3A_34 = arith.constant 128 : i32
      %mul3A_35 = arith.muli %scan3A_32, %mul3A_34 : i32
      %add3A_36 = arith.addi %mul3A_9, %mul3A_35 : i32
      "tpu.region"() ({
        %run_scoped3A = tpu.sem_alloc : memref<!tpu.dma_semaphore, #tpu.memory_space<semaphore_mem>>
        %dma_start3A = arith.constant 0 : i32
        %dma_start3A_38 = tpu.memref_slice %arg10[%add3A_36, %dma_start3A] : memref<32768x32xf32, #tpu.memory_space<vmem_shared>> -> memref<128x32xf32, #tpu.memory_space<vmem_shared>>
        %dma_start3A_39 = arith.constant 0 : i32
        %dma_start3A_40 = tpu.memref_slice %arg10[%add3A_36, %dma_start3A_39] : memref<32768x32xf32, #tpu.memory_space<vmem_shared>> -> memref<128x32xf32, #tpu.memory_space<vmem_shared>>
        tpu.enqueue_dma source(%arg9 : memref<128x32xf32, #tpu.memory_space<vmem>>) target(%dma_start3A_40 : memref<128x32xf32, #tpu.memory_space<vmem_shared>>) target_semaphore(%run_scoped3A : memref<!tpu.dma_semaphore, #tpu.memory_space<semaphore_mem>>)
        %dma_wait3A = arith.constant 0 : i32
        %dma_wait3A_41 = tpu.memref_slice %arg10[%add3A_36, %dma_wait3A] : memref<32768x32xf32, #tpu.memory_space<vmem_shared>> -> memref<128x32xf32, #tpu.memory_space<vmem_shared>>
        %dma_wait3A_42 = arith.constant 0 : i32
        %dma_wait3A_43 = tpu.memref_slice %arg10[%add3A_36, %dma_wait3A_42] : memref<32768x32xf32, #tpu.memory_space<vmem_shared>> -> memref<128x32xf32, #tpu.memory_space<vmem_shared>>
        tpu.wait_dma2 semaphore(%run_scoped3A : memref<!tpu.dma_semaphore, #tpu.memory_space<semaphore_mem>>) src(%arg9 : memref<128x32xf32, #tpu.memory_space<vmem>>) dst(%dma_wait3A_43 : memref<128x32xf32, #tpu.memory_space<vmem_shared>>)
        tpu.yield
      }) : () -> ()
      %scan3A_37 = arith.constant 0 : i32
      scf.yield %scan3A_37 : i32
    }
    %scan3A_16 = arith.constant 16 : i32
    "tpu.region"() ({
      %run_scoped3A = tpu.sem_alloc : memref<!tpu.dma_semaphore, #tpu.memory_space<semaphore_mem>>
      %dma_start3A = arith.constant 0 : i32
      %dma_start3A_32 = arith.constant 0 : i32
      %dma_start3A_33 = tpu.memref_slice %arg3[%add3A, %dma_start3A, %dma_start3A_32] : memref<32x32x128xi32, #tpu.memory_space<hbm>> -> memref<1x32x128xi32, #tpu.memory_space<hbm>>
      %dma_start3A_34 = tpu.memref_squeeze %dma_start3A_33 : memref<1x32x128xi32, #tpu.memory_space<hbm>> -> memref<32x128xi32, #tpu.memory_space<hbm>>
      %dma_start3A_35 = arith.constant 0 : i32
      %dma_start3A_36 = arith.constant 0 : i32
      %dma_start3A_37 = tpu.memref_slice %arg3[%add3A, %dma_start3A_35, %dma_start3A_36] : memref<32x32x128xi32, #tpu.memory_space<hbm>> -> memref<1x32x128xi32, #tpu.memory_space<hbm>>
      %dma_start3A_38 = tpu.memref_squeeze %dma_start3A_37 : memref<1x32x128xi32, #tpu.memory_space<hbm>> -> memref<32x128xi32, #tpu.memory_space<hbm>>
      tpu.enqueue_dma source(%dma_start3A_38 : memref<32x128xi32, #tpu.memory_space<hbm>>) target(%arg6 : memref<32x128xi32, #tpu.memory_space<vmem>>) target_semaphore(%run_scoped3A : memref<!tpu.dma_semaphore, #tpu.memory_space<semaphore_mem>>)
      %dma_wait3A = arith.constant 0 : i32
      %dma_wait3A_39 = arith.constant 0 : i32
      %dma_wait3A_40 = tpu.memref_slice %arg3[%add3A, %dma_wait3A, %dma_wait3A_39] : memref<32x32x128xi32, #tpu.memory_space<hbm>> -> memref<1x32x128xi32, #tpu.memory_space<hbm>>
      %dma_wait3A_41 = tpu.memref_squeeze %dma_wait3A_40 : memref<1x32x128xi32, #tpu.memory_space<hbm>> -> memref<32x128xi32, #tpu.memory_space<hbm>>
      %dma_wait3A_42 = arith.constant 0 : i32
      %dma_wait3A_43 = arith.constant 0 : i32
      %dma_wait3A_44 = tpu.memref_slice %arg3[%add3A, %dma_wait3A_42, %dma_wait3A_43] : memref<32x32x128xi32, #tpu.memory_space<hbm>> -> memref<1x32x128xi32, #tpu.memory_space<hbm>>
      %dma_wait3A_45 = tpu.memref_squeeze %dma_wait3A_44 : memref<1x32x128xi32, #tpu.memory_space<hbm>> -> memref<32x128xi32, #tpu.memory_space<hbm>>
      tpu.wait_dma2 semaphore(%run_scoped3A : memref<!tpu.dma_semaphore, #tpu.memory_space<semaphore_mem>>) src(%dma_wait3A_45 : memref<32x128xi32, #tpu.memory_space<hbm>>) dst(%arg6 : memref<32x128xi32, #tpu.memory_space<vmem>>)
      tpu.yield
    }) : () -> ()
    "tpu.region"() ({
      %run_scoped3A = tpu.sem_alloc : memref<!tpu.dma_semaphore, #tpu.memory_space<semaphore_mem>>
      %dma_start3A = arith.constant 0 : i32
      %dma_start3A_32 = arith.constant 0 : i32
      %dma_start3A_33 = tpu.memref_slice %arg4[%add3A, %dma_start3A, %dma_start3A_32] : memref<32x32x128xi32, #tpu.memory_space<hbm>> -> memref<1x32x128xi32, #tpu.memory_space<hbm>>
      %dma_start3A_34 = tpu.memref_squeeze %dma_start3A_33 : memref<1x32x128xi32, #tpu.memory_space<hbm>> -> memref<32x128xi32, #tpu.memory_space<hbm>>
      %dma_start3A_35 = arith.constant 0 : i32
      %dma_start3A_36 = arith.constant 0 : i32
      %dma_start3A_37 = tpu.memref_slice %arg4[%add3A, %dma_start3A_35, %dma_start3A_36] : memref<32x32x128xi32, #tpu.memory_space<hbm>> -> memref<1x32x128xi32, #tpu.memory_space<hbm>>
      %dma_start3A_38 = tpu.memref_squeeze %dma_start3A_37 : memref<1x32x128xi32, #tpu.memory_space<hbm>> -> memref<32x128xi32, #tpu.memory_space<hbm>>
      tpu.enqueue_dma source(%dma_start3A_38 : memref<32x128xi32, #tpu.memory_space<hbm>>) target(%arg7 : memref<32x128xi32, #tpu.memory_space<vmem>>) target_semaphore(%run_scoped3A : memref<!tpu.dma_semaphore, #tpu.memory_space<semaphore_mem>>)
      %dma_wait3A = arith.constant 0 : i32
      %dma_wait3A_39 = arith.constant 0 : i32
      %dma_wait3A_40 = tpu.memref_slice %arg4[%add3A, %dma_wait3A, %dma_wait3A_39] : memref<32x32x128xi32, #tpu.memory_space<hbm>> -> memref<1x32x128xi32, #tpu.memory_space<hbm>>
      %dma_wait3A_41 = tpu.memref_squeeze %dma_wait3A_40 : memref<1x32x128xi32, #tpu.memory_space<hbm>> -> memref<32x128xi32, #tpu.memory_space<hbm>>
      %dma_wait3A_42 = arith.constant 0 : i32
      %dma_wait3A_43 = arith.constant 0 : i32
      %dma_wait3A_44 = tpu.memref_slice %arg4[%add3A, %dma_wait3A_42, %dma_wait3A_43] : memref<32x32x128xi32, #tpu.memory_space<hbm>> -> memref<1x32x128xi32, #tpu.memory_space<hbm>>
      %dma_wait3A_45 = tpu.memref_squeeze %dma_wait3A_44 : memref<1x32x128xi32, #tpu.memory_space<hbm>> -> memref<32x128xi32, #tpu.memory_space<hbm>>
      tpu.wait_dma2 semaphore(%run_scoped3A : memref<!tpu.dma_semaphore, #tpu.memory_space<semaphore_mem>>) src(%dma_wait3A_45 : memref<32x128xi32, #tpu.memory_space<hbm>>) dst(%arg7 : memref<32x128xi32, #tpu.memory_space<vmem>>)
      tpu.yield
    }) : () -> ()
    %barrier3A = arith.constant 0 : index
    tpu.barrier barrier_id(%barrier3A)
    %scan3A_17 = arith.constant 0 : i32
    %scan3A_18 = arith.constant 0 : i32
    %scan3A_19 = arith.constant 32 : i32
    %scan3A_20 = arith.addi %scan3A_18, %scan3A_19 : i32
    %scan3A_21 = arith.constant 1 : i32
    %scan3A_22 = scf.for %scan3A_32 = %scan3A_18 to %scan3A_20 step %scan3A_21 iter_args(%scan3A_33 = %scan3A_17) -> (i32)  : i32 {
      %dma_start3A = arith.constant 0 : i32
      %dma_start3A_34 = tpu.memref_slice %arg6[%scan3A_32, %dma_start3A] : memref<32x128xi32, #tpu.memory_space<vmem>> -> memref<1x128xi32, #tpu.memory_space<vmem>>
      %dma_start3A_35 = tpu.memref_squeeze %dma_start3A_34 : memref<1x128xi32, #tpu.memory_space<vmem>> -> memref<128xi32, #tpu.memory_space<vmem>>
      %dma_start3A_36 = arith.constant 0 : i32
      %dma_start3A_37 = arith.constant 0 : i32
      %dma_start3A_38 = tpu.memref_slice %arg2[%dma_start3A_36, %dma_start3A_37] : memref<32768x32xf32, #tpu.memory_space<hbm>> -> memref<32768x32xf32, #tpu.memory_space<hbm>>
      tpu.enqueue_indirect_dma source(%dma_start3A_38 : memref<32768x32xf32, #tpu.memory_space<hbm>>) target(%arg8 : memref<128x32xf32, #tpu.memory_space<vmem>>) offsets(%dma_start3A_35 : memref<128xi32, #tpu.memory_space<vmem>>) semaphore(%arg11 : memref<!tpu.dma_semaphore, #tpu.memory_space<semaphore_mem>>)
      %dma_wait3A = arith.constant 0 : i32
      %dma_wait3A_39 = tpu.memref_slice %arg6[%scan3A_32, %dma_wait3A] : memref<32x128xi32, #tpu.memory_space<vmem>> -> memref<1x128xi32, #tpu.memory_space<vmem>>
      %dma_wait3A_40 = tpu.memref_squeeze %dma_wait3A_39 : memref<1x128xi32, #tpu.memory_space<vmem>> -> memref<128xi32, #tpu.memory_space<vmem>>
      %dma_wait3A_41 = arith.constant 0 : i32
      %dma_wait3A_42 = arith.constant 0 : i32
      %dma_wait3A_43 = tpu.memref_slice %arg2[%dma_wait3A_41, %dma_wait3A_42] : memref<32768x32xf32, #tpu.memory_space<hbm>> -> memref<32768x32xf32, #tpu.memory_space<hbm>>
      tpu.wait_indirect_dma semaphore(%arg11 : memref<!tpu.dma_semaphore, #tpu.memory_space<semaphore_mem>>) src(%dma_wait3A_43 : memref<32768x32xf32, #tpu.memory_space<hbm>>) dst(%arg8 : memref<128x32xf32, #tpu.memory_space<vmem>>)
      "tpu.region"() ({
        %run_scoped3A = tpu.sem_alloc : memref<!tpu.dma_semaphore, #tpu.memory_space<semaphore_mem>>
        %dma_start3A_45 = arith.constant 0 : i32
        %dma_start3A_46 = tpu.memref_slice %arg7[%scan3A_32, %dma_start3A_45] : memref<32x128xi32, #tpu.memory_space<vmem>> -> memref<1x128xi32, #tpu.memory_space<vmem>>
        %dma_start3A_47 = tpu.memref_squeeze %dma_start3A_46 : memref<1x128xi32, #tpu.memory_space<vmem>> -> memref<128xi32, #tpu.memory_space<vmem>>
        %dma_start3A_48 = arith.constant 0 : i32
        %dma_start3A_49 = arith.constant 0 : i32
        %dma_start3A_50 = tpu.memref_slice %arg10[%dma_start3A_48, %dma_start3A_49] : memref<32768x32xf32, #tpu.memory_space<vmem_shared>> -> memref<32768x32xf32, #tpu.memory_space<vmem_shared>>
        tpu.enqueue_indirect_dma source(%arg8 : memref<128x32xf32, #tpu.memory_space<vmem>>) target(%dma_start3A_50 : memref<32768x32xf32, #tpu.memory_space<vmem_shared>>) offsets(%dma_start3A_47 : memref<128xi32, #tpu.memory_space<vmem>>) semaphore(%run_scoped3A : memref<!tpu.dma_semaphore, #tpu.memory_space<semaphore_mem>>) {add = true}
        %dma_wait3A_51 = arith.constant 0 : i32
        %dma_wait3A_52 = tpu.memref_slice %arg7[%scan3A_32, %dma_wait3A_51] : memref<32x128xi32, #tpu.memory_space<vmem>> -> memref<1x128xi32, #tpu.memory_space<vmem>>
        %dma_wait3A_53 = tpu.memref_squeeze %dma_wait3A_52 : memref<1x128xi32, #tpu.memory_space<vmem>> -> memref<128xi32, #tpu.memory_space<vmem>>
        %dma_wait3A_54 = arith.constant 0 : i32
        %dma_wait3A_55 = arith.constant 0 : i32
        %dma_wait3A_56 = tpu.memref_slice %arg10[%dma_wait3A_54, %dma_wait3A_55] : memref<32768x32xf32, #tpu.memory_space<vmem_shared>> -> memref<32768x32xf32, #tpu.memory_space<vmem_shared>>
        tpu.wait_indirect_dma semaphore(%run_scoped3A : memref<!tpu.dma_semaphore, #tpu.memory_space<semaphore_mem>>) src(%arg8 : memref<128x32xf32, #tpu.memory_space<vmem>>) dst(%dma_wait3A_56 : memref<32768x32xf32, #tpu.memory_space<vmem_shared>>)
        tpu.yield
      }) : () -> ()
      %scan3A_44 = arith.constant 0 : i32
      scf.yield %scan3A_44 : i32
    }
    %scan3A_23 = arith.constant 32 : i32
    %barrier3A_24 = arith.constant 0 : index
    tpu.barrier barrier_id(%barrier3A_24)
    %scan3A_25 = arith.constant 0 : i32
    %scan3A_26 = arith.constant 0 : i32
    %scan3A_27 = arith.constant 16 : i32
    %scan3A_28 = arith.addi %scan3A_26, %scan3A_27 : i32
    %scan3A_29 = arith.constant 1 : i32
    %scan3A_30 = scf.for %scan3A_32 = %scan3A_26 to %scan3A_28 step %scan3A_29 iter_args(%scan3A_33 = %scan3A_25) -> (i32)  : i32 {
      %mul3A_34 = arith.constant 128 : i32
      %mul3A_35 = arith.muli %scan3A_32, %mul3A_34 : i32
      %add3A_36 = arith.addi %mul3A_9, %mul3A_35 : i32
      %mul3A_37 = arith.constant 128 : i32
      %mul3A_38 = arith.muli %scan3A_32, %mul3A_37 : i32
      %add3A_39 = arith.addi %mul3A_9, %mul3A_38 : i32
      "tpu.region"() ({
        %run_scoped3A = tpu.sem_alloc : memref<!tpu.dma_semaphore, #tpu.memory_space<semaphore_mem>>
        %dma_start3A = arith.constant 0 : i32
        %dma_start3A_41 = tpu.memref_slice %arg5[%arg0, %add3A_39, %dma_start3A] : memref<2x32768x32xf32, #tpu.memory_space<hbm>> -> memref<1x128x32xf32, #tpu.memory_space<hbm>>
        %dma_start3A_42 = tpu.memref_squeeze %dma_start3A_41 : memref<1x128x32xf32, #tpu.memory_space<hbm>> -> memref<128x32xf32, #tpu.memory_space<hbm>>
        %dma_start3A_43 = arith.constant 0 : i32
        %dma_start3A_44 = tpu.memref_slice %arg10[%add3A_36, %dma_start3A_43] : memref<32768x32xf32, #tpu.memory_space<vmem_shared>> -> memref<128x32xf32, #tpu.memory_space<vmem_shared>>
        tpu.enqueue_dma source(%dma_start3A_44 : memref<128x32xf32, #tpu.memory_space<vmem_shared>>) target(%dma_start3A_42 : memref<128x32xf32, #tpu.memory_space<hbm>>) target_semaphore(%run_scoped3A : memref<!tpu.dma_semaphore, #tpu.memory_space<semaphore_mem>>)
        %dma_wait3A = arith.constant 0 : i32
        %dma_wait3A_45 = tpu.memref_slice %arg5[%arg0, %add3A_39, %dma_wait3A] : memref<2x32768x32xf32, #tpu.memory_space<hbm>> -> memref<1x128x32xf32, #tpu.memory_space<hbm>>
        %dma_wait3A_46 = tpu.memref_squeeze %dma_wait3A_45 : memref<1x128x32xf32, #tpu.memory_space<hbm>> -> memref<128x32xf32, #tpu.memory_space<hbm>>
        %dma_wait3A_47 = arith.constant 0 : i32
        %dma_wait3A_48 = tpu.memref_slice %arg10[%add3A_36, %dma_wait3A_47] : memref<32768x32xf32, #tpu.memory_space<vmem_shared>> -> memref<128x32xf32, #tpu.memory_space<vmem_shared>>
        tpu.wait_dma2 semaphore(%run_scoped3A : memref<!tpu.dma_semaphore, #tpu.memory_space<semaphore_mem>>) src(%dma_wait3A_48 : memref<128x32xf32, #tpu.memory_space<vmem_shared>>) dst(%dma_wait3A_46 : memref<128x32xf32, #tpu.memory_space<hbm>>)
        tpu.yield
      }) : () -> ()
      %scan3A_40 = arith.constant 0 : i32
      scf.yield %scan3A_40 : i32
    }
    %scan3A_31 = arith.constant 16 : i32
    return
  }
}

#map = affine_map<(d0, d1) -> (0, 0, 0)>
module attributes {stable_mosaic.version = 14 : i64} {
  func.func @deg(%arg0: i32, %arg1: i32, %arg2: memref<32x42x128xi32, #tpu.memory_space<hbm>>, %arg3: memref<2x43008x16xf32, #tpu.memory_space<hbm>>, %arg4: memref<42x128xi32, #tpu.memory_space<vmem>>, %arg5: memref<128x16xf32, #tpu.memory_space<vmem>>, %arg6: memref<128x16xf32, #tpu.memory_space<vmem>>, %arg7: memref<43008x16xf32, #tpu.memory_space<vmem_shared>>) attributes {dimension_semantics = [#tpu.dimension_semantics<core_parallel>, #tpu.dimension_semantics<subcore_parallel>], iteration_bounds = array<i64: 2, 16>, scalar_prefetch = 0 : i64, scratch_operands = 4 : i64, tpu.core_type = #tpu.core_type<sc_vector_subcore>, window_params = [{transform_indices = #map}, {transform_indices = #map}]} {
    %mul3A = arith.constant 16 : i32
    %mul3A_0 = arith.muli %arg0, %mul3A : i32
    %add3A = arith.addi %mul3A_0, %arg1 : i32
    %broadcast_in_dim3A = arith.constant 1.000000e+00 : f32
    %broadcast_in_dim3A_1 = vector.broadcast %broadcast_in_dim3A : f32 to vector<16xf32>
    %broadcast_in_dim3A_2 = arith.constant 0.000000e+00 : f32
    %broadcast_in_dim3A_3 = vector.broadcast %broadcast_in_dim3A_2 : f32 to vector<16xf32>
    %scan3A = arith.constant 0 : i32
    %scan3A_4 = arith.constant 0 : i32
    %scan3A_5 = arith.constant 128 : i32
    %scan3A_6 = arith.addi %scan3A_4, %scan3A_5 : i32
    %scan3A_7 = arith.constant 1 : i32
    %scan3A_8 = scf.for %scan3A_34 = %scan3A_4 to %scan3A_6 step %scan3A_7 iter_args(%scan3A_35 = %scan3A) -> (i32)  : i32 {
      %swap3A = arith.index_cast %scan3A_34 : i32 to index
      %swap3A_36 = arith.constant 0 : index
      %swap3A_37 = tpu.vector_load %arg5[%swap3A, %swap3A_36] {strides = array<i32>} : memref<128x16xf32, #tpu.memory_space<vmem>>, vector<1x16xf32>,
      %swap3A_38 = vector.shape_cast %swap3A_37 : vector<1x16xf32> to vector<16xf32>
      %swap3A_39 = vector.shape_cast %broadcast_in_dim3A_1 : vector<16xf32> to vector<1x16xf32>
      tpu.vector_store %arg5[%swap3A, %swap3A_36], %swap3A_39 {strides = array<i32>} : memref<128x16xf32, #tpu.memory_space<vmem>>, vector<1x16xf32>,
      %swap3A_40 = arith.index_cast %scan3A_34 : i32 to index
      %swap3A_41 = arith.constant 0 : index
      %swap3A_42 = tpu.vector_load %arg6[%swap3A_40, %swap3A_41] {strides = array<i32>} : memref<128x16xf32, #tpu.memory_space<vmem>>, vector<1x16xf32>,
      %swap3A_43 = vector.shape_cast %swap3A_42 : vector<1x16xf32> to vector<16xf32>
      %swap3A_44 = vector.shape_cast %broadcast_in_dim3A_3 : vector<16xf32> to vector<1x16xf32>
      tpu.vector_store %arg6[%swap3A_40, %swap3A_41], %swap3A_44 {strides = array<i32>} : memref<128x16xf32, #tpu.memory_space<vmem>>, vector<1x16xf32>,
      %scan3A_45 = arith.constant 0 : i32
      scf.yield %scan3A_45 : i32
    }
    %scan3A_9 = arith.constant 128 : i32
    %mul3A_10 = arith.constant 2688 : i32
    %mul3A_11 = arith.muli %arg1, %mul3A_10 : i32
    %scan3A_12 = arith.constant 0 : i32
    %scan3A_13 = arith.constant 0 : i32
    %scan3A_14 = arith.constant 21 : i32
    %scan3A_15 = arith.addi %scan3A_13, %scan3A_14 : i32
    %scan3A_16 = arith.constant 1 : i32
    %scan3A_17 = scf.for %scan3A_34 = %scan3A_13 to %scan3A_15 step %scan3A_16 iter_args(%scan3A_35 = %scan3A_12) -> (i32)  : i32 {
      %mul3A_36 = arith.constant 128 : i32
      %mul3A_37 = arith.muli %scan3A_34, %mul3A_36 : i32
      %add3A_38 = arith.addi %mul3A_11, %mul3A_37 : i32
      "tpu.region"() ({
        %run_scoped3A = tpu.sem_alloc : memref<!tpu.dma_semaphore, #tpu.memory_space<semaphore_mem>>
        %dma_start3A = arith.constant 0 : i32
        %dma_start3A_40 = tpu.memref_slice %arg7[%add3A_38, %dma_start3A] : memref<43008x16xf32, #tpu.memory_space<vmem_shared>> -> memref<128x16xf32, #tpu.memory_space<vmem_shared>>
        %dma_start3A_41 = arith.constant 0 : i32
        %dma_start3A_42 = tpu.memref_slice %arg7[%add3A_38, %dma_start3A_41] : memref<43008x16xf32, #tpu.memory_space<vmem_shared>> -> memref<128x16xf32, #tpu.memory_space<vmem_shared>>
        tpu.enqueue_dma source(%arg6 : memref<128x16xf32, #tpu.memory_space<vmem>>) target(%dma_start3A_42 : memref<128x16xf32, #tpu.memory_space<vmem_shared>>) target_semaphore(%run_scoped3A : memref<!tpu.dma_semaphore, #tpu.memory_space<semaphore_mem>>)
        %dma_wait3A = arith.constant 0 : i32
        %dma_wait3A_43 = tpu.memref_slice %arg7[%add3A_38, %dma_wait3A] : memref<43008x16xf32, #tpu.memory_space<vmem_shared>> -> memref<128x16xf32, #tpu.memory_space<vmem_shared>>
        %dma_wait3A_44 = arith.constant 0 : i32
        %dma_wait3A_45 = tpu.memref_slice %arg7[%add3A_38, %dma_wait3A_44] : memref<43008x16xf32, #tpu.memory_space<vmem_shared>> -> memref<128x16xf32, #tpu.memory_space<vmem_shared>>
        tpu.wait_dma2 semaphore(%run_scoped3A : memref<!tpu.dma_semaphore, #tpu.memory_space<semaphore_mem>>) src(%arg6 : memref<128x16xf32, #tpu.memory_space<vmem>>) dst(%dma_wait3A_45 : memref<128x16xf32, #tpu.memory_space<vmem_shared>>)
        tpu.yield
      }) : () -> ()
      %scan3A_39 = arith.constant 0 : i32
      scf.yield %scan3A_39 : i32
    }
    %scan3A_18 = arith.constant 21 : i32
    "tpu.region"() ({
      %run_scoped3A = tpu.sem_alloc : memref<!tpu.dma_semaphore, #tpu.memory_space<semaphore_mem>>
      %dma_start3A = arith.constant 0 : i32
      %dma_start3A_34 = arith.constant 0 : i32
      %dma_start3A_35 = tpu.memref_slice %arg2[%add3A, %dma_start3A, %dma_start3A_34] : memref<32x42x128xi32, #tpu.memory_space<hbm>> -> memref<1x42x128xi32, #tpu.memory_space<hbm>>
      %dma_start3A_36 = tpu.memref_squeeze %dma_start3A_35 : memref<1x42x128xi32, #tpu.memory_space<hbm>> -> memref<42x128xi32, #tpu.memory_space<hbm>>
      %dma_start3A_37 = arith.constant 0 : i32
      %dma_start3A_38 = arith.constant 0 : i32
      %dma_start3A_39 = tpu.memref_slice %arg2[%add3A, %dma_start3A_37, %dma_start3A_38] : memref<32x42x128xi32, #tpu.memory_space<hbm>> -> memref<1x42x128xi32, #tpu.memory_space<hbm>>
      %dma_start3A_40 = tpu.memref_squeeze %dma_start3A_39 : memref<1x42x128xi32, #tpu.memory_space<hbm>> -> memref<42x128xi32, #tpu.memory_space<hbm>>
      tpu.enqueue_dma source(%dma_start3A_40 : memref<42x128xi32, #tpu.memory_space<hbm>>) target(%arg4 : memref<42x128xi32, #tpu.memory_space<vmem>>) target_semaphore(%run_scoped3A : memref<!tpu.dma_semaphore, #tpu.memory_space<semaphore_mem>>)
      %dma_wait3A = arith.constant 0 : i32
      %dma_wait3A_41 = arith.constant 0 : i32
      %dma_wait3A_42 = tpu.memref_slice %arg2[%add3A, %dma_wait3A, %dma_wait3A_41] : memref<32x42x128xi32, #tpu.memory_space<hbm>> -> memref<1x42x128xi32, #tpu.memory_space<hbm>>
      %dma_wait3A_43 = tpu.memref_squeeze %dma_wait3A_42 : memref<1x42x128xi32, #tpu.memory_space<hbm>> -> memref<42x128xi32, #tpu.memory_space<hbm>>
      %dma_wait3A_44 = arith.constant 0 : i32
      %dma_wait3A_45 = arith.constant 0 : i32
      %dma_wait3A_46 = tpu.memref_slice %arg2[%add3A, %dma_wait3A_44, %dma_wait3A_45] : memref<32x42x128xi32, #tpu.memory_space<hbm>> -> memref<1x42x128xi32, #tpu.memory_space<hbm>>
      %dma_wait3A_47 = tpu.memref_squeeze %dma_wait3A_46 : memref<1x42x128xi32, #tpu.memory_space<hbm>> -> memref<42x128xi32, #tpu.memory_space<hbm>>
      tpu.wait_dma2 semaphore(%run_scoped3A : memref<!tpu.dma_semaphore, #tpu.memory_space<semaphore_mem>>) src(%dma_wait3A_47 : memref<42x128xi32, #tpu.memory_space<hbm>>) dst(%arg4 : memref<42x128xi32, #tpu.memory_space<vmem>>)
      tpu.yield
    }) : () -> ()
    %barrier3A = arith.constant 0 : index
    tpu.barrier barrier_id(%barrier3A)
    %scan3A_19 = arith.constant 0 : i32
    %scan3A_20 = arith.constant 0 : i32
    %scan3A_21 = arith.constant 42 : i32
    %scan3A_22 = arith.addi %scan3A_20, %scan3A_21 : i32
    %scan3A_23 = arith.constant 1 : i32
    %scan3A_24 = scf.for %scan3A_34 = %scan3A_20 to %scan3A_22 step %scan3A_23 iter_args(%scan3A_35 = %scan3A_19) -> (i32)  : i32 {
      "tpu.region"() ({
        %run_scoped3A = tpu.sem_alloc : memref<!tpu.dma_semaphore, #tpu.memory_space<semaphore_mem>>
        %dma_start3A = arith.constant 0 : i32
        %dma_start3A_37 = tpu.memref_slice %arg4[%scan3A_34, %dma_start3A] : memref<42x128xi32, #tpu.memory_space<vmem>> -> memref<1x128xi32, #tpu.memory_space<vmem>>
        %dma_start3A_38 = tpu.memref_squeeze %dma_start3A_37 : memref<1x128xi32, #tpu.memory_space<vmem>> -> memref<128xi32, #tpu.memory_space<vmem>>
        %dma_start3A_39 = arith.constant 0 : i32
        %dma_start3A_40 = arith.constant 0 : i32
        %dma_start3A_41 = tpu.memref_slice %arg7[%dma_start3A_39, %dma_start3A_40] : memref<43008x16xf32, #tpu.memory_space<vmem_shared>> -> memref<43008x16xf32, #tpu.memory_space<vmem_shared>>
        tpu.enqueue_indirect_dma source(%arg5 : memref<128x16xf32, #tpu.memory_space<vmem>>) target(%dma_start3A_41 : memref<43008x16xf32, #tpu.memory_space<vmem_shared>>) offsets(%dma_start3A_38 : memref<128xi32, #tpu.memory_space<vmem>>) semaphore(%run_scoped3A : memref<!tpu.dma_semaphore, #tpu.memory_space<semaphore_mem>>) {add = true}
        %dma_wait3A = arith.constant 0 : i32
        %dma_wait3A_42 = tpu.memref_slice %arg4[%scan3A_34, %dma_wait3A] : memref<42x128xi32, #tpu.memory_space<vmem>> -> memref<1x128xi32, #tpu.memory_space<vmem>>
        %dma_wait3A_43 = tpu.memref_squeeze %dma_wait3A_42 : memref<1x128xi32, #tpu.memory_space<vmem>> -> memref<128xi32, #tpu.memory_space<vmem>>
        %dma_wait3A_44 = arith.constant 0 : i32
        %dma_wait3A_45 = arith.constant 0 : i32
        %dma_wait3A_46 = tpu.memref_slice %arg7[%dma_wait3A_44, %dma_wait3A_45] : memref<43008x16xf32, #tpu.memory_space<vmem_shared>> -> memref<43008x16xf32, #tpu.memory_space<vmem_shared>>
        tpu.wait_indirect_dma semaphore(%run_scoped3A : memref<!tpu.dma_semaphore, #tpu.memory_space<semaphore_mem>>) src(%arg5 : memref<128x16xf32, #tpu.memory_space<vmem>>) dst(%dma_wait3A_46 : memref<43008x16xf32, #tpu.memory_space<vmem_shared>>)
        tpu.yield
      }) : () -> ()
      %scan3A_36 = arith.constant 0 : i32
      scf.yield %scan3A_36 : i32
    }
    %scan3A_25 = arith.constant 42 : i32
    %barrier3A_26 = arith.constant 0 : index
    tpu.barrier barrier_id(%barrier3A_26)
    %scan3A_27 = arith.constant 0 : i32
    %scan3A_28 = arith.constant 0 : i32
    %scan3A_29 = arith.constant 21 : i32
    %scan3A_30 = arith.addi %scan3A_28, %scan3A_29 : i32
    %scan3A_31 = arith.constant 1 : i32
    %scan3A_32 = scf.for %scan3A_34 = %scan3A_28 to %scan3A_30 step %scan3A_31 iter_args(%scan3A_35 = %scan3A_27) -> (i32)  : i32 {
      %mul3A_36 = arith.constant 128 : i32
      %mul3A_37 = arith.muli %scan3A_34, %mul3A_36 : i32
      %add3A_38 = arith.addi %mul3A_11, %mul3A_37 : i32
      %mul3A_39 = arith.constant 128 : i32
      %mul3A_40 = arith.muli %scan3A_34, %mul3A_39 : i32
      %add3A_41 = arith.addi %mul3A_11, %mul3A_40 : i32
      "tpu.region"() ({
        %run_scoped3A = tpu.sem_alloc : memref<!tpu.dma_semaphore, #tpu.memory_space<semaphore_mem>>
        %dma_start3A = arith.constant 0 : i32
        %dma_start3A_43 = tpu.memref_slice %arg3[%arg0, %add3A_41, %dma_start3A] : memref<2x43008x16xf32, #tpu.memory_space<hbm>> -> memref<1x128x16xf32, #tpu.memory_space<hbm>>
        %dma_start3A_44 = tpu.memref_squeeze %dma_start3A_43 : memref<1x128x16xf32, #tpu.memory_space<hbm>> -> memref<128x16xf32, #tpu.memory_space<hbm>>
        %dma_start3A_45 = arith.constant 0 : i32
        %dma_start3A_46 = tpu.memref_slice %arg7[%add3A_38, %dma_start3A_45] : memref<43008x16xf32, #tpu.memory_space<vmem_shared>> -> memref<128x16xf32, #tpu.memory_space<vmem_shared>>
        tpu.enqueue_dma source(%dma_start3A_46 : memref<128x16xf32, #tpu.memory_space<vmem_shared>>) target(%dma_start3A_44 : memref<128x16xf32, #tpu.memory_space<hbm>>) target_semaphore(%run_scoped3A : memref<!tpu.dma_semaphore, #tpu.memory_space<semaphore_mem>>)
        %dma_wait3A = arith.constant 0 : i32
        %dma_wait3A_47 = tpu.memref_slice %arg3[%arg0, %add3A_41, %dma_wait3A] : memref<2x43008x16xf32, #tpu.memory_space<hbm>> -> memref<1x128x16xf32, #tpu.memory_space<hbm>>
        %dma_wait3A_48 = tpu.memref_squeeze %dma_wait3A_47 : memref<1x128x16xf32, #tpu.memory_space<hbm>> -> memref<128x16xf32, #tpu.memory_space<hbm>>
        %dma_wait3A_49 = arith.constant 0 : i32
        %dma_wait3A_50 = tpu.memref_slice %arg7[%add3A_38, %dma_wait3A_49] : memref<43008x16xf32, #tpu.memory_space<vmem_shared>> -> memref<128x16xf32, #tpu.memory_space<vmem_shared>>
        tpu.wait_dma2 semaphore(%run_scoped3A : memref<!tpu.dma_semaphore, #tpu.memory_space<semaphore_mem>>) src(%dma_wait3A_50 : memref<128x16xf32, #tpu.memory_space<vmem_shared>>) dst(%dma_wait3A_48 : memref<128x16xf32, #tpu.memory_space<hbm>>)
        tpu.yield
      }) : () -> ()
      %scan3A_42 = arith.constant 0 : i32
      scf.yield %scan3A_42 : i32
    }
    %scan3A_33 = arith.constant 21 : i32
    return
  }
}

#map = affine_map<(d0, d1) -> (0, 0)>
#map1 = affine_map<(d0, d1) -> (0, 0, 0)>
module attributes {stable_mosaic.version = 14 : i64} {
  func.func @seg(%arg0: i32, %arg1: i32, %arg2: memref<2048x32xf32, #tpu.memory_space<hbm>>, %arg3: memref<32x2x128xi32, #tpu.memory_space<hbm>>, %arg4: memref<32x2x128xi32, #tpu.memory_space<hbm>>, %arg5: memref<2x2048x32xf32, #tpu.memory_space<hbm>>, %arg6: memref<2x128xi32, #tpu.memory_space<vmem>>, %arg7: memref<2x128xi32, #tpu.memory_space<vmem>>, %arg8: memref<128x32xf32, #tpu.memory_space<vmem>>, %arg9: memref<128x32xf32, #tpu.memory_space<vmem>>, %arg10: memref<2048x32xf32, #tpu.memory_space<vmem_shared>>, %arg11: memref<!tpu.dma_semaphore, #tpu.memory_space<semaphore_mem>>) attributes {dimension_semantics = [#tpu.dimension_semantics<core_parallel>, #tpu.dimension_semantics<subcore_parallel>], iteration_bounds = array<i64: 2, 16>, scalar_prefetch = 0 : i64, scratch_operands = 6 : i64, tpu.core_type = #tpu.core_type<sc_vector_subcore>, window_params = [{transform_indices = #map}, {transform_indices = #map1}, {transform_indices = #map1}, {transform_indices = #map1}]} {
    %mul3A = arith.constant 16 : i32
    %mul3A_0 = arith.muli %arg0, %mul3A : i32
    %add3A = arith.addi %mul3A_0, %arg1 : i32
    %broadcast_in_dim3A = arith.constant 0.000000e+00 : f32
    %broadcast_in_dim3A_1 = vector.broadcast %broadcast_in_dim3A : f32 to vector<16xf32>
    %scan3A = arith.constant 0 : i32
    %scan3A_2 = arith.constant 0 : i32
    %scan3A_3 = arith.constant 128 : i32
    %scan3A_4 = arith.addi %scan3A_2, %scan3A_3 : i32
    %scan3A_5 = arith.constant 1 : i32
    %scan3A_6 = scf.for %scan3A_35 = %scan3A_2 to %scan3A_4 step %scan3A_5 iter_args(%scan3A_36 = %scan3A) -> (i32)  : i32 {
      %swap3A = arith.index_cast %scan3A_35 : i32 to index
      %swap3A_37 = arith.constant 0 : index
      %swap3A_38 = tpu.vector_load %arg9[%swap3A, %swap3A_37] {strides = array<i32>} : memref<128x32xf32, #tpu.memory_space<vmem>>, vector<1x16xf32>,
      %swap3A_39 = vector.shape_cast %swap3A_38 : vector<1x16xf32> to vector<16xf32>
      %swap3A_40 = vector.shape_cast %broadcast_in_dim3A_1 : vector<16xf32> to vector<1x16xf32>
      tpu.vector_store %arg9[%swap3A, %swap3A_37], %swap3A_40 {strides = array<i32>} : memref<128x32xf32, #tpu.memory_space<vmem>>, vector<1x16xf32>,
      %swap3A_41 = arith.index_cast %scan3A_35 : i32 to index
      %swap3A_42 = arith.constant 16 : index
      %swap3A_43 = tpu.vector_load %arg9[%swap3A_41, %swap3A_42] {strides = array<i32>} : memref<128x32xf32, #tpu.memory_space<vmem>>, vector<1x16xf32>,
      %swap3A_44 = vector.shape_cast %swap3A_43 : vector<1x16xf32> to vector<16xf32>
      %swap3A_45 = vector.shape_cast %broadcast_in_dim3A_1 : vector<16xf32> to vector<1x16xf32>
      tpu.vector_store %arg9[%swap3A_41, %swap3A_42], %swap3A_45 {strides = array<i32>} : memref<128x32xf32, #tpu.memory_space<vmem>>, vector<1x16xf32>,
      %scan3A_46 = arith.constant 0 : i32
      scf.yield %scan3A_46 : i32
    }
    %scan3A_7 = arith.constant 128 : i32
    %mul3A_8 = arith.constant 128 : i32
    %mul3A_9 = arith.muli %arg1, %mul3A_8 : i32
    %scan3A_10 = arith.constant 0 : i32
    %scan3A_11 = arith.constant 0 : i32
    %mul3A_12 = arith.constant 128 : i32
    %mul3A_13 = arith.muli %scan3A_11, %mul3A_12 : i32
    %add3A_14 = arith.addi %mul3A_9, %mul3A_13 : i32
    "tpu.region"() ({
      %run_scoped3A = tpu.sem_alloc : memref<!tpu.dma_semaphore, #tpu.memory_space<semaphore_mem>>
      %dma_start3A = arith.constant 0 : i32
      %dma_start3A_35 = tpu.memref_slice %arg10[%add3A_14, %dma_start3A] : memref<2048x32xf32, #tpu.memory_space<vmem_shared>> -> memref<128x32xf32, #tpu.memory_space<vmem_shared>>
      %dma_start3A_36 = arith.constant 0 : i32
      %dma_start3A_37 = tpu.memref_slice %arg10[%add3A_14, %dma_start3A_36] : memref<2048x32xf32, #tpu.memory_space<vmem_shared>> -> memref<128x32xf32, #tpu.memory_space<vmem_shared>>
      tpu.enqueue_dma source(%arg9 : memref<128x32xf32, #tpu.memory_space<vmem>>) target(%dma_start3A_37 : memref<128x32xf32, #tpu.memory_space<vmem_shared>>) target_semaphore(%run_scoped3A : memref<!tpu.dma_semaphore, #tpu.memory_space<semaphore_mem>>)
      %dma_wait3A = arith.constant 0 : i32
      %dma_wait3A_38 = tpu.memref_slice %arg10[%add3A_14, %dma_wait3A] : memref<2048x32xf32, #tpu.memory_space<vmem_shared>> -> memref<128x32xf32, #tpu.memory_space<vmem_shared>>
      %dma_wait3A_39 = arith.constant 0 : i32
      %dma_wait3A_40 = tpu.memref_slice %arg10[%add3A_14, %dma_wait3A_39] : memref<2048x32xf32, #tpu.memory_space<vmem_shared>> -> memref<128x32xf32, #tpu.memory_space<vmem_shared>>
      tpu.wait_dma2 semaphore(%run_scoped3A : memref<!tpu.dma_semaphore, #tpu.memory_space<semaphore_mem>>) src(%arg9 : memref<128x32xf32, #tpu.memory_space<vmem>>) dst(%dma_wait3A_40 : memref<128x32xf32, #tpu.memory_space<vmem_shared>>)
      tpu.yield
    }) : () -> ()
    %scan3A_15 = arith.constant 0 : i32
    %scan3A_16 = arith.constant 1 : i32
    "tpu.region"() ({
      %run_scoped3A = tpu.sem_alloc : memref<!tpu.dma_semaphore, #tpu.memory_space<semaphore_mem>>
      %dma_start3A = arith.constant 0 : i32
      %dma_start3A_35 = arith.constant 0 : i32
      %dma_start3A_36 = tpu.memref_slice %arg3[%add3A, %dma_start3A, %dma_start3A_35] : memref<32x2x128xi32, #tpu.memory_space<hbm>> -> memref<1x2x128xi32, #tpu.memory_space<hbm>>
      %dma_start3A_37 = tpu.memref_squeeze %dma_start3A_36 : memref<1x2x128xi32, #tpu.memory_space<hbm>> -> memref<2x128xi32, #tpu.memory_space<hbm>>
      %dma_start3A_38 = arith.constant 0 : i32
      %dma_start3A_39 = arith.constant 0 : i32
      %dma_start3A_40 = tpu.memref_slice %arg3[%add3A, %dma_start3A_38, %dma_start3A_39] : memref<32x2x128xi32, #tpu.memory_space<hbm>> -> memref<1x2x128xi32, #tpu.memory_space<hbm>>
      %dma_start3A_41 = tpu.memref_squeeze %dma_start3A_40 : memref<1x2x128xi32, #tpu.memory_space<hbm>> -> memref<2x128xi32, #tpu.memory_space<hbm>>
      tpu.enqueue_dma source(%dma_start3A_41 : memref<2x128xi32, #tpu.memory_space<hbm>>) target(%arg6 : memref<2x128xi32, #tpu.memory_space<vmem>>) target_semaphore(%run_scoped3A : memref<!tpu.dma_semaphore, #tpu.memory_space<semaphore_mem>>)
      %dma_wait3A = arith.constant 0 : i32
      %dma_wait3A_42 = arith.constant 0 : i32
      %dma_wait3A_43 = tpu.memref_slice %arg3[%add3A, %dma_wait3A, %dma_wait3A_42] : memref<32x2x128xi32, #tpu.memory_space<hbm>> -> memref<1x2x128xi32, #tpu.memory_space<hbm>>
      %dma_wait3A_44 = tpu.memref_squeeze %dma_wait3A_43 : memref<1x2x128xi32, #tpu.memory_space<hbm>> -> memref<2x128xi32, #tpu.memory_space<hbm>>
      %dma_wait3A_45 = arith.constant 0 : i32
      %dma_wait3A_46 = arith.constant 0 : i32
      %dma_wait3A_47 = tpu.memref_slice %arg3[%add3A, %dma_wait3A_45, %dma_wait3A_46] : memref<32x2x128xi32, #tpu.memory_space<hbm>> -> memref<1x2x128xi32, #tpu.memory_space<hbm>>
      %dma_wait3A_48 = tpu.memref_squeeze %dma_wait3A_47 : memref<1x2x128xi32, #tpu.memory_space<hbm>> -> memref<2x128xi32, #tpu.memory_space<hbm>>
      tpu.wait_dma2 semaphore(%run_scoped3A : memref<!tpu.dma_semaphore, #tpu.memory_space<semaphore_mem>>) src(%dma_wait3A_48 : memref<2x128xi32, #tpu.memory_space<hbm>>) dst(%arg6 : memref<2x128xi32, #tpu.memory_space<vmem>>)
      tpu.yield
    }) : () -> ()
    "tpu.region"() ({
      %run_scoped3A = tpu.sem_alloc : memref<!tpu.dma_semaphore, #tpu.memory_space<semaphore_mem>>
      %dma_start3A = arith.constant 0 : i32
      %dma_start3A_35 = arith.constant 0 : i32
      %dma_start3A_36 = tpu.memref_slice %arg4[%add3A, %dma_start3A, %dma_start3A_35] : memref<32x2x128xi32, #tpu.memory_space<hbm>> -> memref<1x2x128xi32, #tpu.memory_space<hbm>>
      %dma_start3A_37 = tpu.memref_squeeze %dma_start3A_36 : memref<1x2x128xi32, #tpu.memory_space<hbm>> -> memref<2x128xi32, #tpu.memory_space<hbm>>
      %dma_start3A_38 = arith.constant 0 : i32
      %dma_start3A_39 = arith.constant 0 : i32
      %dma_start3A_40 = tpu.memref_slice %arg4[%add3A, %dma_start3A_38, %dma_start3A_39] : memref<32x2x128xi32, #tpu.memory_space<hbm>> -> memref<1x2x128xi32, #tpu.memory_space<hbm>>
      %dma_start3A_41 = tpu.memref_squeeze %dma_start3A_40 : memref<1x2x128xi32, #tpu.memory_space<hbm>> -> memref<2x128xi32, #tpu.memory_space<hbm>>
      tpu.enqueue_dma source(%dma_start3A_41 : memref<2x128xi32, #tpu.memory_space<hbm>>) target(%arg7 : memref<2x128xi32, #tpu.memory_space<vmem>>) target_semaphore(%run_scoped3A : memref<!tpu.dma_semaphore, #tpu.memory_space<semaphore_mem>>)
      %dma_wait3A = arith.constant 0 : i32
      %dma_wait3A_42 = arith.constant 0 : i32
      %dma_wait3A_43 = tpu.memref_slice %arg4[%add3A, %dma_wait3A, %dma_wait3A_42] : memref<32x2x128xi32, #tpu.memory_space<hbm>> -> memref<1x2x128xi32, #tpu.memory_space<hbm>>
      %dma_wait3A_44 = tpu.memref_squeeze %dma_wait3A_43 : memref<1x2x128xi32, #tpu.memory_space<hbm>> -> memref<2x128xi32, #tpu.memory_space<hbm>>
      %dma_wait3A_45 = arith.constant 0 : i32
      %dma_wait3A_46 = arith.constant 0 : i32
      %dma_wait3A_47 = tpu.memref_slice %arg4[%add3A, %dma_wait3A_45, %dma_wait3A_46] : memref<32x2x128xi32, #tpu.memory_space<hbm>> -> memref<1x2x128xi32, #tpu.memory_space<hbm>>
      %dma_wait3A_48 = tpu.memref_squeeze %dma_wait3A_47 : memref<1x2x128xi32, #tpu.memory_space<hbm>> -> memref<2x128xi32, #tpu.memory_space<hbm>>
      tpu.wait_dma2 semaphore(%run_scoped3A : memref<!tpu.dma_semaphore, #tpu.memory_space<semaphore_mem>>) src(%dma_wait3A_48 : memref<2x128xi32, #tpu.memory_space<hbm>>) dst(%arg7 : memref<2x128xi32, #tpu.memory_space<vmem>>)
      tpu.yield
    }) : () -> ()
    %barrier3A = arith.constant 0 : index
    tpu.barrier barrier_id(%barrier3A)
    %scan3A_17 = arith.constant 0 : i32
    %scan3A_18 = arith.constant 0 : i32
    %scan3A_19 = arith.constant 2 : i32
    %scan3A_20 = arith.addi %scan3A_18, %scan3A_19 : i32
    %scan3A_21 = arith.constant 1 : i32
    %scan3A_22 = scf.for %scan3A_35 = %scan3A_18 to %scan3A_20 step %scan3A_21 iter_args(%scan3A_36 = %scan3A_17) -> (i32)  : i32 {
      %dma_start3A = arith.constant 0 : i32
      %dma_start3A_37 = tpu.memref_slice %arg6[%scan3A_35, %dma_start3A] : memref<2x128xi32, #tpu.memory_space<vmem>> -> memref<1x128xi32, #tpu.memory_space<vmem>>
      %dma_start3A_38 = tpu.memref_squeeze %dma_start3A_37 : memref<1x128xi32, #tpu.memory_space<vmem>> -> memref<128xi32, #tpu.memory_space<vmem>>
      %dma_start3A_39 = arith.constant 0 : i32
      %dma_start3A_40 = arith.constant 0 : i32
      %dma_start3A_41 = tpu.memref_slice %arg2[%dma_start3A_39, %dma_start3A_40] : memref<2048x32xf32, #tpu.memory_space<hbm>> -> memref<2048x32xf32, #tpu.memory_space<hbm>>
      tpu.enqueue_indirect_dma source(%dma_start3A_41 : memref<2048x32xf32, #tpu.memory_space<hbm>>) target(%arg8 : memref<128x32xf32, #tpu.memory_space<vmem>>) offsets(%dma_start3A_38 : memref<128xi32, #tpu.memory_space<vmem>>) semaphore(%arg11 : memref<!tpu.dma_semaphore, #tpu.memory_space<semaphore_mem>>)
      %dma_wait3A = arith.constant 0 : i32
      %dma_wait3A_42 = tpu.memref_slice %arg6[%scan3A_35, %dma_wait3A] : memref<2x128xi32, #tpu.memory_space<vmem>> -> memref<1x128xi32, #tpu.memory_space<vmem>>
      %dma_wait3A_43 = tpu.memref_squeeze %dma_wait3A_42 : memref<1x128xi32, #tpu.memory_space<vmem>> -> memref<128xi32, #tpu.memory_space<vmem>>
      %dma_wait3A_44 = arith.constant 0 : i32
      %dma_wait3A_45 = arith.constant 0 : i32
      %dma_wait3A_46 = tpu.memref_slice %arg2[%dma_wait3A_44, %dma_wait3A_45] : memref<2048x32xf32, #tpu.memory_space<hbm>> -> memref<2048x32xf32, #tpu.memory_space<hbm>>
      tpu.wait_indirect_dma semaphore(%arg11 : memref<!tpu.dma_semaphore, #tpu.memory_space<semaphore_mem>>) src(%dma_wait3A_46 : memref<2048x32xf32, #tpu.memory_space<hbm>>) dst(%arg8 : memref<128x32xf32, #tpu.memory_space<vmem>>)
      "tpu.region"() ({
        %run_scoped3A = tpu.sem_alloc : memref<!tpu.dma_semaphore, #tpu.memory_space<semaphore_mem>>
        %dma_start3A_48 = arith.constant 0 : i32
        %dma_start3A_49 = tpu.memref_slice %arg7[%scan3A_35, %dma_start3A_48] : memref<2x128xi32, #tpu.memory_space<vmem>> -> memref<1x128xi32, #tpu.memory_space<vmem>>
        %dma_start3A_50 = tpu.memref_squeeze %dma_start3A_49 : memref<1x128xi32, #tpu.memory_space<vmem>> -> memref<128xi32, #tpu.memory_space<vmem>>
        %dma_start3A_51 = arith.constant 0 : i32
        %dma_start3A_52 = arith.constant 0 : i32
        %dma_start3A_53 = tpu.memref_slice %arg10[%dma_start3A_51, %dma_start3A_52] : memref<2048x32xf32, #tpu.memory_space<vmem_shared>> -> memref<2048x32xf32, #tpu.memory_space<vmem_shared>>
        tpu.enqueue_indirect_dma source(%arg8 : memref<128x32xf32, #tpu.memory_space<vmem>>) target(%dma_start3A_53 : memref<2048x32xf32, #tpu.memory_space<vmem_shared>>) offsets(%dma_start3A_50 : memref<128xi32, #tpu.memory_space<vmem>>) semaphore(%run_scoped3A : memref<!tpu.dma_semaphore, #tpu.memory_space<semaphore_mem>>) {add = true}
        %dma_wait3A_54 = arith.constant 0 : i32
        %dma_wait3A_55 = tpu.memref_slice %arg7[%scan3A_35, %dma_wait3A_54] : memref<2x128xi32, #tpu.memory_space<vmem>> -> memref<1x128xi32, #tpu.memory_space<vmem>>
        %dma_wait3A_56 = tpu.memref_squeeze %dma_wait3A_55 : memref<1x128xi32, #tpu.memory_space<vmem>> -> memref<128xi32, #tpu.memory_space<vmem>>
        %dma_wait3A_57 = arith.constant 0 : i32
        %dma_wait3A_58 = arith.constant 0 : i32
        %dma_wait3A_59 = tpu.memref_slice %arg10[%dma_wait3A_57, %dma_wait3A_58] : memref<2048x32xf32, #tpu.memory_space<vmem_shared>> -> memref<2048x32xf32, #tpu.memory_space<vmem_shared>>
        tpu.wait_indirect_dma semaphore(%run_scoped3A : memref<!tpu.dma_semaphore, #tpu.memory_space<semaphore_mem>>) src(%arg8 : memref<128x32xf32, #tpu.memory_space<vmem>>) dst(%dma_wait3A_59 : memref<2048x32xf32, #tpu.memory_space<vmem_shared>>)
        tpu.yield
      }) : () -> ()
      %scan3A_47 = arith.constant 0 : i32
      scf.yield %scan3A_47 : i32
    }
    %scan3A_23 = arith.constant 2 : i32
    %barrier3A_24 = arith.constant 0 : index
    tpu.barrier barrier_id(%barrier3A_24)
    %scan3A_25 = arith.constant 0 : i32
    %scan3A_26 = arith.constant 0 : i32
    %mul3A_27 = arith.constant 128 : i32
    %mul3A_28 = arith.muli %scan3A_26, %mul3A_27 : i32
    %add3A_29 = arith.addi %mul3A_9, %mul3A_28 : i32
    %mul3A_30 = arith.constant 128 : i32
    %mul3A_31 = arith.muli %scan3A_26, %mul3A_30 : i32
    %add3A_32 = arith.addi %mul3A_9, %mul3A_31 : i32
    "tpu.region"() ({
      %run_scoped3A = tpu.sem_alloc : memref<!tpu.dma_semaphore, #tpu.memory_space<semaphore_mem>>
      %dma_start3A = arith.constant 0 : i32
      %dma_start3A_35 = tpu.memref_slice %arg5[%arg0, %add3A_32, %dma_start3A] : memref<2x2048x32xf32, #tpu.memory_space<hbm>> -> memref<1x128x32xf32, #tpu.memory_space<hbm>>
      %dma_start3A_36 = tpu.memref_squeeze %dma_start3A_35 : memref<1x128x32xf32, #tpu.memory_space<hbm>> -> memref<128x32xf32, #tpu.memory_space<hbm>>
      %dma_start3A_37 = arith.constant 0 : i32
      %dma_start3A_38 = tpu.memref_slice %arg10[%add3A_29, %dma_start3A_37] : memref<2048x32xf32, #tpu.memory_space<vmem_shared>> -> memref<128x32xf32, #tpu.memory_space<vmem_shared>>
      tpu.enqueue_dma source(%dma_start3A_38 : memref<128x32xf32, #tpu.memory_space<vmem_shared>>) target(%dma_start3A_36 : memref<128x32xf32, #tpu.memory_space<hbm>>) target_semaphore(%run_scoped3A : memref<!tpu.dma_semaphore, #tpu.memory_space<semaphore_mem>>)
      %dma_wait3A = arith.constant 0 : i32
      %dma_wait3A_39 = tpu.memref_slice %arg5[%arg0, %add3A_32, %dma_wait3A] : memref<2x2048x32xf32, #tpu.memory_space<hbm>> -> memref<1x128x32xf32, #tpu.memory_space<hbm>>
      %dma_wait3A_40 = tpu.memref_squeeze %dma_wait3A_39 : memref<1x128x32xf32, #tpu.memory_space<hbm>> -> memref<128x32xf32, #tpu.memory_space<hbm>>
      %dma_wait3A_41 = arith.constant 0 : i32
      %dma_wait3A_42 = tpu.memref_slice %arg10[%add3A_29, %dma_wait3A_41] : memref<2048x32xf32, #tpu.memory_space<vmem_shared>> -> memref<128x32xf32, #tpu.memory_space<vmem_shared>>
      tpu.wait_dma2 semaphore(%run_scoped3A : memref<!tpu.dma_semaphore, #tpu.memory_space<semaphore_mem>>) src(%dma_wait3A_42 : memref<128x32xf32, #tpu.memory_space<vmem_shared>>) dst(%dma_wait3A_40 : memref<128x32xf32, #tpu.memory_space<hbm>>)
      tpu.yield
    }) : () -> ()
    %scan3A_33 = arith.constant 0 : i32
    %scan3A_34 = arith.constant 1 : i32
    return
  }
}

#map = affine_map<(d0, d1) -> (0, 0)>
#map1 = affine_map<(d0, d1) -> (0, 0, 0)>
module attributes {stable_mosaic.version = 14 : i64} {
  func.func @seg(%arg0: i32, %arg1: i32, %arg2: memref<8192x32xf32, #tpu.memory_space<hbm>>, %arg3: memref<32x8x128xi32, #tpu.memory_space<hbm>>, %arg4: memref<32x8x128xi32, #tpu.memory_space<hbm>>, %arg5: memref<2x8192x32xf32, #tpu.memory_space<hbm>>, %arg6: memref<8x128xi32, #tpu.memory_space<vmem>>, %arg7: memref<8x128xi32, #tpu.memory_space<vmem>>, %arg8: memref<128x32xf32, #tpu.memory_space<vmem>>, %arg9: memref<128x32xf32, #tpu.memory_space<vmem>>, %arg10: memref<8192x32xf32, #tpu.memory_space<vmem_shared>>, %arg11: memref<!tpu.dma_semaphore, #tpu.memory_space<semaphore_mem>>) attributes {dimension_semantics = [#tpu.dimension_semantics<core_parallel>, #tpu.dimension_semantics<subcore_parallel>], iteration_bounds = array<i64: 2, 16>, scalar_prefetch = 0 : i64, scratch_operands = 6 : i64, tpu.core_type = #tpu.core_type<sc_vector_subcore>, window_params = [{transform_indices = #map}, {transform_indices = #map1}, {transform_indices = #map1}, {transform_indices = #map1}]} {
    %mul3A = arith.constant 16 : i32
    %mul3A_0 = arith.muli %arg0, %mul3A : i32
    %add3A = arith.addi %mul3A_0, %arg1 : i32
    %broadcast_in_dim3A = arith.constant 0.000000e+00 : f32
    %broadcast_in_dim3A_1 = vector.broadcast %broadcast_in_dim3A : f32 to vector<16xf32>
    %scan3A = arith.constant 0 : i32
    %scan3A_2 = arith.constant 0 : i32
    %scan3A_3 = arith.constant 128 : i32
    %scan3A_4 = arith.addi %scan3A_2, %scan3A_3 : i32
    %scan3A_5 = arith.constant 1 : i32
    %scan3A_6 = scf.for %scan3A_32 = %scan3A_2 to %scan3A_4 step %scan3A_5 iter_args(%scan3A_33 = %scan3A) -> (i32)  : i32 {
      %swap3A = arith.index_cast %scan3A_32 : i32 to index
      %swap3A_34 = arith.constant 0 : index
      %swap3A_35 = tpu.vector_load %arg9[%swap3A, %swap3A_34] {strides = array<i32>} : memref<128x32xf32, #tpu.memory_space<vmem>>, vector<1x16xf32>,
      %swap3A_36 = vector.shape_cast %swap3A_35 : vector<1x16xf32> to vector<16xf32>
      %swap3A_37 = vector.shape_cast %broadcast_in_dim3A_1 : vector<16xf32> to vector<1x16xf32>
      tpu.vector_store %arg9[%swap3A, %swap3A_34], %swap3A_37 {strides = array<i32>} : memref<128x32xf32, #tpu.memory_space<vmem>>, vector<1x16xf32>,
      %swap3A_38 = arith.index_cast %scan3A_32 : i32 to index
      %swap3A_39 = arith.constant 16 : index
      %swap3A_40 = tpu.vector_load %arg9[%swap3A_38, %swap3A_39] {strides = array<i32>} : memref<128x32xf32, #tpu.memory_space<vmem>>, vector<1x16xf32>,
      %swap3A_41 = vector.shape_cast %swap3A_40 : vector<1x16xf32> to vector<16xf32>
      %swap3A_42 = vector.shape_cast %broadcast_in_dim3A_1 : vector<16xf32> to vector<1x16xf32>
      tpu.vector_store %arg9[%swap3A_38, %swap3A_39], %swap3A_42 {strides = array<i32>} : memref<128x32xf32, #tpu.memory_space<vmem>>, vector<1x16xf32>,
      %scan3A_43 = arith.constant 0 : i32
      scf.yield %scan3A_43 : i32
    }
    %scan3A_7 = arith.constant 128 : i32
    %mul3A_8 = arith.constant 512 : i32
    %mul3A_9 = arith.muli %arg1, %mul3A_8 : i32
    %scan3A_10 = arith.constant 0 : i32
    %scan3A_11 = arith.constant 0 : i32
    %scan3A_12 = arith.constant 4 : i32
    %scan3A_13 = arith.addi %scan3A_11, %scan3A_12 : i32
    %scan3A_14 = arith.constant 1 : i32
    %scan3A_15 = scf.for %scan3A_32 = %scan3A_11 to %scan3A_13 step %scan3A_14 iter_args(%scan3A_33 = %scan3A_10) -> (i32)  : i32 {
      %mul3A_34 = arith.constant 128 : i32
      %mul3A_35 = arith.muli %scan3A_32, %mul3A_34 : i32
      %add3A_36 = arith.addi %mul3A_9, %mul3A_35 : i32
      "tpu.region"() ({
        %run_scoped3A = tpu.sem_alloc : memref<!tpu.dma_semaphore, #tpu.memory_space<semaphore_mem>>
        %dma_start3A = arith.constant 0 : i32
        %dma_start3A_38 = tpu.memref_slice %arg10[%add3A_36, %dma_start3A] : memref<8192x32xf32, #tpu.memory_space<vmem_shared>> -> memref<128x32xf32, #tpu.memory_space<vmem_shared>>
        %dma_start3A_39 = arith.constant 0 : i32
        %dma_start3A_40 = tpu.memref_slice %arg10[%add3A_36, %dma_start3A_39] : memref<8192x32xf32, #tpu.memory_space<vmem_shared>> -> memref<128x32xf32, #tpu.memory_space<vmem_shared>>
        tpu.enqueue_dma source(%arg9 : memref<128x32xf32, #tpu.memory_space<vmem>>) target(%dma_start3A_40 : memref<128x32xf32, #tpu.memory_space<vmem_shared>>) target_semaphore(%run_scoped3A : memref<!tpu.dma_semaphore, #tpu.memory_space<semaphore_mem>>)
        %dma_wait3A = arith.constant 0 : i32
        %dma_wait3A_41 = tpu.memref_slice %arg10[%add3A_36, %dma_wait3A] : memref<8192x32xf32, #tpu.memory_space<vmem_shared>> -> memref<128x32xf32, #tpu.memory_space<vmem_shared>>
        %dma_wait3A_42 = arith.constant 0 : i32
        %dma_wait3A_43 = tpu.memref_slice %arg10[%add3A_36, %dma_wait3A_42] : memref<8192x32xf32, #tpu.memory_space<vmem_shared>> -> memref<128x32xf32, #tpu.memory_space<vmem_shared>>
        tpu.wait_dma2 semaphore(%run_scoped3A : memref<!tpu.dma_semaphore, #tpu.memory_space<semaphore_mem>>) src(%arg9 : memref<128x32xf32, #tpu.memory_space<vmem>>) dst(%dma_wait3A_43 : memref<128x32xf32, #tpu.memory_space<vmem_shared>>)
        tpu.yield
      }) : () -> ()
      %scan3A_37 = arith.constant 0 : i32
      scf.yield %scan3A_37 : i32
    }
    %scan3A_16 = arith.constant 4 : i32
    "tpu.region"() ({
      %run_scoped3A = tpu.sem_alloc : memref<!tpu.dma_semaphore, #tpu.memory_space<semaphore_mem>>
      %dma_start3A = arith.constant 0 : i32
      %dma_start3A_32 = arith.constant 0 : i32
      %dma_start3A_33 = tpu.memref_slice %arg3[%add3A, %dma_start3A, %dma_start3A_32] : memref<32x8x128xi32, #tpu.memory_space<hbm>> -> memref<1x8x128xi32, #tpu.memory_space<hbm>>
      %dma_start3A_34 = tpu.memref_squeeze %dma_start3A_33 : memref<1x8x128xi32, #tpu.memory_space<hbm>> -> memref<8x128xi32, #tpu.memory_space<hbm>>
      %dma_start3A_35 = arith.constant 0 : i32
      %dma_start3A_36 = arith.constant 0 : i32
      %dma_start3A_37 = tpu.memref_slice %arg3[%add3A, %dma_start3A_35, %dma_start3A_36] : memref<32x8x128xi32, #tpu.memory_space<hbm>> -> memref<1x8x128xi32, #tpu.memory_space<hbm>>
      %dma_start3A_38 = tpu.memref_squeeze %dma_start3A_37 : memref<1x8x128xi32, #tpu.memory_space<hbm>> -> memref<8x128xi32, #tpu.memory_space<hbm>>
      tpu.enqueue_dma source(%dma_start3A_38 : memref<8x128xi32, #tpu.memory_space<hbm>>) target(%arg6 : memref<8x128xi32, #tpu.memory_space<vmem>>) target_semaphore(%run_scoped3A : memref<!tpu.dma_semaphore, #tpu.memory_space<semaphore_mem>>)
      %dma_wait3A = arith.constant 0 : i32
      %dma_wait3A_39 = arith.constant 0 : i32
      %dma_wait3A_40 = tpu.memref_slice %arg3[%add3A, %dma_wait3A, %dma_wait3A_39] : memref<32x8x128xi32, #tpu.memory_space<hbm>> -> memref<1x8x128xi32, #tpu.memory_space<hbm>>
      %dma_wait3A_41 = tpu.memref_squeeze %dma_wait3A_40 : memref<1x8x128xi32, #tpu.memory_space<hbm>> -> memref<8x128xi32, #tpu.memory_space<hbm>>
      %dma_wait3A_42 = arith.constant 0 : i32
      %dma_wait3A_43 = arith.constant 0 : i32
      %dma_wait3A_44 = tpu.memref_slice %arg3[%add3A, %dma_wait3A_42, %dma_wait3A_43] : memref<32x8x128xi32, #tpu.memory_space<hbm>> -> memref<1x8x128xi32, #tpu.memory_space<hbm>>
      %dma_wait3A_45 = tpu.memref_squeeze %dma_wait3A_44 : memref<1x8x128xi32, #tpu.memory_space<hbm>> -> memref<8x128xi32, #tpu.memory_space<hbm>>
      tpu.wait_dma2 semaphore(%run_scoped3A : memref<!tpu.dma_semaphore, #tpu.memory_space<semaphore_mem>>) src(%dma_wait3A_45 : memref<8x128xi32, #tpu.memory_space<hbm>>) dst(%arg6 : memref<8x128xi32, #tpu.memory_space<vmem>>)
      tpu.yield
    }) : () -> ()
    "tpu.region"() ({
      %run_scoped3A = tpu.sem_alloc : memref<!tpu.dma_semaphore, #tpu.memory_space<semaphore_mem>>
      %dma_start3A = arith.constant 0 : i32
      %dma_start3A_32 = arith.constant 0 : i32
      %dma_start3A_33 = tpu.memref_slice %arg4[%add3A, %dma_start3A, %dma_start3A_32] : memref<32x8x128xi32, #tpu.memory_space<hbm>> -> memref<1x8x128xi32, #tpu.memory_space<hbm>>
      %dma_start3A_34 = tpu.memref_squeeze %dma_start3A_33 : memref<1x8x128xi32, #tpu.memory_space<hbm>> -> memref<8x128xi32, #tpu.memory_space<hbm>>
      %dma_start3A_35 = arith.constant 0 : i32
      %dma_start3A_36 = arith.constant 0 : i32
      %dma_start3A_37 = tpu.memref_slice %arg4[%add3A, %dma_start3A_35, %dma_start3A_36] : memref<32x8x128xi32, #tpu.memory_space<hbm>> -> memref<1x8x128xi32, #tpu.memory_space<hbm>>
      %dma_start3A_38 = tpu.memref_squeeze %dma_start3A_37 : memref<1x8x128xi32, #tpu.memory_space<hbm>> -> memref<8x128xi32, #tpu.memory_space<hbm>>
      tpu.enqueue_dma source(%dma_start3A_38 : memref<8x128xi32, #tpu.memory_space<hbm>>) target(%arg7 : memref<8x128xi32, #tpu.memory_space<vmem>>) target_semaphore(%run_scoped3A : memref<!tpu.dma_semaphore, #tpu.memory_space<semaphore_mem>>)
      %dma_wait3A = arith.constant 0 : i32
      %dma_wait3A_39 = arith.constant 0 : i32
      %dma_wait3A_40 = tpu.memref_slice %arg4[%add3A, %dma_wait3A, %dma_wait3A_39] : memref<32x8x128xi32, #tpu.memory_space<hbm>> -> memref<1x8x128xi32, #tpu.memory_space<hbm>>
      %dma_wait3A_41 = tpu.memref_squeeze %dma_wait3A_40 : memref<1x8x128xi32, #tpu.memory_space<hbm>> -> memref<8x128xi32, #tpu.memory_space<hbm>>
      %dma_wait3A_42 = arith.constant 0 : i32
      %dma_wait3A_43 = arith.constant 0 : i32
      %dma_wait3A_44 = tpu.memref_slice %arg4[%add3A, %dma_wait3A_42, %dma_wait3A_43] : memref<32x8x128xi32, #tpu.memory_space<hbm>> -> memref<1x8x128xi32, #tpu.memory_space<hbm>>
      %dma_wait3A_45 = tpu.memref_squeeze %dma_wait3A_44 : memref<1x8x128xi32, #tpu.memory_space<hbm>> -> memref<8x128xi32, #tpu.memory_space<hbm>>
      tpu.wait_dma2 semaphore(%run_scoped3A : memref<!tpu.dma_semaphore, #tpu.memory_space<semaphore_mem>>) src(%dma_wait3A_45 : memref<8x128xi32, #tpu.memory_space<hbm>>) dst(%arg7 : memref<8x128xi32, #tpu.memory_space<vmem>>)
      tpu.yield
    }) : () -> ()
    %barrier3A = arith.constant 0 : index
    tpu.barrier barrier_id(%barrier3A)
    %scan3A_17 = arith.constant 0 : i32
    %scan3A_18 = arith.constant 0 : i32
    %scan3A_19 = arith.constant 8 : i32
    %scan3A_20 = arith.addi %scan3A_18, %scan3A_19 : i32
    %scan3A_21 = arith.constant 1 : i32
    %scan3A_22 = scf.for %scan3A_32 = %scan3A_18 to %scan3A_20 step %scan3A_21 iter_args(%scan3A_33 = %scan3A_17) -> (i32)  : i32 {
      %dma_start3A = arith.constant 0 : i32
      %dma_start3A_34 = tpu.memref_slice %arg6[%scan3A_32, %dma_start3A] : memref<8x128xi32, #tpu.memory_space<vmem>> -> memref<1x128xi32, #tpu.memory_space<vmem>>
      %dma_start3A_35 = tpu.memref_squeeze %dma_start3A_34 : memref<1x128xi32, #tpu.memory_space<vmem>> -> memref<128xi32, #tpu.memory_space<vmem>>
      %dma_start3A_36 = arith.constant 0 : i32
      %dma_start3A_37 = arith.constant 0 : i32
      %dma_start3A_38 = tpu.memref_slice %arg2[%dma_start3A_36, %dma_start3A_37] : memref<8192x32xf32, #tpu.memory_space<hbm>> -> memref<8192x32xf32, #tpu.memory_space<hbm>>
      tpu.enqueue_indirect_dma source(%dma_start3A_38 : memref<8192x32xf32, #tpu.memory_space<hbm>>) target(%arg8 : memref<128x32xf32, #tpu.memory_space<vmem>>) offsets(%dma_start3A_35 : memref<128xi32, #tpu.memory_space<vmem>>) semaphore(%arg11 : memref<!tpu.dma_semaphore, #tpu.memory_space<semaphore_mem>>)
      %dma_wait3A = arith.constant 0 : i32
      %dma_wait3A_39 = tpu.memref_slice %arg6[%scan3A_32, %dma_wait3A] : memref<8x128xi32, #tpu.memory_space<vmem>> -> memref<1x128xi32, #tpu.memory_space<vmem>>
      %dma_wait3A_40 = tpu.memref_squeeze %dma_wait3A_39 : memref<1x128xi32, #tpu.memory_space<vmem>> -> memref<128xi32, #tpu.memory_space<vmem>>
      %dma_wait3A_41 = arith.constant 0 : i32
      %dma_wait3A_42 = arith.constant 0 : i32
      %dma_wait3A_43 = tpu.memref_slice %arg2[%dma_wait3A_41, %dma_wait3A_42] : memref<8192x32xf32, #tpu.memory_space<hbm>> -> memref<8192x32xf32, #tpu.memory_space<hbm>>
      tpu.wait_indirect_dma semaphore(%arg11 : memref<!tpu.dma_semaphore, #tpu.memory_space<semaphore_mem>>) src(%dma_wait3A_43 : memref<8192x32xf32, #tpu.memory_space<hbm>>) dst(%arg8 : memref<128x32xf32, #tpu.memory_space<vmem>>)
      "tpu.region"() ({
        %run_scoped3A = tpu.sem_alloc : memref<!tpu.dma_semaphore, #tpu.memory_space<semaphore_mem>>
        %dma_start3A_45 = arith.constant 0 : i32
        %dma_start3A_46 = tpu.memref_slice %arg7[%scan3A_32, %dma_start3A_45] : memref<8x128xi32, #tpu.memory_space<vmem>> -> memref<1x128xi32, #tpu.memory_space<vmem>>
        %dma_start3A_47 = tpu.memref_squeeze %dma_start3A_46 : memref<1x128xi32, #tpu.memory_space<vmem>> -> memref<128xi32, #tpu.memory_space<vmem>>
        %dma_start3A_48 = arith.constant 0 : i32
        %dma_start3A_49 = arith.constant 0 : i32
        %dma_start3A_50 = tpu.memref_slice %arg10[%dma_start3A_48, %dma_start3A_49] : memref<8192x32xf32, #tpu.memory_space<vmem_shared>> -> memref<8192x32xf32, #tpu.memory_space<vmem_shared>>
        tpu.enqueue_indirect_dma source(%arg8 : memref<128x32xf32, #tpu.memory_space<vmem>>) target(%dma_start3A_50 : memref<8192x32xf32, #tpu.memory_space<vmem_shared>>) offsets(%dma_start3A_47 : memref<128xi32, #tpu.memory_space<vmem>>) semaphore(%run_scoped3A : memref<!tpu.dma_semaphore, #tpu.memory_space<semaphore_mem>>) {add = true}
        %dma_wait3A_51 = arith.constant 0 : i32
        %dma_wait3A_52 = tpu.memref_slice %arg7[%scan3A_32, %dma_wait3A_51] : memref<8x128xi32, #tpu.memory_space<vmem>> -> memref<1x128xi32, #tpu.memory_space<vmem>>
        %dma_wait3A_53 = tpu.memref_squeeze %dma_wait3A_52 : memref<1x128xi32, #tpu.memory_space<vmem>> -> memref<128xi32, #tpu.memory_space<vmem>>
        %dma_wait3A_54 = arith.constant 0 : i32
        %dma_wait3A_55 = arith.constant 0 : i32
        %dma_wait3A_56 = tpu.memref_slice %arg10[%dma_wait3A_54, %dma_wait3A_55] : memref<8192x32xf32, #tpu.memory_space<vmem_shared>> -> memref<8192x32xf32, #tpu.memory_space<vmem_shared>>
        tpu.wait_indirect_dma semaphore(%run_scoped3A : memref<!tpu.dma_semaphore, #tpu.memory_space<semaphore_mem>>) src(%arg8 : memref<128x32xf32, #tpu.memory_space<vmem>>) dst(%dma_wait3A_56 : memref<8192x32xf32, #tpu.memory_space<vmem_shared>>)
        tpu.yield
      }) : () -> ()
      %scan3A_44 = arith.constant 0 : i32
      scf.yield %scan3A_44 : i32
    }
    %scan3A_23 = arith.constant 8 : i32
    %barrier3A_24 = arith.constant 0 : index
    tpu.barrier barrier_id(%barrier3A_24)
    %scan3A_25 = arith.constant 0 : i32
    %scan3A_26 = arith.constant 0 : i32
    %scan3A_27 = arith.constant 4 : i32
    %scan3A_28 = arith.addi %scan3A_26, %scan3A_27 : i32
    %scan3A_29 = arith.constant 1 : i32
    %scan3A_30 = scf.for %scan3A_32 = %scan3A_26 to %scan3A_28 step %scan3A_29 iter_args(%scan3A_33 = %scan3A_25) -> (i32)  : i32 {
      %mul3A_34 = arith.constant 128 : i32
      %mul3A_35 = arith.muli %scan3A_32, %mul3A_34 : i32
      %add3A_36 = arith.addi %mul3A_9, %mul3A_35 : i32
      %mul3A_37 = arith.constant 128 : i32
      %mul3A_38 = arith.muli %scan3A_32, %mul3A_37 : i32
      %add3A_39 = arith.addi %mul3A_9, %mul3A_38 : i32
      "tpu.region"() ({
        %run_scoped3A = tpu.sem_alloc : memref<!tpu.dma_semaphore, #tpu.memory_space<semaphore_mem>>
        %dma_start3A = arith.constant 0 : i32
        %dma_start3A_41 = tpu.memref_slice %arg5[%arg0, %add3A_39, %dma_start3A] : memref<2x8192x32xf32, #tpu.memory_space<hbm>> -> memref<1x128x32xf32, #tpu.memory_space<hbm>>
        %dma_start3A_42 = tpu.memref_squeeze %dma_start3A_41 : memref<1x128x32xf32, #tpu.memory_space<hbm>> -> memref<128x32xf32, #tpu.memory_space<hbm>>
        %dma_start3A_43 = arith.constant 0 : i32
        %dma_start3A_44 = tpu.memref_slice %arg10[%add3A_36, %dma_start3A_43] : memref<8192x32xf32, #tpu.memory_space<vmem_shared>> -> memref<128x32xf32, #tpu.memory_space<vmem_shared>>
        tpu.enqueue_dma source(%dma_start3A_44 : memref<128x32xf32, #tpu.memory_space<vmem_shared>>) target(%dma_start3A_42 : memref<128x32xf32, #tpu.memory_space<hbm>>) target_semaphore(%run_scoped3A : memref<!tpu.dma_semaphore, #tpu.memory_space<semaphore_mem>>)
        %dma_wait3A = arith.constant 0 : i32
        %dma_wait3A_45 = tpu.memref_slice %arg5[%arg0, %add3A_39, %dma_wait3A] : memref<2x8192x32xf32, #tpu.memory_space<hbm>> -> memref<1x128x32xf32, #tpu.memory_space<hbm>>
        %dma_wait3A_46 = tpu.memref_squeeze %dma_wait3A_45 : memref<1x128x32xf32, #tpu.memory_space<hbm>> -> memref<128x32xf32, #tpu.memory_space<hbm>>
        %dma_wait3A_47 = arith.constant 0 : i32
        %dma_wait3A_48 = tpu.memref_slice %arg10[%add3A_36, %dma_wait3A_47] : memref<8192x32xf32, #tpu.memory_space<vmem_shared>> -> memref<128x32xf32, #tpu.memory_space<vmem_shared>>
        tpu.wait_dma2 semaphore(%run_scoped3A : memref<!tpu.dma_semaphore, #tpu.memory_space<semaphore_mem>>) src(%dma_wait3A_48 : memref<128x32xf32, #tpu.memory_space<vmem_shared>>) dst(%dma_wait3A_46 : memref<128x32xf32, #tpu.memory_space<hbm>>)
        tpu.yield
      }) : () -> ()
      %scan3A_40 = arith.constant 0 : i32
      scf.yield %scan3A_40 : i32
    }
    %scan3A_31 = arith.constant 4 : i32
    return
  }
}

#map = affine_map<(d0, d1) -> (0, 0)>
#map1 = affine_map<(d0, d1) -> (0, 0, 0)>
module attributes {stable_mosaic.version = 14 : i64} {
  func.func @seg(%arg0: i32, %arg1: i32, %arg2: memref<8192x32xf32, #tpu.memory_space<hbm>>, %arg3: memref<32x8x128xi32, #tpu.memory_space<hbm>>, %arg4: memref<32x8x128xi32, #tpu.memory_space<hbm>>, %arg5: memref<2x8192x32xf32, #tpu.memory_space<hbm>>, %arg6: memref<8x128xi32, #tpu.memory_space<vmem>>, %arg7: memref<8x128xi32, #tpu.memory_space<vmem>>, %arg8: memref<128x32xf32, #tpu.memory_space<vmem>>, %arg9: memref<128x32xf32, #tpu.memory_space<vmem>>, %arg10: memref<8192x32xf32, #tpu.memory_space<vmem_shared>>, %arg11: memref<!tpu.dma_semaphore, #tpu.memory_space<semaphore_mem>>) attributes {dimension_semantics = [#tpu.dimension_semantics<core_parallel>, #tpu.dimension_semantics<subcore_parallel>], iteration_bounds = array<i64: 2, 16>, scalar_prefetch = 0 : i64, scratch_operands = 6 : i64, tpu.core_type = #tpu.core_type<sc_vector_subcore>, window_params = [{transform_indices = #map}, {transform_indices = #map1}, {transform_indices = #map1}, {transform_indices = #map1}]} {
    %mul3A = arith.constant 16 : i32
    %mul3A_0 = arith.muli %arg0, %mul3A : i32
    %add3A = arith.addi %mul3A_0, %arg1 : i32
    %broadcast_in_dim3A = arith.constant 0.000000e+00 : f32
    %broadcast_in_dim3A_1 = vector.broadcast %broadcast_in_dim3A : f32 to vector<16xf32>
    %scan3A = arith.constant 0 : i32
    %scan3A_2 = arith.constant 0 : i32
    %scan3A_3 = arith.constant 128 : i32
    %scan3A_4 = arith.addi %scan3A_2, %scan3A_3 : i32
    %scan3A_5 = arith.constant 1 : i32
    %scan3A_6 = scf.for %scan3A_32 = %scan3A_2 to %scan3A_4 step %scan3A_5 iter_args(%scan3A_33 = %scan3A) -> (i32)  : i32 {
      %swap3A = arith.index_cast %scan3A_32 : i32 to index
      %swap3A_34 = arith.constant 0 : index
      %swap3A_35 = tpu.vector_load %arg9[%swap3A, %swap3A_34] {strides = array<i32>} : memref<128x32xf32, #tpu.memory_space<vmem>>, vector<1x16xf32>,
      %swap3A_36 = vector.shape_cast %swap3A_35 : vector<1x16xf32> to vector<16xf32>
      %swap3A_37 = vector.shape_cast %broadcast_in_dim3A_1 : vector<16xf32> to vector<1x16xf32>
      tpu.vector_store %arg9[%swap3A, %swap3A_34], %swap3A_37 {strides = array<i32>} : memref<128x32xf32, #tpu.memory_space<vmem>>, vector<1x16xf32>,
      %swap3A_38 = arith.index_cast %scan3A_32 : i32 to index
      %swap3A_39 = arith.constant 16 : index
      %swap3A_40 = tpu.vector_load %arg9[%swap3A_38, %swap3A_39] {strides = array<i32>} : memref<128x32xf32, #tpu.memory_space<vmem>>, vector<1x16xf32>,
      %swap3A_41 = vector.shape_cast %swap3A_40 : vector<1x16xf32> to vector<16xf32>
      %swap3A_42 = vector.shape_cast %broadcast_in_dim3A_1 : vector<16xf32> to vector<1x16xf32>
      tpu.vector_store %arg9[%swap3A_38, %swap3A_39], %swap3A_42 {strides = array<i32>} : memref<128x32xf32, #tpu.memory_space<vmem>>, vector<1x16xf32>,
      %scan3A_43 = arith.constant 0 : i32
      scf.yield %scan3A_43 : i32
    }
    %scan3A_7 = arith.constant 128 : i32
    %mul3A_8 = arith.constant 512 : i32
    %mul3A_9 = arith.muli %arg1, %mul3A_8 : i32
    %scan3A_10 = arith.constant 0 : i32
    %scan3A_11 = arith.constant 0 : i32
    %scan3A_12 = arith.constant 4 : i32
    %scan3A_13 = arith.addi %scan3A_11, %scan3A_12 : i32
    %scan3A_14 = arith.constant 1 : i32
    %scan3A_15 = scf.for %scan3A_32 = %scan3A_11 to %scan3A_13 step %scan3A_14 iter_args(%scan3A_33 = %scan3A_10) -> (i32)  : i32 {
      %mul3A_34 = arith.constant 128 : i32
      %mul3A_35 = arith.muli %scan3A_32, %mul3A_34 : i32
      %add3A_36 = arith.addi %mul3A_9, %mul3A_35 : i32
      "tpu.region"() ({
        %run_scoped3A = tpu.sem_alloc : memref<!tpu.dma_semaphore, #tpu.memory_space<semaphore_mem>>
        %dma_start3A = arith.constant 0 : i32
        %dma_start3A_38 = tpu.memref_slice %arg10[%add3A_36, %dma_start3A] : memref<8192x32xf32, #tpu.memory_space<vmem_shared>> -> memref<128x32xf32, #tpu.memory_space<vmem_shared>>
        %dma_start3A_39 = arith.constant 0 : i32
        %dma_start3A_40 = tpu.memref_slice %arg10[%add3A_36, %dma_start3A_39] : memref<8192x32xf32, #tpu.memory_space<vmem_shared>> -> memref<128x32xf32, #tpu.memory_space<vmem_shared>>
        tpu.enqueue_dma source(%arg9 : memref<128x32xf32, #tpu.memory_space<vmem>>) target(%dma_start3A_40 : memref<128x32xf32, #tpu.memory_space<vmem_shared>>) target_semaphore(%run_scoped3A : memref<!tpu.dma_semaphore, #tpu.memory_space<semaphore_mem>>)
        %dma_wait3A = arith.constant 0 : i32
        %dma_wait3A_41 = tpu.memref_slice %arg10[%add3A_36, %dma_wait3A] : memref<8192x32xf32, #tpu.memory_space<vmem_shared>> -> memref<128x32xf32, #tpu.memory_space<vmem_shared>>
        %dma_wait3A_42 = arith.constant 0 : i32
        %dma_wait3A_43 = tpu.memref_slice %arg10[%add3A_36, %dma_wait3A_42] : memref<8192x32xf32, #tpu.memory_space<vmem_shared>> -> memref<128x32xf32, #tpu.memory_space<vmem_shared>>
        tpu.wait_dma2 semaphore(%run_scoped3A : memref<!tpu.dma_semaphore, #tpu.memory_space<semaphore_mem>>) src(%arg9 : memref<128x32xf32, #tpu.memory_space<vmem>>) dst(%dma_wait3A_43 : memref<128x32xf32, #tpu.memory_space<vmem_shared>>)
        tpu.yield
      }) : () -> ()
      %scan3A_37 = arith.constant 0 : i32
      scf.yield %scan3A_37 : i32
    }
    %scan3A_16 = arith.constant 4 : i32
    "tpu.region"() ({
      %run_scoped3A = tpu.sem_alloc : memref<!tpu.dma_semaphore, #tpu.memory_space<semaphore_mem>>
      %dma_start3A = arith.constant 0 : i32
      %dma_start3A_32 = arith.constant 0 : i32
      %dma_start3A_33 = tpu.memref_slice %arg3[%add3A, %dma_start3A, %dma_start3A_32] : memref<32x8x128xi32, #tpu.memory_space<hbm>> -> memref<1x8x128xi32, #tpu.memory_space<hbm>>
      %dma_start3A_34 = tpu.memref_squeeze %dma_start3A_33 : memref<1x8x128xi32, #tpu.memory_space<hbm>> -> memref<8x128xi32, #tpu.memory_space<hbm>>
      %dma_start3A_35 = arith.constant 0 : i32
      %dma_start3A_36 = arith.constant 0 : i32
      %dma_start3A_37 = tpu.memref_slice %arg3[%add3A, %dma_start3A_35, %dma_start3A_36] : memref<32x8x128xi32, #tpu.memory_space<hbm>> -> memref<1x8x128xi32, #tpu.memory_space<hbm>>
      %dma_start3A_38 = tpu.memref_squeeze %dma_start3A_37 : memref<1x8x128xi32, #tpu.memory_space<hbm>> -> memref<8x128xi32, #tpu.memory_space<hbm>>
      tpu.enqueue_dma source(%dma_start3A_38 : memref<8x128xi32, #tpu.memory_space<hbm>>) target(%arg6 : memref<8x128xi32, #tpu.memory_space<vmem>>) target_semaphore(%run_scoped3A : memref<!tpu.dma_semaphore, #tpu.memory_space<semaphore_mem>>)
      %dma_wait3A = arith.constant 0 : i32
      %dma_wait3A_39 = arith.constant 0 : i32
      %dma_wait3A_40 = tpu.memref_slice %arg3[%add3A, %dma_wait3A, %dma_wait3A_39] : memref<32x8x128xi32, #tpu.memory_space<hbm>> -> memref<1x8x128xi32, #tpu.memory_space<hbm>>
      %dma_wait3A_41 = tpu.memref_squeeze %dma_wait3A_40 : memref<1x8x128xi32, #tpu.memory_space<hbm>> -> memref<8x128xi32, #tpu.memory_space<hbm>>
      %dma_wait3A_42 = arith.constant 0 : i32
      %dma_wait3A_43 = arith.constant 0 : i32
      %dma_wait3A_44 = tpu.memref_slice %arg3[%add3A, %dma_wait3A_42, %dma_wait3A_43] : memref<32x8x128xi32, #tpu.memory_space<hbm>> -> memref<1x8x128xi32, #tpu.memory_space<hbm>>
      %dma_wait3A_45 = tpu.memref_squeeze %dma_wait3A_44 : memref<1x8x128xi32, #tpu.memory_space<hbm>> -> memref<8x128xi32, #tpu.memory_space<hbm>>
      tpu.wait_dma2 semaphore(%run_scoped3A : memref<!tpu.dma_semaphore, #tpu.memory_space<semaphore_mem>>) src(%dma_wait3A_45 : memref<8x128xi32, #tpu.memory_space<hbm>>) dst(%arg6 : memref<8x128xi32, #tpu.memory_space<vmem>>)
      tpu.yield
    }) : () -> ()
    "tpu.region"() ({
      %run_scoped3A = tpu.sem_alloc : memref<!tpu.dma_semaphore, #tpu.memory_space<semaphore_mem>>
      %dma_start3A = arith.constant 0 : i32
      %dma_start3A_32 = arith.constant 0 : i32
      %dma_start3A_33 = tpu.memref_slice %arg4[%add3A, %dma_start3A, %dma_start3A_32] : memref<32x8x128xi32, #tpu.memory_space<hbm>> -> memref<1x8x128xi32, #tpu.memory_space<hbm>>
      %dma_start3A_34 = tpu.memref_squeeze %dma_start3A_33 : memref<1x8x128xi32, #tpu.memory_space<hbm>> -> memref<8x128xi32, #tpu.memory_space<hbm>>
      %dma_start3A_35 = arith.constant 0 : i32
      %dma_start3A_36 = arith.constant 0 : i32
      %dma_start3A_37 = tpu.memref_slice %arg4[%add3A, %dma_start3A_35, %dma_start3A_36] : memref<32x8x128xi32, #tpu.memory_space<hbm>> -> memref<1x8x128xi32, #tpu.memory_space<hbm>>
      %dma_start3A_38 = tpu.memref_squeeze %dma_start3A_37 : memref<1x8x128xi32, #tpu.memory_space<hbm>> -> memref<8x128xi32, #tpu.memory_space<hbm>>
      tpu.enqueue_dma source(%dma_start3A_38 : memref<8x128xi32, #tpu.memory_space<hbm>>) target(%arg7 : memref<8x128xi32, #tpu.memory_space<vmem>>) target_semaphore(%run_scoped3A : memref<!tpu.dma_semaphore, #tpu.memory_space<semaphore_mem>>)
      %dma_wait3A = arith.constant 0 : i32
      %dma_wait3A_39 = arith.constant 0 : i32
      %dma_wait3A_40 = tpu.memref_slice %arg4[%add3A, %dma_wait3A, %dma_wait3A_39] : memref<32x8x128xi32, #tpu.memory_space<hbm>> -> memref<1x8x128xi32, #tpu.memory_space<hbm>>
      %dma_wait3A_41 = tpu.memref_squeeze %dma_wait3A_40 : memref<1x8x128xi32, #tpu.memory_space<hbm>> -> memref<8x128xi32, #tpu.memory_space<hbm>>
      %dma_wait3A_42 = arith.constant 0 : i32
      %dma_wait3A_43 = arith.constant 0 : i32
      %dma_wait3A_44 = tpu.memref_slice %arg4[%add3A, %dma_wait3A_42, %dma_wait3A_43] : memref<32x8x128xi32, #tpu.memory_space<hbm>> -> memref<1x8x128xi32, #tpu.memory_space<hbm>>
      %dma_wait3A_45 = tpu.memref_squeeze %dma_wait3A_44 : memref<1x8x128xi32, #tpu.memory_space<hbm>> -> memref<8x128xi32, #tpu.memory_space<hbm>>
      tpu.wait_dma2 semaphore(%run_scoped3A : memref<!tpu.dma_semaphore, #tpu.memory_space<semaphore_mem>>) src(%dma_wait3A_45 : memref<8x128xi32, #tpu.memory_space<hbm>>) dst(%arg7 : memref<8x128xi32, #tpu.memory_space<vmem>>)
      tpu.yield
    }) : () -> ()
    %barrier3A = arith.constant 0 : index
    tpu.barrier barrier_id(%barrier3A)
    %scan3A_17 = arith.constant 0 : i32
    %scan3A_18 = arith.constant 0 : i32
    %scan3A_19 = arith.constant 8 : i32
    %scan3A_20 = arith.addi %scan3A_18, %scan3A_19 : i32
    %scan3A_21 = arith.constant 1 : i32
    %scan3A_22 = scf.for %scan3A_32 = %scan3A_18 to %scan3A_20 step %scan3A_21 iter_args(%scan3A_33 = %scan3A_17) -> (i32)  : i32 {
      %dma_start3A = arith.constant 0 : i32
      %dma_start3A_34 = tpu.memref_slice %arg6[%scan3A_32, %dma_start3A] : memref<8x128xi32, #tpu.memory_space<vmem>> -> memref<1x128xi32, #tpu.memory_space<vmem>>
      %dma_start3A_35 = tpu.memref_squeeze %dma_start3A_34 : memref<1x128xi32, #tpu.memory_space<vmem>> -> memref<128xi32, #tpu.memory_space<vmem>>
      %dma_start3A_36 = arith.constant 0 : i32
      %dma_start3A_37 = arith.constant 0 : i32
      %dma_start3A_38 = tpu.memref_slice %arg2[%dma_start3A_36, %dma_start3A_37] : memref<8192x32xf32, #tpu.memory_space<hbm>> -> memref<8192x32xf32, #tpu.memory_space<hbm>>
      tpu.enqueue_indirect_dma source(%dma_start3A_38 : memref<8192x32xf32, #tpu.memory_space<hbm>>) target(%arg8 : memref<128x32xf32, #tpu.memory_space<vmem>>) offsets(%dma_start3A_35 : memref<128xi32, #tpu.memory_space<vmem>>) semaphore(%arg11 : memref<!tpu.dma_semaphore, #tpu.memory_space<semaphore_mem>>)
      %dma_wait3A = arith.constant 0 : i32
      %dma_wait3A_39 = tpu.memref_slice %arg6[%scan3A_32, %dma_wait3A] : memref<8x128xi32, #tpu.memory_space<vmem>> -> memref<1x128xi32, #tpu.memory_space<vmem>>
      %dma_wait3A_40 = tpu.memref_squeeze %dma_wait3A_39 : memref<1x128xi32, #tpu.memory_space<vmem>> -> memref<128xi32, #tpu.memory_space<vmem>>
      %dma_wait3A_41 = arith.constant 0 : i32
      %dma_wait3A_42 = arith.constant 0 : i32
      %dma_wait3A_43 = tpu.memref_slice %arg2[%dma_wait3A_41, %dma_wait3A_42] : memref<8192x32xf32, #tpu.memory_space<hbm>> -> memref<8192x32xf32, #tpu.memory_space<hbm>>
      tpu.wait_indirect_dma semaphore(%arg11 : memref<!tpu.dma_semaphore, #tpu.memory_space<semaphore_mem>>) src(%dma_wait3A_43 : memref<8192x32xf32, #tpu.memory_space<hbm>>) dst(%arg8 : memref<128x32xf32, #tpu.memory_space<vmem>>)
      "tpu.region"() ({
        %run_scoped3A = tpu.sem_alloc : memref<!tpu.dma_semaphore, #tpu.memory_space<semaphore_mem>>
        %dma_start3A_45 = arith.constant 0 : i32
        %dma_start3A_46 = tpu.memref_slice %arg7[%scan3A_32, %dma_start3A_45] : memref<8x128xi32, #tpu.memory_space<vmem>> -> memref<1x128xi32, #tpu.memory_space<vmem>>
        %dma_start3A_47 = tpu.memref_squeeze %dma_start3A_46 : memref<1x128xi32, #tpu.memory_space<vmem>> -> memref<128xi32, #tpu.memory_space<vmem>>
        %dma_start3A_48 = arith.constant 0 : i32
        %dma_start3A_49 = arith.constant 0 : i32
        %dma_start3A_50 = tpu.memref_slice %arg10[%dma_start3A_48, %dma_start3A_49] : memref<8192x32xf32, #tpu.memory_space<vmem_shared>> -> memref<8192x32xf32, #tpu.memory_space<vmem_shared>>
        tpu.enqueue_indirect_dma source(%arg8 : memref<128x32xf32, #tpu.memory_space<vmem>>) target(%dma_start3A_50 : memref<8192x32xf32, #tpu.memory_space<vmem_shared>>) offsets(%dma_start3A_47 : memref<128xi32, #tpu.memory_space<vmem>>) semaphore(%run_scoped3A : memref<!tpu.dma_semaphore, #tpu.memory_space<semaphore_mem>>) {add = true}
        %dma_wait3A_51 = arith.constant 0 : i32
        %dma_wait3A_52 = tpu.memref_slice %arg7[%scan3A_32, %dma_wait3A_51] : memref<8x128xi32, #tpu.memory_space<vmem>> -> memref<1x128xi32, #tpu.memory_space<vmem>>
        %dma_wait3A_53 = tpu.memref_squeeze %dma_wait3A_52 : memref<1x128xi32, #tpu.memory_space<vmem>> -> memref<128xi32, #tpu.memory_space<vmem>>
        %dma_wait3A_54 = arith.constant 0 : i32
        %dma_wait3A_55 = arith.constant 0 : i32
        %dma_wait3A_56 = tpu.memref_slice %arg10[%dma_wait3A_54, %dma_wait3A_55] : memref<8192x32xf32, #tpu.memory_space<vmem_shared>> -> memref<8192x32xf32, #tpu.memory_space<vmem_shared>>
        tpu.wait_indirect_dma semaphore(%run_scoped3A : memref<!tpu.dma_semaphore, #tpu.memory_space<semaphore_mem>>) src(%arg8 : memref<128x32xf32, #tpu.memory_space<vmem>>) dst(%dma_wait3A_56 : memref<8192x32xf32, #tpu.memory_space<vmem_shared>>)
        tpu.yield
      }) : () -> ()
      %scan3A_44 = arith.constant 0 : i32
      scf.yield %scan3A_44 : i32
    }
    %scan3A_23 = arith.constant 8 : i32
    %barrier3A_24 = arith.constant 0 : index
    tpu.barrier barrier_id(%barrier3A_24)
    %scan3A_25 = arith.constant 0 : i32
    %scan3A_26 = arith.constant 0 : i32
    %scan3A_27 = arith.constant 4 : i32
    %scan3A_28 = arith.addi %scan3A_26, %scan3A_27 : i32
    %scan3A_29 = arith.constant 1 : i32
    %scan3A_30 = scf.for %scan3A_32 = %scan3A_26 to %scan3A_28 step %scan3A_29 iter_args(%scan3A_33 = %scan3A_25) -> (i32)  : i32 {
      %mul3A_34 = arith.constant 128 : i32
      %mul3A_35 = arith.muli %scan3A_32, %mul3A_34 : i32
      %add3A_36 = arith.addi %mul3A_9, %mul3A_35 : i32
      %mul3A_37 = arith.constant 128 : i32
      %mul3A_38 = arith.muli %scan3A_32, %mul3A_37 : i32
      %add3A_39 = arith.addi %mul3A_9, %mul3A_38 : i32
      "tpu.region"() ({
        %run_scoped3A = tpu.sem_alloc : memref<!tpu.dma_semaphore, #tpu.memory_space<semaphore_mem>>
        %dma_start3A = arith.constant 0 : i32
        %dma_start3A_41 = tpu.memref_slice %arg5[%arg0, %add3A_39, %dma_start3A] : memref<2x8192x32xf32, #tpu.memory_space<hbm>> -> memref<1x128x32xf32, #tpu.memory_space<hbm>>
        %dma_start3A_42 = tpu.memref_squeeze %dma_start3A_41 : memref<1x128x32xf32, #tpu.memory_space<hbm>> -> memref<128x32xf32, #tpu.memory_space<hbm>>
        %dma_start3A_43 = arith.constant 0 : i32
        %dma_start3A_44 = tpu.memref_slice %arg10[%add3A_36, %dma_start3A_43] : memref<8192x32xf32, #tpu.memory_space<vmem_shared>> -> memref<128x32xf32, #tpu.memory_space<vmem_shared>>
        tpu.enqueue_dma source(%dma_start3A_44 : memref<128x32xf32, #tpu.memory_space<vmem_shared>>) target(%dma_start3A_42 : memref<128x32xf32, #tpu.memory_space<hbm>>) target_semaphore(%run_scoped3A : memref<!tpu.dma_semaphore, #tpu.memory_space<semaphore_mem>>)
        %dma_wait3A = arith.constant 0 : i32
        %dma_wait3A_45 = tpu.memref_slice %arg5[%arg0, %add3A_39, %dma_wait3A] : memref<2x8192x32xf32, #tpu.memory_space<hbm>> -> memref<1x128x32xf32, #tpu.memory_space<hbm>>
        %dma_wait3A_46 = tpu.memref_squeeze %dma_wait3A_45 : memref<1x128x32xf32, #tpu.memory_space<hbm>> -> memref<128x32xf32, #tpu.memory_space<hbm>>
        %dma_wait3A_47 = arith.constant 0 : i32
        %dma_wait3A_48 = tpu.memref_slice %arg10[%add3A_36, %dma_wait3A_47] : memref<8192x32xf32, #tpu.memory_space<vmem_shared>> -> memref<128x32xf32, #tpu.memory_space<vmem_shared>>
        tpu.wait_dma2 semaphore(%run_scoped3A : memref<!tpu.dma_semaphore, #tpu.memory_space<semaphore_mem>>) src(%dma_wait3A_48 : memref<128x32xf32, #tpu.memory_space<vmem_shared>>) dst(%dma_wait3A_46 : memref<128x32xf32, #tpu.memory_space<hbm>>)
        tpu.yield
      }) : () -> ()
      %scan3A_40 = arith.constant 0 : i32
      scf.yield %scan3A_40 : i32
    }
    %scan3A_31 = arith.constant 4 : i32
    return
  }
}

#map = affine_map<(d0, d1) -> (0, 0)>
#map1 = affine_map<(d0, d1) -> (0, 0, 0)>
module attributes {stable_mosaic.version = 14 : i64} {
  func.func @seg(%arg0: i32, %arg1: i32, %arg2: memref<32768x32xf32, #tpu.memory_space<hbm>>, %arg3: memref<32x32x128xi32, #tpu.memory_space<hbm>>, %arg4: memref<32x32x128xi32, #tpu.memory_space<hbm>>, %arg5: memref<2x32768x32xf32, #tpu.memory_space<hbm>>, %arg6: memref<32x128xi32, #tpu.memory_space<vmem>>, %arg7: memref<32x128xi32, #tpu.memory_space<vmem>>, %arg8: memref<128x32xf32, #tpu.memory_space<vmem>>, %arg9: memref<128x32xf32, #tpu.memory_space<vmem>>, %arg10: memref<32768x32xf32, #tpu.memory_space<vmem_shared>>, %arg11: memref<!tpu.dma_semaphore, #tpu.memory_space<semaphore_mem>>) attributes {dimension_semantics = [#tpu.dimension_semantics<core_parallel>, #tpu.dimension_semantics<subcore_parallel>], iteration_bounds = array<i64: 2, 16>, scalar_prefetch = 0 : i64, scratch_operands = 6 : i64, tpu.core_type = #tpu.core_type<sc_vector_subcore>, window_params = [{transform_indices = #map}, {transform_indices = #map1}, {transform_indices = #map1}, {transform_indices = #map1}]} {
    %mul3A = arith.constant 16 : i32
    %mul3A_0 = arith.muli %arg0, %mul3A : i32
    %add3A = arith.addi %mul3A_0, %arg1 : i32
    %broadcast_in_dim3A = arith.constant 0.000000e+00 : f32
    %broadcast_in_dim3A_1 = vector.broadcast %broadcast_in_dim3A : f32 to vector<16xf32>
    %scan3A = arith.constant 0 : i32
    %scan3A_2 = arith.constant 0 : i32
    %scan3A_3 = arith.constant 128 : i32
    %scan3A_4 = arith.addi %scan3A_2, %scan3A_3 : i32
    %scan3A_5 = arith.constant 1 : i32
    %scan3A_6 = scf.for %scan3A_32 = %scan3A_2 to %scan3A_4 step %scan3A_5 iter_args(%scan3A_33 = %scan3A) -> (i32)  : i32 {
      %swap3A = arith.index_cast %scan3A_32 : i32 to index
      %swap3A_34 = arith.constant 0 : index
      %swap3A_35 = tpu.vector_load %arg9[%swap3A, %swap3A_34] {strides = array<i32>} : memref<128x32xf32, #tpu.memory_space<vmem>>, vector<1x16xf32>,
      %swap3A_36 = vector.shape_cast %swap3A_35 : vector<1x16xf32> to vector<16xf32>
      %swap3A_37 = vector.shape_cast %broadcast_in_dim3A_1 : vector<16xf32> to vector<1x16xf32>
      tpu.vector_store %arg9[%swap3A, %swap3A_34], %swap3A_37 {strides = array<i32>} : memref<128x32xf32, #tpu.memory_space<vmem>>, vector<1x16xf32>,
      %swap3A_38 = arith.index_cast %scan3A_32 : i32 to index
      %swap3A_39 = arith.constant 16 : index
      %swap3A_40 = tpu.vector_load %arg9[%swap3A_38, %swap3A_39] {strides = array<i32>} : memref<128x32xf32, #tpu.memory_space<vmem>>, vector<1x16xf32>,
      %swap3A_41 = vector.shape_cast %swap3A_40 : vector<1x16xf32> to vector<16xf32>
      %swap3A_42 = vector.shape_cast %broadcast_in_dim3A_1 : vector<16xf32> to vector<1x16xf32>
      tpu.vector_store %arg9[%swap3A_38, %swap3A_39], %swap3A_42 {strides = array<i32>} : memref<128x32xf32, #tpu.memory_space<vmem>>, vector<1x16xf32>,
      %scan3A_43 = arith.constant 0 : i32
      scf.yield %scan3A_43 : i32
    }
    %scan3A_7 = arith.constant 128 : i32
    %mul3A_8 = arith.constant 2048 : i32
    %mul3A_9 = arith.muli %arg1, %mul3A_8 : i32
    %scan3A_10 = arith.constant 0 : i32
    %scan3A_11 = arith.constant 0 : i32
    %scan3A_12 = arith.constant 16 : i32
    %scan3A_13 = arith.addi %scan3A_11, %scan3A_12 : i32
    %scan3A_14 = arith.constant 1 : i32
    %scan3A_15 = scf.for %scan3A_32 = %scan3A_11 to %scan3A_13 step %scan3A_14 iter_args(%scan3A_33 = %scan3A_10) -> (i32)  : i32 {
      %mul3A_34 = arith.constant 128 : i32
      %mul3A_35 = arith.muli %scan3A_32, %mul3A_34 : i32
      %add3A_36 = arith.addi %mul3A_9, %mul3A_35 : i32
      "tpu.region"() ({
        %run_scoped3A = tpu.sem_alloc : memref<!tpu.dma_semaphore, #tpu.memory_space<semaphore_mem>>
        %dma_start3A = arith.constant 0 : i32
        %dma_start3A_38 = tpu.memref_slice %arg10[%add3A_36, %dma_start3A] : memref<32768x32xf32, #tpu.memory_space<vmem_shared>> -> memref<128x32xf32, #tpu.memory_space<vmem_shared>>
        %dma_start3A_39 = arith.constant 0 : i32
        %dma_start3A_40 = tpu.memref_slice %arg10[%add3A_36, %dma_start3A_39] : memref<32768x32xf32, #tpu.memory_space<vmem_shared>> -> memref<128x32xf32, #tpu.memory_space<vmem_shared>>
        tpu.enqueue_dma source(%arg9 : memref<128x32xf32, #tpu.memory_space<vmem>>) target(%dma_start3A_40 : memref<128x32xf32, #tpu.memory_space<vmem_shared>>) target_semaphore(%run_scoped3A : memref<!tpu.dma_semaphore, #tpu.memory_space<semaphore_mem>>)
        %dma_wait3A = arith.constant 0 : i32
        %dma_wait3A_41 = tpu.memref_slice %arg10[%add3A_36, %dma_wait3A] : memref<32768x32xf32, #tpu.memory_space<vmem_shared>> -> memref<128x32xf32, #tpu.memory_space<vmem_shared>>
        %dma_wait3A_42 = arith.constant 0 : i32
        %dma_wait3A_43 = tpu.memref_slice %arg10[%add3A_36, %dma_wait3A_42] : memref<32768x32xf32, #tpu.memory_space<vmem_shared>> -> memref<128x32xf32, #tpu.memory_space<vmem_shared>>
        tpu.wait_dma2 semaphore(%run_scoped3A : memref<!tpu.dma_semaphore, #tpu.memory_space<semaphore_mem>>) src(%arg9 : memref<128x32xf32, #tpu.memory_space<vmem>>) dst(%dma_wait3A_43 : memref<128x32xf32, #tpu.memory_space<vmem_shared>>)
        tpu.yield
      }) : () -> ()
      %scan3A_37 = arith.constant 0 : i32
      scf.yield %scan3A_37 : i32
    }
    %scan3A_16 = arith.constant 16 : i32
    "tpu.region"() ({
      %run_scoped3A = tpu.sem_alloc : memref<!tpu.dma_semaphore, #tpu.memory_space<semaphore_mem>>
      %dma_start3A = arith.constant 0 : i32
      %dma_start3A_32 = arith.constant 0 : i32
      %dma_start3A_33 = tpu.memref_slice %arg3[%add3A, %dma_start3A, %dma_start3A_32] : memref<32x32x128xi32, #tpu.memory_space<hbm>> -> memref<1x32x128xi32, #tpu.memory_space<hbm>>
      %dma_start3A_34 = tpu.memref_squeeze %dma_start3A_33 : memref<1x32x128xi32, #tpu.memory_space<hbm>> -> memref<32x128xi32, #tpu.memory_space<hbm>>
      %dma_start3A_35 = arith.constant 0 : i32
      %dma_start3A_36 = arith.constant 0 : i32
      %dma_start3A_37 = tpu.memref_slice %arg3[%add3A, %dma_start3A_35, %dma_start3A_36] : memref<32x32x128xi32, #tpu.memory_space<hbm>> -> memref<1x32x128xi32, #tpu.memory_space<hbm>>
      %dma_start3A_38 = tpu.memref_squeeze %dma_start3A_37 : memref<1x32x128xi32, #tpu.memory_space<hbm>> -> memref<32x128xi32, #tpu.memory_space<hbm>>
      tpu.enqueue_dma source(%dma_start3A_38 : memref<32x128xi32, #tpu.memory_space<hbm>>) target(%arg6 : memref<32x128xi32, #tpu.memory_space<vmem>>) target_semaphore(%run_scoped3A : memref<!tpu.dma_semaphore, #tpu.memory_space<semaphore_mem>>)
      %dma_wait3A = arith.constant 0 : i32
      %dma_wait3A_39 = arith.constant 0 : i32
      %dma_wait3A_40 = tpu.memref_slice %arg3[%add3A, %dma_wait3A, %dma_wait3A_39] : memref<32x32x128xi32, #tpu.memory_space<hbm>> -> memref<1x32x128xi32, #tpu.memory_space<hbm>>
      %dma_wait3A_41 = tpu.memref_squeeze %dma_wait3A_40 : memref<1x32x128xi32, #tpu.memory_space<hbm>> -> memref<32x128xi32, #tpu.memory_space<hbm>>
      %dma_wait3A_42 = arith.constant 0 : i32
      %dma_wait3A_43 = arith.constant 0 : i32
      %dma_wait3A_44 = tpu.memref_slice %arg3[%add3A, %dma_wait3A_42, %dma_wait3A_43] : memref<32x32x128xi32, #tpu.memory_space<hbm>> -> memref<1x32x128xi32, #tpu.memory_space<hbm>>
      %dma_wait3A_45 = tpu.memref_squeeze %dma_wait3A_44 : memref<1x32x128xi32, #tpu.memory_space<hbm>> -> memref<32x128xi32, #tpu.memory_space<hbm>>
      tpu.wait_dma2 semaphore(%run_scoped3A : memref<!tpu.dma_semaphore, #tpu.memory_space<semaphore_mem>>) src(%dma_wait3A_45 : memref<32x128xi32, #tpu.memory_space<hbm>>) dst(%arg6 : memref<32x128xi32, #tpu.memory_space<vmem>>)
      tpu.yield
    }) : () -> ()
    "tpu.region"() ({
      %run_scoped3A = tpu.sem_alloc : memref<!tpu.dma_semaphore, #tpu.memory_space<semaphore_mem>>
      %dma_start3A = arith.constant 0 : i32
      %dma_start3A_32 = arith.constant 0 : i32
      %dma_start3A_33 = tpu.memref_slice %arg4[%add3A, %dma_start3A, %dma_start3A_32] : memref<32x32x128xi32, #tpu.memory_space<hbm>> -> memref<1x32x128xi32, #tpu.memory_space<hbm>>
      %dma_start3A_34 = tpu.memref_squeeze %dma_start3A_33 : memref<1x32x128xi32, #tpu.memory_space<hbm>> -> memref<32x128xi32, #tpu.memory_space<hbm>>
      %dma_start3A_35 = arith.constant 0 : i32
      %dma_start3A_36 = arith.constant 0 : i32
      %dma_start3A_37 = tpu.memref_slice %arg4[%add3A, %dma_start3A_35, %dma_start3A_36] : memref<32x32x128xi32, #tpu.memory_space<hbm>> -> memref<1x32x128xi32, #tpu.memory_space<hbm>>
      %dma_start3A_38 = tpu.memref_squeeze %dma_start3A_37 : memref<1x32x128xi32, #tpu.memory_space<hbm>> -> memref<32x128xi32, #tpu.memory_space<hbm>>
      tpu.enqueue_dma source(%dma_start3A_38 : memref<32x128xi32, #tpu.memory_space<hbm>>) target(%arg7 : memref<32x128xi32, #tpu.memory_space<vmem>>) target_semaphore(%run_scoped3A : memref<!tpu.dma_semaphore, #tpu.memory_space<semaphore_mem>>)
      %dma_wait3A = arith.constant 0 : i32
      %dma_wait3A_39 = arith.constant 0 : i32
      %dma_wait3A_40 = tpu.memref_slice %arg4[%add3A, %dma_wait3A, %dma_wait3A_39] : memref<32x32x128xi32, #tpu.memory_space<hbm>> -> memref<1x32x128xi32, #tpu.memory_space<hbm>>
      %dma_wait3A_41 = tpu.memref_squeeze %dma_wait3A_40 : memref<1x32x128xi32, #tpu.memory_space<hbm>> -> memref<32x128xi32, #tpu.memory_space<hbm>>
      %dma_wait3A_42 = arith.constant 0 : i32
      %dma_wait3A_43 = arith.constant 0 : i32
      %dma_wait3A_44 = tpu.memref_slice %arg4[%add3A, %dma_wait3A_42, %dma_wait3A_43] : memref<32x32x128xi32, #tpu.memory_space<hbm>> -> memref<1x32x128xi32, #tpu.memory_space<hbm>>
      %dma_wait3A_45 = tpu.memref_squeeze %dma_wait3A_44 : memref<1x32x128xi32, #tpu.memory_space<hbm>> -> memref<32x128xi32, #tpu.memory_space<hbm>>
      tpu.wait_dma2 semaphore(%run_scoped3A : memref<!tpu.dma_semaphore, #tpu.memory_space<semaphore_mem>>) src(%dma_wait3A_45 : memref<32x128xi32, #tpu.memory_space<hbm>>) dst(%arg7 : memref<32x128xi32, #tpu.memory_space<vmem>>)
      tpu.yield
    }) : () -> ()
    %barrier3A = arith.constant 0 : index
    tpu.barrier barrier_id(%barrier3A)
    %scan3A_17 = arith.constant 0 : i32
    %scan3A_18 = arith.constant 0 : i32
    %scan3A_19 = arith.constant 32 : i32
    %scan3A_20 = arith.addi %scan3A_18, %scan3A_19 : i32
    %scan3A_21 = arith.constant 1 : i32
    %scan3A_22 = scf.for %scan3A_32 = %scan3A_18 to %scan3A_20 step %scan3A_21 iter_args(%scan3A_33 = %scan3A_17) -> (i32)  : i32 {
      %dma_start3A = arith.constant 0 : i32
      %dma_start3A_34 = tpu.memref_slice %arg6[%scan3A_32, %dma_start3A] : memref<32x128xi32, #tpu.memory_space<vmem>> -> memref<1x128xi32, #tpu.memory_space<vmem>>
      %dma_start3A_35 = tpu.memref_squeeze %dma_start3A_34 : memref<1x128xi32, #tpu.memory_space<vmem>> -> memref<128xi32, #tpu.memory_space<vmem>>
      %dma_start3A_36 = arith.constant 0 : i32
      %dma_start3A_37 = arith.constant 0 : i32
      %dma_start3A_38 = tpu.memref_slice %arg2[%dma_start3A_36, %dma_start3A_37] : memref<32768x32xf32, #tpu.memory_space<hbm>> -> memref<32768x32xf32, #tpu.memory_space<hbm>>
      tpu.enqueue_indirect_dma source(%dma_start3A_38 : memref<32768x32xf32, #tpu.memory_space<hbm>>) target(%arg8 : memref<128x32xf32, #tpu.memory_space<vmem>>) offsets(%dma_start3A_35 : memref<128xi32, #tpu.memory_space<vmem>>) semaphore(%arg11 : memref<!tpu.dma_semaphore, #tpu.memory_space<semaphore_mem>>)
      %dma_wait3A = arith.constant 0 : i32
      %dma_wait3A_39 = tpu.memref_slice %arg6[%scan3A_32, %dma_wait3A] : memref<32x128xi32, #tpu.memory_space<vmem>> -> memref<1x128xi32, #tpu.memory_space<vmem>>
      %dma_wait3A_40 = tpu.memref_squeeze %dma_wait3A_39 : memref<1x128xi32, #tpu.memory_space<vmem>> -> memref<128xi32, #tpu.memory_space<vmem>>
      %dma_wait3A_41 = arith.constant 0 : i32
      %dma_wait3A_42 = arith.constant 0 : i32
      %dma_wait3A_43 = tpu.memref_slice %arg2[%dma_wait3A_41, %dma_wait3A_42] : memref<32768x32xf32, #tpu.memory_space<hbm>> -> memref<32768x32xf32, #tpu.memory_space<hbm>>
      tpu.wait_indirect_dma semaphore(%arg11 : memref<!tpu.dma_semaphore, #tpu.memory_space<semaphore_mem>>) src(%dma_wait3A_43 : memref<32768x32xf32, #tpu.memory_space<hbm>>) dst(%arg8 : memref<128x32xf32, #tpu.memory_space<vmem>>)
      "tpu.region"() ({
        %run_scoped3A = tpu.sem_alloc : memref<!tpu.dma_semaphore, #tpu.memory_space<semaphore_mem>>
        %dma_start3A_45 = arith.constant 0 : i32
        %dma_start3A_46 = tpu.memref_slice %arg7[%scan3A_32, %dma_start3A_45] : memref<32x128xi32, #tpu.memory_space<vmem>> -> memref<1x128xi32, #tpu.memory_space<vmem>>
        %dma_start3A_47 = tpu.memref_squeeze %dma_start3A_46 : memref<1x128xi32, #tpu.memory_space<vmem>> -> memref<128xi32, #tpu.memory_space<vmem>>
        %dma_start3A_48 = arith.constant 0 : i32
        %dma_start3A_49 = arith.constant 0 : i32
        %dma_start3A_50 = tpu.memref_slice %arg10[%dma_start3A_48, %dma_start3A_49] : memref<32768x32xf32, #tpu.memory_space<vmem_shared>> -> memref<32768x32xf32, #tpu.memory_space<vmem_shared>>
        tpu.enqueue_indirect_dma source(%arg8 : memref<128x32xf32, #tpu.memory_space<vmem>>) target(%dma_start3A_50 : memref<32768x32xf32, #tpu.memory_space<vmem_shared>>) offsets(%dma_start3A_47 : memref<128xi32, #tpu.memory_space<vmem>>) semaphore(%run_scoped3A : memref<!tpu.dma_semaphore, #tpu.memory_space<semaphore_mem>>) {add = true}
        %dma_wait3A_51 = arith.constant 0 : i32
        %dma_wait3A_52 = tpu.memref_slice %arg7[%scan3A_32, %dma_wait3A_51] : memref<32x128xi32, #tpu.memory_space<vmem>> -> memref<1x128xi32, #tpu.memory_space<vmem>>
        %dma_wait3A_53 = tpu.memref_squeeze %dma_wait3A_52 : memref<1x128xi32, #tpu.memory_space<vmem>> -> memref<128xi32, #tpu.memory_space<vmem>>
        %dma_wait3A_54 = arith.constant 0 : i32
        %dma_wait3A_55 = arith.constant 0 : i32
        %dma_wait3A_56 = tpu.memref_slice %arg10[%dma_wait3A_54, %dma_wait3A_55] : memref<32768x32xf32, #tpu.memory_space<vmem_shared>> -> memref<32768x32xf32, #tpu.memory_space<vmem_shared>>
        tpu.wait_indirect_dma semaphore(%run_scoped3A : memref<!tpu.dma_semaphore, #tpu.memory_space<semaphore_mem>>) src(%arg8 : memref<128x32xf32, #tpu.memory_space<vmem>>) dst(%dma_wait3A_56 : memref<32768x32xf32, #tpu.memory_space<vmem_shared>>)
        tpu.yield
      }) : () -> ()
      %scan3A_44 = arith.constant 0 : i32
      scf.yield %scan3A_44 : i32
    }
    %scan3A_23 = arith.constant 32 : i32
    %barrier3A_24 = arith.constant 0 : index
    tpu.barrier barrier_id(%barrier3A_24)
    %scan3A_25 = arith.constant 0 : i32
    %scan3A_26 = arith.constant 0 : i32
    %scan3A_27 = arith.constant 16 : i32
    %scan3A_28 = arith.addi %scan3A_26, %scan3A_27 : i32
    %scan3A_29 = arith.constant 1 : i32
    %scan3A_30 = scf.for %scan3A_32 = %scan3A_26 to %scan3A_28 step %scan3A_29 iter_args(%scan3A_33 = %scan3A_25) -> (i32)  : i32 {
      %mul3A_34 = arith.constant 128 : i32
      %mul3A_35 = arith.muli %scan3A_32, %mul3A_34 : i32
      %add3A_36 = arith.addi %mul3A_9, %mul3A_35 : i32
      %mul3A_37 = arith.constant 128 : i32
      %mul3A_38 = arith.muli %scan3A_32, %mul3A_37 : i32
      %add3A_39 = arith.addi %mul3A_9, %mul3A_38 : i32
      "tpu.region"() ({
        %run_scoped3A = tpu.sem_alloc : memref<!tpu.dma_semaphore, #tpu.memory_space<semaphore_mem>>
        %dma_start3A = arith.constant 0 : i32
        %dma_start3A_41 = tpu.memref_slice %arg5[%arg0, %add3A_39, %dma_start3A] : memref<2x32768x32xf32, #tpu.memory_space<hbm>> -> memref<1x128x32xf32, #tpu.memory_space<hbm>>
        %dma_start3A_42 = tpu.memref_squeeze %dma_start3A_41 : memref<1x128x32xf32, #tpu.memory_space<hbm>> -> memref<128x32xf32, #tpu.memory_space<hbm>>
        %dma_start3A_43 = arith.constant 0 : i32
        %dma_start3A_44 = tpu.memref_slice %arg10[%add3A_36, %dma_start3A_43] : memref<32768x32xf32, #tpu.memory_space<vmem_shared>> -> memref<128x32xf32, #tpu.memory_space<vmem_shared>>
        tpu.enqueue_dma source(%dma_start3A_44 : memref<128x32xf32, #tpu.memory_space<vmem_shared>>) target(%dma_start3A_42 : memref<128x32xf32, #tpu.memory_space<hbm>>) target_semaphore(%run_scoped3A : memref<!tpu.dma_semaphore, #tpu.memory_space<semaphore_mem>>)
        %dma_wait3A = arith.constant 0 : i32
        %dma_wait3A_45 = tpu.memref_slice %arg5[%arg0, %add3A_39, %dma_wait3A] : memref<2x32768x32xf32, #tpu.memory_space<hbm>> -> memref<1x128x32xf32, #tpu.memory_space<hbm>>
        %dma_wait3A_46 = tpu.memref_squeeze %dma_wait3A_45 : memref<1x128x32xf32, #tpu.memory_space<hbm>> -> memref<128x32xf32, #tpu.memory_space<hbm>>
        %dma_wait3A_47 = arith.constant 0 : i32
        %dma_wait3A_48 = tpu.memref_slice %arg10[%add3A_36, %dma_wait3A_47] : memref<32768x32xf32, #tpu.memory_space<vmem_shared>> -> memref<128x32xf32, #tpu.memory_space<vmem_shared>>
        tpu.wait_dma2 semaphore(%run_scoped3A : memref<!tpu.dma_semaphore, #tpu.memory_space<semaphore_mem>>) src(%dma_wait3A_48 : memref<128x32xf32, #tpu.memory_space<vmem_shared>>) dst(%dma_wait3A_46 : memref<128x32xf32, #tpu.memory_space<hbm>>)
        tpu.yield
      }) : () -> ()
      %scan3A_40 = arith.constant 0 : i32
      scf.yield %scan3A_40 : i32
    }
    %scan3A_31 = arith.constant 16 : i32
    return
  }
}

module attributes {stable_mosaic.version = 14 : i64} {
  func.func @_dinv_body(%arg0: i32, %arg1: memref<2x2048x16xf32, #tpu.memory_space<vmem>>, %arg2: memref<2048x1xf32, #tpu.memory_space<vmem>>) attributes {dimension_semantics = [#tpu.dimension_semantics<arbitrary>], iteration_bounds = array<i64: 21>, scalar_prefetch = 0 : i64, scratch_operands = 0 : i64, tpu.core_type = #tpu.core_type<tc>, window_params = [{transform_indices = @transform_0, window_bounds = array<i64: 2, 2048, 16>}, {transform_indices = @transform_1, window_bounds = array<i64: 2048, 1>}]} {
    %get3A = arith.constant 0 : index
    %get3A_0 = arith.constant 0 : index
    %get3A_1 = arith.constant 0 : index
    %get3A_2 = vector.load %arg1[%get3A, %get3A_0, %get3A_1] : memref<2x2048x16xf32, #tpu.memory_space<vmem>>, vector<1x2048x16xf32>
    %get3A_3 = vector.shape_cast %get3A_2 : vector<1x2048x16xf32> to vector<2048x16xf32>
    %get3A_4 = arith.constant 1 : index
    %get3A_5 = arith.constant 0 : index
    %get3A_6 = arith.constant 0 : index
    %get3A_7 = vector.load %arg1[%get3A_4, %get3A_5, %get3A_6] : memref<2x2048x16xf32, #tpu.memory_space<vmem>>, vector<1x2048x16xf32>
    %get3A_8 = vector.shape_cast %get3A_7 : vector<1x2048x16xf32> to vector<2048x16xf32>
    %add3A = arith.addf %get3A_3, %get3A_8 : vector<2048x16xf32>
    %slice3A = vector.extract_strided_slice %add3A {offsets = [0, 0], sizes = [2048, 1], strides = [1, 1]} : vector<2048x16xf32> to vector<2048x1xf32>
    %add3A_9 = arith.constant 1.000000e+00 : f32
    %add3A_10 = vector.broadcast %add3A_9 : f32 to vector<2048x1xf32>
    %add3A_11 = arith.addf %slice3A, %add3A_10 : vector<2048x1xf32>
    %rsqrt3A = math.rsqrt %add3A_11 : vector<2048x1xf32>
    %swap3A = arith.constant 0 : index
    %swap3A_12 = arith.constant 0 : index
    %swap3A_13 = vector.load %arg2[%swap3A, %swap3A_12] : memref<2048x1xf32, #tpu.memory_space<vmem>>, vector<2048x1xf32>
    tpu.vector_store %arg2[%swap3A, %swap3A_12], %rsqrt3A {strides = array<i32>} : memref<2048x1xf32, #tpu.memory_space<vmem>>, vector<2048x1xf32>,
    return
  }
  func.func @transform_0(%arg0: i32) -> (i32, i32, i32) {
    %c0_i32 = arith.constant 0 : i32
    %c0_i32_0 = arith.constant 0 : i32
    %c0_i32_1 = arith.constant 0 : i32
    return %c0_i32, %arg0, %c0_i32_0 : i32, i32, i32
  }
  func.func @transform_1(%arg0: i32) -> (i32, i32) {
    %c0_i32 = arith.constant 0 : i32
    %c0_i32_0 = arith.constant 0 : i32
    return %arg0, %c0_i32 : i32, i32
  }
}

module attributes {stable_mosaic.version = 14 : i64} {
  func.func @_fc1prep_body(%arg0: i32, %arg1: memref<4096x4xf32, #tpu.memory_space<vmem>>, %arg2: memref<4x32xf32, #tpu.memory_space<vmem>>, %arg3: memref<1x32xf32, #tpu.memory_space<vmem>>, %arg4: memref<32x32xf32, #tpu.memory_space<vmem>>, %arg5: memref<4096x1xf32, #tpu.memory_space<vmem>>, %arg6: memref<4096x32xf32, #tpu.memory_space<vmem>>) attributes {dimension_semantics = [#tpu.dimension_semantics<arbitrary>], iteration_bounds = array<i64: 8>, scalar_prefetch = 0 : i64, scratch_operands = 0 : i64, tpu.core_type = #tpu.core_type<tc>, window_params = [{transform_indices = @transform_0, window_bounds = array<i64: 4096, 4>}, {pipeline_mode = #tpu.pipeline_mode<synchronous>, transform_indices = @transform_1, window_bounds = array<i64: 4, 32>}, {pipeline_mode = #tpu.pipeline_mode<synchronous>, transform_indices = @transform_2, window_bounds = array<i64: 1, 32>}, {pipeline_mode = #tpu.pipeline_mode<synchronous>, transform_indices = @transform_3, window_bounds = array<i64: 32, 32>}, {transform_indices = @transform_4, window_bounds = array<i64: 4096, 1>}, {transform_indices = @transform_5, window_bounds = array<i64: 4096, 32>}]} {
    %get3A = arith.constant 0 : index
    %get3A_0 = arith.constant 0 : index
    %get3A_1 = vector.load %arg1[%get3A, %get3A_0] : memref<4096x4xf32, #tpu.memory_space<vmem>>, vector<4096x4xf32>
    %get3A_2 = arith.constant 0 : index
    %get3A_3 = arith.constant 0 : index
    %get3A_4 = vector.load %arg2[%get3A_2, %get3A_3] : memref<4x32xf32, #tpu.memory_space<vmem>>, vector<4x32xf32>
    %dot_general3A = arith.constant dense<0.000000e+00> : vector<4096x32xf32>
    %dot_general3A_5 = tpu.matmul %get3A_1, %get3A_4, %dot_general3A {dimension_numbers = #tpu.dot_dimension_numbers<[1], [0], [0], [1], [0, 0, 1, 1], [], []>, transpose_lhs_hint = false} : vector<4096x4xf32>, vector<4x32xf32>, vector<4096x32xf32> -> vector<4096x32xf32>
    %get3A_6 = arith.constant 0 : index
    %get3A_7 = arith.constant 0 : index
    %get3A_8 = vector.load %arg3[%get3A_6, %get3A_7] : memref<1x32xf32, #tpu.memory_space<vmem>>, vector<1x32xf32>
    %add3A = vector.broadcast %get3A_8 : vector<1x32xf32> to vector<4096x32xf32>
    %add3A_9 = arith.addf %dot_general3A_5, %add3A : vector<4096x32xf32>
    %max3A = arith.constant 0.000000e+00 : f32
    %max3A_10 = vector.broadcast %max3A : f32 to vector<4096x32xf32>
    %max3A_11 = arith.maximumf %add3A_9, %max3A_10 : vector<4096x32xf32>
    %get3A_12 = arith.constant 0 : index
    %get3A_13 = arith.constant 0 : index
    %get3A_14 = vector.load %arg4[%get3A_12, %get3A_13] : memref<32x32xf32, #tpu.memory_space<vmem>>, vector<32x32xf32>
    %dot_general3A_15 = arith.constant dense<0.000000e+00> : vector<4096x32xf32>
    %dot_general3A_16 = tpu.matmul %max3A_11, %get3A_14, %dot_general3A_15 {dimension_numbers = #tpu.dot_dimension_numbers<[1], [0], [0], [1], [0, 0, 1, 1], [], []>, transpose_lhs_hint = false} : vector<4096x32xf32>, vector<32x32xf32>, vector<4096x32xf32> -> vector<4096x32xf32>
    %get3A_17 = arith.constant 0 : index
    %get3A_18 = arith.constant 0 : index
    %get3A_19 = vector.load %arg5[%get3A_17, %get3A_18] : memref<4096x1xf32, #tpu.memory_space<vmem>>, vector<4096x1xf32>
    %mul3A = vector.broadcast %get3A_19 : vector<4096x1xf32> to vector<4096x32xf32>
    %mul3A_20 = arith.mulf %dot_general3A_16, %mul3A : vector<4096x32xf32>
    %swap3A = arith.constant 0 : index
    %swap3A_21 = arith.constant 0 : index
    %swap3A_22 = vector.load %arg6[%swap3A, %swap3A_21] : memref<4096x32xf32, #tpu.memory_space<vmem>>, vector<4096x32xf32>
    tpu.vector_store %arg6[%swap3A, %swap3A_21], %mul3A_20 {strides = array<i32>} : memref<4096x32xf32, #tpu.memory_space<vmem>>, vector<4096x32xf32>,
    return
  }
  func.func @transform_0(%arg0: i32) -> (i32, i32) {
    %c0_i32 = arith.constant 0 : i32
    %c0_i32_0 = arith.constant 0 : i32
    return %arg0, %c0_i32 : i32, i32
  }
  func.func @transform_1(%arg0: i32) -> (i32, i32) {
    %c0_i32 = arith.constant 0 : i32
    %c0_i32_0 = arith.constant 0 : i32
    %c0_i32_1 = arith.constant 0 : i32
    return %c0_i32, %c0_i32_0 : i32, i32
  }
  func.func @transform_2(%arg0: i32) -> (i32, i32) {
    %c0_i32 = arith.constant 0 : i32
    %c0_i32_0 = arith.constant 0 : i32
    %c0_i32_1 = arith.constant 0 : i32
    return %c0_i32, %c0_i32_0 : i32, i32
  }
  func.func @transform_3(%arg0: i32) -> (i32, i32) {
    %c0_i32 = arith.constant 0 : i32
    %c0_i32_0 = arith.constant 0 : i32
    %c0_i32_1 = arith.constant 0 : i32
    return %c0_i32, %c0_i32_0 : i32, i32
  }
  func.func @transform_4(%arg0: i32) -> (i32, i32) {
    %c0_i32 = arith.constant 0 : i32
    %c0_i32_0 = arith.constant 0 : i32
    return %arg0, %c0_i32 : i32, i32
  }
  func.func @transform_5(%arg0: i32) -> (i32, i32) {
    %c0_i32 = arith.constant 0 : i32
    %c0_i32_0 = arith.constant 0 : i32
    return %arg0, %c0_i32 : i32, i32
  }
}

module attributes {stable_mosaic.version = 14 : i64} {
  func.func @_comb_body(%arg0: i32, %arg1: memref<2x4096x32xf32, #tpu.memory_space<vmem>>, %arg2: memref<4096x32xf32, #tpu.memory_space<vmem>>, %arg3: memref<4096x1xf32, #tpu.memory_space<vmem>>, %arg4: memref<1x32xf32, #tpu.memory_space<vmem>>, %arg5: memref<4096x32xf32, #tpu.memory_space<vmem>>) attributes {dimension_semantics = [#tpu.dimension_semantics<arbitrary>], iteration_bounds = array<i64: 8>, scalar_prefetch = 0 : i64, scratch_operands = 0 : i64, tpu.core_type = #tpu.core_type<tc>, window_params = [{transform_indices = @transform_0, window_bounds = array<i64: 2, 4096, 32>}, {transform_indices = @transform_1, window_bounds = array<i64: 4096, 32>}, {transform_indices = @transform_2, window_bounds = array<i64: 4096, 1>}, {pipeline_mode = #tpu.pipeline_mode<synchronous>, transform_indices = @transform_3, window_bounds = array<i64: 1, 32>}, {transform_indices = @transform_4, window_bounds = array<i64: 4096, 32>}]} {
    %get3A = arith.constant 0 : index
    %get3A_0 = arith.constant 0 : index
    %get3A_1 = arith.constant 0 : index
    %get3A_2 = vector.load %arg1[%get3A, %get3A_0, %get3A_1] : memref<2x4096x32xf32, #tpu.memory_space<vmem>>, vector<1x4096x32xf32>
    %get3A_3 = vector.shape_cast %get3A_2 : vector<1x4096x32xf32> to vector<4096x32xf32>
    %get3A_4 = arith.constant 1 : index
    %get3A_5 = arith.constant 0 : index
    %get3A_6 = arith.constant 0 : index
    %get3A_7 = vector.load %arg1[%get3A_4, %get3A_5, %get3A_6] : memref<2x4096x32xf32, #tpu.memory_space<vmem>>, vector<1x4096x32xf32>
    %get3A_8 = vector.shape_cast %get3A_7 : vector<1x4096x32xf32> to vector<4096x32xf32>
    %add3A = arith.addf %get3A_3, %get3A_8 : vector<4096x32xf32>
    %get3A_9 = arith.constant 0 : index
    %get3A_10 = arith.constant 0 : index
    %get3A_11 = vector.load %arg2[%get3A_9, %get3A_10] : memref<4096x32xf32, #tpu.memory_space<vmem>>, vector<4096x32xf32>
    %add3A_12 = arith.addf %add3A, %get3A_11 : vector<4096x32xf32>
    %get3A_13 = arith.constant 0 : index
    %get3A_14 = arith.constant 0 : index
    %get3A_15 = vector.load %arg3[%get3A_13, %get3A_14] : memref<4096x1xf32, #tpu.memory_space<vmem>>, vector<4096x1xf32>
    %mul3A = vector.broadcast %get3A_15 : vector<4096x1xf32> to vector<4096x32xf32>
    %mul3A_16 = arith.mulf %mul3A, %add3A_12 : vector<4096x32xf32>
    %get3A_17 = arith.constant 0 : index
    %get3A_18 = arith.constant 0 : index
    %get3A_19 = vector.load %arg4[%get3A_17, %get3A_18] : memref<1x32xf32, #tpu.memory_space<vmem>>, vector<1x32xf32>
    %add3A_20 = vector.broadcast %get3A_19 : vector<1x32xf32> to vector<4096x32xf32>
    %add3A_21 = arith.addf %mul3A_16, %add3A_20 : vector<4096x32xf32>
    %max3A = arith.constant 0.000000e+00 : f32
    %max3A_22 = vector.broadcast %max3A : f32 to vector<4096x32xf32>
    %max3A_23 = arith.maximumf %add3A_21, %max3A_22 : vector<4096x32xf32>
    %swap3A = arith.constant 0 : index
    %swap3A_24 = arith.constant 0 : index
    %swap3A_25 = vector.load %arg5[%swap3A, %swap3A_24] : memref<4096x32xf32, #tpu.memory_space<vmem>>, vector<4096x32xf32>
    tpu.vector_store %arg5[%swap3A, %swap3A_24], %max3A_23 {strides = array<i32>} : memref<4096x32xf32, #tpu.memory_space<vmem>>, vector<4096x32xf32>,
    return
  }
  func.func @transform_0(%arg0: i32) -> (i32, i32, i32) {
    %c0_i32 = arith.constant 0 : i32
    %c0_i32_0 = arith.constant 0 : i32
    %c0_i32_1 = arith.constant 0 : i32
    return %c0_i32, %arg0, %c0_i32_0 : i32, i32, i32
  }
  func.func @transform_1(%arg0: i32) -> (i32, i32) {
    %c0_i32 = arith.constant 0 : i32
    %c0_i32_0 = arith.constant 0 : i32
    return %arg0, %c0_i32 : i32, i32
  }
  func.func @transform_2(%arg0: i32) -> (i32, i32) {
    %c0_i32 = arith.constant 0 : i32
    %c0_i32_0 = arith.constant 0 : i32
    return %arg0, %c0_i32 : i32, i32
  }
  func.func @transform_3(%arg0: i32) -> (i32, i32) {
    %c0_i32 = arith.constant 0 : i32
    %c0_i32_0 = arith.constant 0 : i32
    %c0_i32_1 = arith.constant 0 : i32
    return %c0_i32, %c0_i32_0 : i32, i32
  }
  func.func @transform_4(%arg0: i32) -> (i32, i32) {
    %c0_i32 = arith.constant 0 : i32
    %c0_i32_0 = arith.constant 0 : i32
    return %arg0, %c0_i32 : i32, i32
  }
}

module attributes {stable_mosaic.version = 14 : i64} {
  func.func @_prep_body(%arg0: i32, %arg1: memref<4096x32xf32, #tpu.memory_space<vmem>>, %arg2: memref<32x32xf32, #tpu.memory_space<vmem>>, %arg3: memref<4096x1xf32, #tpu.memory_space<vmem>>, %arg4: memref<4096x32xf32, #tpu.memory_space<vmem>>) attributes {dimension_semantics = [#tpu.dimension_semantics<arbitrary>], iteration_bounds = array<i64: 2>, scalar_prefetch = 0 : i64, scratch_operands = 0 : i64, tpu.core_type = #tpu.core_type<tc>, window_params = [{transform_indices = @transform_0, window_bounds = array<i64: 4096, 32>}, {pipeline_mode = #tpu.pipeline_mode<synchronous>, transform_indices = @transform_1, window_bounds = array<i64: 32, 32>}, {transform_indices = @transform_2, window_bounds = array<i64: 4096, 1>}, {transform_indices = @transform_3, window_bounds = array<i64: 4096, 32>}]} {
    %get3A = arith.constant 0 : index
    %get3A_0 = arith.constant 0 : index
    %get3A_1 = vector.load %arg1[%get3A, %get3A_0] : memref<4096x32xf32, #tpu.memory_space<vmem>>, vector<4096x32xf32>
    %get3A_2 = arith.constant 0 : index
    %get3A_3 = arith.constant 0 : index
    %get3A_4 = vector.load %arg2[%get3A_2, %get3A_3] : memref<32x32xf32, #tpu.memory_space<vmem>>, vector<32x32xf32>
    %dot_general3A = arith.constant dense<0.000000e+00> : vector<4096x32xf32>
    %dot_general3A_5 = tpu.matmul %get3A_1, %get3A_4, %dot_general3A {dimension_numbers = #tpu.dot_dimension_numbers<[1], [0], [0], [1], [0, 0, 1, 1], [], []>, transpose_lhs_hint = false} : vector<4096x32xf32>, vector<32x32xf32>, vector<4096x32xf32> -> vector<4096x32xf32>
    %get3A_6 = arith.constant 0 : index
    %get3A_7 = arith.constant 0 : index
    %get3A_8 = vector.load %arg3[%get3A_6, %get3A_7] : memref<4096x1xf32, #tpu.memory_space<vmem>>, vector<4096x1xf32>
    %mul3A = vector.broadcast %get3A_8 : vector<4096x1xf32> to vector<4096x32xf32>
    %mul3A_9 = arith.mulf %dot_general3A_5, %mul3A : vector<4096x32xf32>
    %swap3A = arith.constant 0 : index
    %swap3A_10 = arith.constant 0 : index
    %swap3A_11 = vector.load %arg4[%swap3A, %swap3A_10] : memref<4096x32xf32, #tpu.memory_space<vmem>>, vector<4096x32xf32>
    tpu.vector_store %arg4[%swap3A, %swap3A_10], %mul3A_9 {strides = array<i32>} : memref<4096x32xf32, #tpu.memory_space<vmem>>, vector<4096x32xf32>,
    return
  }
  func.func @transform_0(%arg0: i32) -> (i32, i32) {
    %c0_i32 = arith.constant 0 : i32
    %c0_i32_0 = arith.constant 0 : i32
    return %arg0, %c0_i32 : i32, i32
  }
  func.func @transform_1(%arg0: i32) -> (i32, i32) {
    %c0_i32 = arith.constant 0 : i32
    %c0_i32_0 = arith.constant 0 : i32
    %c0_i32_1 = arith.constant 0 : i32
    return %c0_i32, %c0_i32_0 : i32, i32
  }
  func.func @transform_2(%arg0: i32) -> (i32, i32) {
    %c0_i32 = arith.constant 0 : i32
    %c0_i32_0 = arith.constant 0 : i32
    return %arg0, %c0_i32 : i32, i32
  }
  func.func @transform_3(%arg0: i32) -> (i32, i32) {
    %c0_i32 = arith.constant 0 : i32
    %c0_i32_0 = arith.constant 0 : i32
    return %arg0, %c0_i32 : i32, i32
  }
}

module attributes {stable_mosaic.version = 14 : i64} {
  func.func @_comb_body(%arg0: i32, %arg1: memref<2x4096x32xf32, #tpu.memory_space<vmem>>, %arg2: memref<4096x32xf32, #tpu.memory_space<vmem>>, %arg3: memref<4096x1xf32, #tpu.memory_space<vmem>>, %arg4: memref<1x32xf32, #tpu.memory_space<vmem>>, %arg5: memref<4096x32xf32, #tpu.memory_space<vmem>>) attributes {dimension_semantics = [#tpu.dimension_semantics<arbitrary>], iteration_bounds = array<i64: 2>, scalar_prefetch = 0 : i64, scratch_operands = 0 : i64, tpu.core_type = #tpu.core_type<tc>, window_params = [{transform_indices = @transform_0, window_bounds = array<i64: 2, 4096, 32>}, {transform_indices = @transform_1, window_bounds = array<i64: 4096, 32>}, {transform_indices = @transform_2, window_bounds = array<i64: 4096, 1>}, {pipeline_mode = #tpu.pipeline_mode<synchronous>, transform_indices = @transform_3, window_bounds = array<i64: 1, 32>}, {transform_indices = @transform_4, window_bounds = array<i64: 4096, 32>}]} {
    %get3A = arith.constant 0 : index
    %get3A_0 = arith.constant 0 : index
    %get3A_1 = arith.constant 0 : index
    %get3A_2 = vector.load %arg1[%get3A, %get3A_0, %get3A_1] : memref<2x4096x32xf32, #tpu.memory_space<vmem>>, vector<1x4096x32xf32>
    %get3A_3 = vector.shape_cast %get3A_2 : vector<1x4096x32xf32> to vector<4096x32xf32>
    %get3A_4 = arith.constant 1 : index
    %get3A_5 = arith.constant 0 : index
    %get3A_6 = arith.constant 0 : index
    %get3A_7 = vector.load %arg1[%get3A_4, %get3A_5, %get3A_6] : memref<2x4096x32xf32, #tpu.memory_space<vmem>>, vector<1x4096x32xf32>
    %get3A_8 = vector.shape_cast %get3A_7 : vector<1x4096x32xf32> to vector<4096x32xf32>
    %add3A = arith.addf %get3A_3, %get3A_8 : vector<4096x32xf32>
    %get3A_9 = arith.constant 0 : index
    %get3A_10 = arith.constant 0 : index
    %get3A_11 = vector.load %arg2[%get3A_9, %get3A_10] : memref<4096x32xf32, #tpu.memory_space<vmem>>, vector<4096x32xf32>
    %add3A_12 = arith.addf %add3A, %get3A_11 : vector<4096x32xf32>
    %get3A_13 = arith.constant 0 : index
    %get3A_14 = arith.constant 0 : index
    %get3A_15 = vector.load %arg3[%get3A_13, %get3A_14] : memref<4096x1xf32, #tpu.memory_space<vmem>>, vector<4096x1xf32>
    %mul3A = vector.broadcast %get3A_15 : vector<4096x1xf32> to vector<4096x32xf32>
    %mul3A_16 = arith.mulf %mul3A, %add3A_12 : vector<4096x32xf32>
    %get3A_17 = arith.constant 0 : index
    %get3A_18 = arith.constant 0 : index
    %get3A_19 = vector.load %arg4[%get3A_17, %get3A_18] : memref<1x32xf32, #tpu.memory_space<vmem>>, vector<1x32xf32>
    %add3A_20 = vector.broadcast %get3A_19 : vector<1x32xf32> to vector<4096x32xf32>
    %add3A_21 = arith.addf %mul3A_16, %add3A_20 : vector<4096x32xf32>
    %max3A = arith.constant 0.000000e+00 : f32
    %max3A_22 = vector.broadcast %max3A : f32 to vector<4096x32xf32>
    %max3A_23 = arith.maximumf %add3A_21, %max3A_22 : vector<4096x32xf32>
    %swap3A = arith.constant 0 : index
    %swap3A_24 = arith.constant 0 : index
    %swap3A_25 = vector.load %arg5[%swap3A, %swap3A_24] : memref<4096x32xf32, #tpu.memory_space<vmem>>, vector<4096x32xf32>
    tpu.vector_store %arg5[%swap3A, %swap3A_24], %max3A_23 {strides = array<i32>} : memref<4096x32xf32, #tpu.memory_space<vmem>>, vector<4096x32xf32>,
    return
  }
  func.func @transform_0(%arg0: i32) -> (i32, i32, i32) {
    %c0_i32 = arith.constant 0 : i32
    %c0_i32_0 = arith.constant 0 : i32
    %c0_i32_1 = arith.constant 0 : i32
    return %c0_i32, %arg0, %c0_i32_0 : i32, i32, i32
  }
  func.func @transform_1(%arg0: i32) -> (i32, i32) {
    %c0_i32 = arith.constant 0 : i32
    %c0_i32_0 = arith.constant 0 : i32
    return %arg0, %c0_i32 : i32, i32
  }
  func.func @transform_2(%arg0: i32) -> (i32, i32) {
    %c0_i32 = arith.constant 0 : i32
    %c0_i32_0 = arith.constant 0 : i32
    return %arg0, %c0_i32 : i32, i32
  }
  func.func @transform_3(%arg0: i32) -> (i32, i32) {
    %c0_i32 = arith.constant 0 : i32
    %c0_i32_0 = arith.constant 0 : i32
    %c0_i32_1 = arith.constant 0 : i32
    return %c0_i32, %c0_i32_0 : i32, i32
  }
  func.func @transform_4(%arg0: i32) -> (i32, i32) {
    %c0_i32 = arith.constant 0 : i32
    %c0_i32_0 = arith.constant 0 : i32
    return %arg0, %c0_i32 : i32, i32
  }
}

module attributes {stable_mosaic.version = 14 : i64} {
  func.func @_prep_body(%arg0: i32, %arg1: memref<2048x32xf32, #tpu.memory_space<vmem>>, %arg2: memref<32x32xf32, #tpu.memory_space<vmem>>, %arg3: memref<2048x1xf32, #tpu.memory_space<vmem>>, %arg4: memref<2048x32xf32, #tpu.memory_space<vmem>>) attributes {dimension_semantics = [#tpu.dimension_semantics<arbitrary>], iteration_bounds = array<i64: 1>, scalar_prefetch = 0 : i64, scratch_operands = 0 : i64, tpu.core_type = #tpu.core_type<tc>, window_params = [{transform_indices = @transform_0, window_bounds = array<i64: 2048, 32>}, {pipeline_mode = #tpu.pipeline_mode<synchronous>, transform_indices = @transform_1, window_bounds = array<i64: 32, 32>}, {transform_indices = @transform_2, window_bounds = array<i64: 2048, 1>}, {transform_indices = @transform_3, window_bounds = array<i64: 2048, 32>}]} {
    %get3A = arith.constant 0 : index
    %get3A_0 = arith.constant 0 : index
    %get3A_1 = vector.load %arg1[%get3A, %get3A_0] : memref<2048x32xf32, #tpu.memory_space<vmem>>, vector<2048x32xf32>
    %get3A_2 = arith.constant 0 : index
    %get3A_3 = arith.constant 0 : index
    %get3A_4 = vector.load %arg2[%get3A_2, %get3A_3] : memref<32x32xf32, #tpu.memory_space<vmem>>, vector<32x32xf32>
    %dot_general3A = arith.constant dense<0.000000e+00> : vector<2048x32xf32>
    %dot_general3A_5 = tpu.matmul %get3A_1, %get3A_4, %dot_general3A {dimension_numbers = #tpu.dot_dimension_numbers<[1], [0], [0], [1], [0, 0, 1, 1], [], []>, transpose_lhs_hint = false} : vector<2048x32xf32>, vector<32x32xf32>, vector<2048x32xf32> -> vector<2048x32xf32>
    %get3A_6 = arith.constant 0 : index
    %get3A_7 = arith.constant 0 : index
    %get3A_8 = vector.load %arg3[%get3A_6, %get3A_7] : memref<2048x1xf32, #tpu.memory_space<vmem>>, vector<2048x1xf32>
    %mul3A = vector.broadcast %get3A_8 : vector<2048x1xf32> to vector<2048x32xf32>
    %mul3A_9 = arith.mulf %dot_general3A_5, %mul3A : vector<2048x32xf32>
    %swap3A = arith.constant 0 : index
    %swap3A_10 = arith.constant 0 : index
    %swap3A_11 = vector.load %arg4[%swap3A, %swap3A_10] : memref<2048x32xf32, #tpu.memory_space<vmem>>, vector<2048x32xf32>
    tpu.vector_store %arg4[%swap3A, %swap3A_10], %mul3A_9 {strides = array<i32>} : memref<2048x32xf32, #tpu.memory_space<vmem>>, vector<2048x32xf32>,
    return
  }
  func.func @transform_0(%arg0: i32) -> (i32, i32) {
    %c0_i32 = arith.constant 0 : i32
    %c0_i32_0 = arith.constant 0 : i32
    return %arg0, %c0_i32 : i32, i32
  }
  func.func @transform_1(%arg0: i32) -> (i32, i32) {
    %c0_i32 = arith.constant 0 : i32
    %c0_i32_0 = arith.constant 0 : i32
    %c0_i32_1 = arith.constant 0 : i32
    return %c0_i32, %c0_i32_0 : i32, i32
  }
  func.func @transform_2(%arg0: i32) -> (i32, i32) {
    %c0_i32 = arith.constant 0 : i32
    %c0_i32_0 = arith.constant 0 : i32
    return %arg0, %c0_i32 : i32, i32
  }
  func.func @transform_3(%arg0: i32) -> (i32, i32) {
    %c0_i32 = arith.constant 0 : i32
    %c0_i32_0 = arith.constant 0 : i32
    return %arg0, %c0_i32 : i32, i32
  }
}

module attributes {stable_mosaic.version = 14 : i64} {
  func.func @_comb_body(%arg0: i32, %arg1: memref<2x2048x32xf32, #tpu.memory_space<vmem>>, %arg2: memref<2048x32xf32, #tpu.memory_space<vmem>>, %arg3: memref<2048x1xf32, #tpu.memory_space<vmem>>, %arg4: memref<1x32xf32, #tpu.memory_space<vmem>>, %arg5: memref<2048x32xf32, #tpu.memory_space<vmem>>) attributes {dimension_semantics = [#tpu.dimension_semantics<arbitrary>], iteration_bounds = array<i64: 1>, scalar_prefetch = 0 : i64, scratch_operands = 0 : i64, tpu.core_type = #tpu.core_type<tc>, window_params = [{transform_indices = @transform_0, window_bounds = array<i64: 2, 2048, 32>}, {transform_indices = @transform_1, window_bounds = array<i64: 2048, 32>}, {transform_indices = @transform_2, window_bounds = array<i64: 2048, 1>}, {pipeline_mode = #tpu.pipeline_mode<synchronous>, transform_indices = @transform_3, window_bounds = array<i64: 1, 32>}, {transform_indices = @transform_4, window_bounds = array<i64: 2048, 32>}]} {
    %get3A = arith.constant 0 : index
    %get3A_0 = arith.constant 0 : index
    %get3A_1 = arith.constant 0 : index
    %get3A_2 = vector.load %arg1[%get3A, %get3A_0, %get3A_1] : memref<2x2048x32xf32, #tpu.memory_space<vmem>>, vector<1x2048x32xf32>
    %get3A_3 = vector.shape_cast %get3A_2 : vector<1x2048x32xf32> to vector<2048x32xf32>
    %get3A_4 = arith.constant 1 : index
    %get3A_5 = arith.constant 0 : index
    %get3A_6 = arith.constant 0 : index
    %get3A_7 = vector.load %arg1[%get3A_4, %get3A_5, %get3A_6] : memref<2x2048x32xf32, #tpu.memory_space<vmem>>, vector<1x2048x32xf32>
    %get3A_8 = vector.shape_cast %get3A_7 : vector<1x2048x32xf32> to vector<2048x32xf32>
    %add3A = arith.addf %get3A_3, %get3A_8 : vector<2048x32xf32>
    %get3A_9 = arith.constant 0 : index
    %get3A_10 = arith.constant 0 : index
    %get3A_11 = vector.load %arg2[%get3A_9, %get3A_10] : memref<2048x32xf32, #tpu.memory_space<vmem>>, vector<2048x32xf32>
    %add3A_12 = arith.addf %add3A, %get3A_11 : vector<2048x32xf32>
    %get3A_13 = arith.constant 0 : index
    %get3A_14 = arith.constant 0 : index
    %get3A_15 = vector.load %arg3[%get3A_13, %get3A_14] : memref<2048x1xf32, #tpu.memory_space<vmem>>, vector<2048x1xf32>
    %mul3A = vector.broadcast %get3A_15 : vector<2048x1xf32> to vector<2048x32xf32>
    %mul3A_16 = arith.mulf %mul3A, %add3A_12 : vector<2048x32xf32>
    %get3A_17 = arith.constant 0 : index
    %get3A_18 = arith.constant 0 : index
    %get3A_19 = vector.load %arg4[%get3A_17, %get3A_18] : memref<1x32xf32, #tpu.memory_space<vmem>>, vector<1x32xf32>
    %add3A_20 = vector.broadcast %get3A_19 : vector<1x32xf32> to vector<2048x32xf32>
    %add3A_21 = arith.addf %mul3A_16, %add3A_20 : vector<2048x32xf32>
    %max3A = arith.constant 0.000000e+00 : f32
    %max3A_22 = vector.broadcast %max3A : f32 to vector<2048x32xf32>
    %max3A_23 = arith.maximumf %add3A_21, %max3A_22 : vector<2048x32xf32>
    %swap3A = arith.constant 0 : index
    %swap3A_24 = arith.constant 0 : index
    %swap3A_25 = vector.load %arg5[%swap3A, %swap3A_24] : memref<2048x32xf32, #tpu.memory_space<vmem>>, vector<2048x32xf32>
    tpu.vector_store %arg5[%swap3A, %swap3A_24], %max3A_23 {strides = array<i32>} : memref<2048x32xf32, #tpu.memory_space<vmem>>, vector<2048x32xf32>,
    return
  }
  func.func @transform_0(%arg0: i32) -> (i32, i32, i32) {
    %c0_i32 = arith.constant 0 : i32
    %c0_i32_0 = arith.constant 0 : i32
    %c0_i32_1 = arith.constant 0 : i32
    return %c0_i32, %arg0, %c0_i32_0 : i32, i32, i32
  }
  func.func @transform_1(%arg0: i32) -> (i32, i32) {
    %c0_i32 = arith.constant 0 : i32
    %c0_i32_0 = arith.constant 0 : i32
    return %arg0, %c0_i32 : i32, i32
  }
  func.func @transform_2(%arg0: i32) -> (i32, i32) {
    %c0_i32 = arith.constant 0 : i32
    %c0_i32_0 = arith.constant 0 : i32
    return %arg0, %c0_i32 : i32, i32
  }
  func.func @transform_3(%arg0: i32) -> (i32, i32) {
    %c0_i32 = arith.constant 0 : i32
    %c0_i32_0 = arith.constant 0 : i32
    %c0_i32_1 = arith.constant 0 : i32
    return %c0_i32, %c0_i32_0 : i32, i32
  }
  func.func @transform_4(%arg0: i32) -> (i32, i32) {
    %c0_i32 = arith.constant 0 : i32
    %c0_i32_0 = arith.constant 0 : i32
    return %arg0, %c0_i32 : i32, i32
  }
}

module attributes {stable_mosaic.version = 14 : i64} {
  func.func @_prep_add_body(%arg0: i32, %arg1: memref<4096x32xf32, #tpu.memory_space<vmem>>, %arg2: memref<4096x32xf32, #tpu.memory_space<vmem>>, %arg3: memref<32x32xf32, #tpu.memory_space<vmem>>, %arg4: memref<4096x1xf32, #tpu.memory_space<vmem>>, %arg5: memref<4096x32xf32, #tpu.memory_space<vmem>>) attributes {dimension_semantics = [#tpu.dimension_semantics<arbitrary>], iteration_bounds = array<i64: 2>, scalar_prefetch = 0 : i64, scratch_operands = 0 : i64, tpu.core_type = #tpu.core_type<tc>, window_params = [{transform_indices = @transform_0, window_bounds = array<i64: 4096, 32>}, {transform_indices = @transform_1, window_bounds = array<i64: 4096, 32>}, {pipeline_mode = #tpu.pipeline_mode<synchronous>, transform_indices = @transform_2, window_bounds = array<i64: 32, 32>}, {transform_indices = @transform_3, window_bounds = array<i64: 4096, 1>}, {transform_indices = @transform_4, window_bounds = array<i64: 4096, 32>}]} {
    %get3A = arith.constant 0 : index
    %get3A_0 = arith.constant 0 : index
    %get3A_1 = vector.load %arg1[%get3A, %get3A_0] : memref<4096x32xf32, #tpu.memory_space<vmem>>, vector<4096x32xf32>
    %get3A_2 = arith.constant 0 : index
    %get3A_3 = arith.constant 0 : index
    %get3A_4 = vector.load %arg2[%get3A_2, %get3A_3] : memref<4096x32xf32, #tpu.memory_space<vmem>>, vector<4096x32xf32>
    %add3A = arith.addf %get3A_1, %get3A_4 : vector<4096x32xf32>
    %get3A_5 = arith.constant 0 : index
    %get3A_6 = arith.constant 0 : index
    %get3A_7 = vector.load %arg3[%get3A_5, %get3A_6] : memref<32x32xf32, #tpu.memory_space<vmem>>, vector<32x32xf32>
    %dot_general3A = arith.constant dense<0.000000e+00> : vector<4096x32xf32>
    %dot_general3A_8 = tpu.matmul %add3A, %get3A_7, %dot_general3A {dimension_numbers = #tpu.dot_dimension_numbers<[1], [0], [0], [1], [0, 0, 1, 1], [], []>, transpose_lhs_hint = false} : vector<4096x32xf32>, vector<32x32xf32>, vector<4096x32xf32> -> vector<4096x32xf32>
    %get3A_9 = arith.constant 0 : index
    %get3A_10 = arith.constant 0 : index
    %get3A_11 = vector.load %arg4[%get3A_9, %get3A_10] : memref<4096x1xf32, #tpu.memory_space<vmem>>, vector<4096x1xf32>
    %mul3A = vector.broadcast %get3A_11 : vector<4096x1xf32> to vector<4096x32xf32>
    %mul3A_12 = arith.mulf %dot_general3A_8, %mul3A : vector<4096x32xf32>
    %swap3A = arith.constant 0 : index
    %swap3A_13 = arith.constant 0 : index
    %swap3A_14 = vector.load %arg5[%swap3A, %swap3A_13] : memref<4096x32xf32, #tpu.memory_space<vmem>>, vector<4096x32xf32>
    tpu.vector_store %arg5[%swap3A, %swap3A_13], %mul3A_12 {strides = array<i32>} : memref<4096x32xf32, #tpu.memory_space<vmem>>, vector<4096x32xf32>,
    return
  }
  func.func @transform_0(%arg0: i32) -> (i32, i32) {
    %c0_i32 = arith.constant 0 : i32
    %c0_i32_0 = arith.constant 0 : i32
    return %arg0, %c0_i32 : i32, i32
  }
  func.func @transform_1(%arg0: i32) -> (i32, i32) {
    %c0_i32 = arith.constant 0 : i32
    %c0_i32_0 = arith.constant 0 : i32
    return %arg0, %c0_i32 : i32, i32
  }
  func.func @transform_2(%arg0: i32) -> (i32, i32) {
    %c0_i32 = arith.constant 0 : i32
    %c0_i32_0 = arith.constant 0 : i32
    %c0_i32_1 = arith.constant 0 : i32
    return %c0_i32, %c0_i32_0 : i32, i32
  }
  func.func @transform_3(%arg0: i32) -> (i32, i32) {
    %c0_i32 = arith.constant 0 : i32
    %c0_i32_0 = arith.constant 0 : i32
    return %arg0, %c0_i32 : i32, i32
  }
  func.func @transform_4(%arg0: i32) -> (i32, i32) {
    %c0_i32 = arith.constant 0 : i32
    %c0_i32_0 = arith.constant 0 : i32
    return %arg0, %c0_i32 : i32, i32
  }
}

module attributes {stable_mosaic.version = 14 : i64} {
  func.func @_prep_add_body(%arg0: i32, %arg1: memref<4096x32xf32, #tpu.memory_space<vmem>>, %arg2: memref<4096x32xf32, #tpu.memory_space<vmem>>, %arg3: memref<32x32xf32, #tpu.memory_space<vmem>>, %arg4: memref<4096x1xf32, #tpu.memory_space<vmem>>, %arg5: memref<4096x32xf32, #tpu.memory_space<vmem>>) attributes {dimension_semantics = [#tpu.dimension_semantics<arbitrary>], iteration_bounds = array<i64: 8>, scalar_prefetch = 0 : i64, scratch_operands = 0 : i64, tpu.core_type = #tpu.core_type<tc>, window_params = [{transform_indices = @transform_0, window_bounds = array<i64: 4096, 32>}, {transform_indices = @transform_1, window_bounds = array<i64: 4096, 32>}, {pipeline_mode = #tpu.pipeline_mode<synchronous>, transform_indices = @transform_2, window_bounds = array<i64: 32, 32>}, {transform_indices = @transform_3, window_bounds = array<i64: 4096, 1>}, {transform_indices = @transform_4, window_bounds = array<i64: 4096, 32>}]} {
    %get3A = arith.constant 0 : index
    %get3A_0 = arith.constant 0 : index
    %get3A_1 = vector.load %arg1[%get3A, %get3A_0] : memref<4096x32xf32, #tpu.memory_space<vmem>>, vector<4096x32xf32>
    %get3A_2 = arith.constant 0 : index
    %get3A_3 = arith.constant 0 : index
    %get3A_4 = vector.load %arg2[%get3A_2, %get3A_3] : memref<4096x32xf32, #tpu.memory_space<vmem>>, vector<4096x32xf32>
    %add3A = arith.addf %get3A_1, %get3A_4 : vector<4096x32xf32>
    %get3A_5 = arith.constant 0 : index
    %get3A_6 = arith.constant 0 : index
    %get3A_7 = vector.load %arg3[%get3A_5, %get3A_6] : memref<32x32xf32, #tpu.memory_space<vmem>>, vector<32x32xf32>
    %dot_general3A = arith.constant dense<0.000000e+00> : vector<4096x32xf32>
    %dot_general3A_8 = tpu.matmul %add3A, %get3A_7, %dot_general3A {dimension_numbers = #tpu.dot_dimension_numbers<[1], [0], [0], [1], [0, 0, 1, 1], [], []>, transpose_lhs_hint = false} : vector<4096x32xf32>, vector<32x32xf32>, vector<4096x32xf32> -> vector<4096x32xf32>
    %get3A_9 = arith.constant 0 : index
    %get3A_10 = arith.constant 0 : index
    %get3A_11 = vector.load %arg4[%get3A_9, %get3A_10] : memref<4096x1xf32, #tpu.memory_space<vmem>>, vector<4096x1xf32>
    %mul3A = vector.broadcast %get3A_11 : vector<4096x1xf32> to vector<4096x32xf32>
    %mul3A_12 = arith.mulf %dot_general3A_8, %mul3A : vector<4096x32xf32>
    %swap3A = arith.constant 0 : index
    %swap3A_13 = arith.constant 0 : index
    %swap3A_14 = vector.load %arg5[%swap3A, %swap3A_13] : memref<4096x32xf32, #tpu.memory_space<vmem>>, vector<4096x32xf32>
    tpu.vector_store %arg5[%swap3A, %swap3A_13], %mul3A_12 {strides = array<i32>} : memref<4096x32xf32, #tpu.memory_space<vmem>>, vector<4096x32xf32>,
    return
  }
  func.func @transform_0(%arg0: i32) -> (i32, i32) {
    %c0_i32 = arith.constant 0 : i32
    %c0_i32_0 = arith.constant 0 : i32
    return %arg0, %c0_i32 : i32, i32
  }
  func.func @transform_1(%arg0: i32) -> (i32, i32) {
    %c0_i32 = arith.constant 0 : i32
    %c0_i32_0 = arith.constant 0 : i32
    return %arg0, %c0_i32 : i32, i32
  }
  func.func @transform_2(%arg0: i32) -> (i32, i32) {
    %c0_i32 = arith.constant 0 : i32
    %c0_i32_0 = arith.constant 0 : i32
    %c0_i32_1 = arith.constant 0 : i32
    return %c0_i32, %c0_i32_0 : i32, i32
  }
  func.func @transform_3(%arg0: i32) -> (i32, i32) {
    %c0_i32 = arith.constant 0 : i32
    %c0_i32_0 = arith.constant 0 : i32
    return %arg0, %c0_i32 : i32, i32
  }
  func.func @transform_4(%arg0: i32) -> (i32, i32) {
    %c0_i32 = arith.constant 0 : i32
    %c0_i32_0 = arith.constant 0 : i32
    return %arg0, %c0_i32 : i32, i32
  }
}

module attributes {stable_mosaic.version = 14 : i64} {
  func.func @_comb_fc2_body(%arg0: i32, %arg1: memref<2x4096x32xf32, #tpu.memory_space<vmem>>, %arg2: memref<4096x32xf32, #tpu.memory_space<vmem>>, %arg3: memref<4096x1xf32, #tpu.memory_space<vmem>>, %arg4: memref<1x32xf32, #tpu.memory_space<vmem>>, %arg5: memref<32x2xf32, #tpu.memory_space<vmem>>, %arg6: memref<1x2xf32, #tpu.memory_space<vmem>>, %arg7: memref<4096x2xf32, #tpu.memory_space<vmem>>) attributes {dimension_semantics = [#tpu.dimension_semantics<arbitrary>], iteration_bounds = array<i64: 8>, scalar_prefetch = 0 : i64, scratch_operands = 0 : i64, tpu.core_type = #tpu.core_type<tc>, window_params = [{transform_indices = @transform_0, window_bounds = array<i64: 2, 4096, 32>}, {transform_indices = @transform_1, window_bounds = array<i64: 4096, 32>}, {transform_indices = @transform_2, window_bounds = array<i64: 4096, 1>}, {pipeline_mode = #tpu.pipeline_mode<synchronous>, transform_indices = @transform_3, window_bounds = array<i64: 1, 32>}, {pipeline_mode = #tpu.pipeline_mode<synchronous>, transform_indices = @transform_4, window_bounds = array<i64: 32, 2>}, {pipeline_mode = #tpu.pipeline_mode<synchronous>, transform_indices = @transform_5, window_bounds = array<i64: 1, 2>}, {transform_indices = @transform_6, window_bounds = array<i64: 4096, 2>}]} {
    %get3A = arith.constant 0 : index
    %get3A_0 = arith.constant 0 : index
    %get3A_1 = arith.constant 0 : index
    %get3A_2 = vector.load %arg1[%get3A, %get3A_0, %get3A_1] : memref<2x4096x32xf32, #tpu.memory_space<vmem>>, vector<1x4096x32xf32>
    %get3A_3 = vector.shape_cast %get3A_2 : vector<1x4096x32xf32> to vector<4096x32xf32>
    %get3A_4 = arith.constant 1 : index
    %get3A_5 = arith.constant 0 : index
    %get3A_6 = arith.constant 0 : index
    %get3A_7 = vector.load %arg1[%get3A_4, %get3A_5, %get3A_6] : memref<2x4096x32xf32, #tpu.memory_space<vmem>>, vector<1x4096x32xf32>
    %get3A_8 = vector.shape_cast %get3A_7 : vector<1x4096x32xf32> to vector<4096x32xf32>
    %add3A = arith.addf %get3A_3, %get3A_8 : vector<4096x32xf32>
    %get3A_9 = arith.constant 0 : index
    %get3A_10 = arith.constant 0 : index
    %get3A_11 = vector.load %arg2[%get3A_9, %get3A_10] : memref<4096x32xf32, #tpu.memory_space<vmem>>, vector<4096x32xf32>
    %add3A_12 = arith.addf %add3A, %get3A_11 : vector<4096x32xf32>
    %get3A_13 = arith.constant 0 : index
    %get3A_14 = arith.constant 0 : index
    %get3A_15 = vector.load %arg3[%get3A_13, %get3A_14] : memref<4096x1xf32, #tpu.memory_space<vmem>>, vector<4096x1xf32>
    %mul3A = vector.broadcast %get3A_15 : vector<4096x1xf32> to vector<4096x32xf32>
    %mul3A_16 = arith.mulf %mul3A, %add3A_12 : vector<4096x32xf32>
    %get3A_17 = arith.constant 0 : index
    %get3A_18 = arith.constant 0 : index
    %get3A_19 = vector.load %arg4[%get3A_17, %get3A_18] : memref<1x32xf32, #tpu.memory_space<vmem>>, vector<1x32xf32>
    %add3A_20 = vector.broadcast %get3A_19 : vector<1x32xf32> to vector<4096x32xf32>
    %add3A_21 = arith.addf %mul3A_16, %add3A_20 : vector<4096x32xf32>
    %max3A = arith.constant 0.000000e+00 : f32
    %max3A_22 = vector.broadcast %max3A : f32 to vector<4096x32xf32>
    %max3A_23 = arith.maximumf %add3A_21, %max3A_22 : vector<4096x32xf32>
    %get3A_24 = arith.constant 0 : index
    %get3A_25 = arith.constant 0 : index
    %get3A_26 = vector.load %arg5[%get3A_24, %get3A_25] : memref<32x2xf32, #tpu.memory_space<vmem>>, vector<32x2xf32>
    %dot_general3A = arith.constant dense<0.000000e+00> : vector<4096x2xf32>
    %dot_general3A_27 = tpu.matmul %max3A_23, %get3A_26, %dot_general3A {dimension_numbers = #tpu.dot_dimension_numbers<[1], [0], [0], [1], [0, 0, 1, 1], [], []>, transpose_lhs_hint = false} : vector<4096x32xf32>, vector<32x2xf32>, vector<4096x2xf32> -> vector<4096x2xf32>
    %get3A_28 = arith.constant 0 : index
    %get3A_29 = arith.constant 0 : index
    %get3A_30 = vector.load %arg6[%get3A_28, %get3A_29] : memref<1x2xf32, #tpu.memory_space<vmem>>, vector<1x2xf32>
    %add3A_31 = vector.broadcast %get3A_30 : vector<1x2xf32> to vector<4096x2xf32>
    %add3A_32 = arith.addf %dot_general3A_27, %add3A_31 : vector<4096x2xf32>
    %swap3A = arith.constant 0 : index
    %swap3A_33 = arith.constant 0 : index
    %swap3A_34 = vector.load %arg7[%swap3A, %swap3A_33] : memref<4096x2xf32, #tpu.memory_space<vmem>>, vector<4096x2xf32>
    tpu.vector_store %arg7[%swap3A, %swap3A_33], %add3A_32 {strides = array<i32>} : memref<4096x2xf32, #tpu.memory_space<vmem>>, vector<4096x2xf32>,
    return
  }
  func.func @transform_0(%arg0: i32) -> (i32, i32, i32) {
    %c0_i32 = arith.constant 0 : i32
    %c0_i32_0 = arith.constant 0 : i32
    %c0_i32_1 = arith.constant 0 : i32
    return %c0_i32, %arg0, %c0_i32_0 : i32, i32, i32
  }
  func.func @transform_1(%arg0: i32) -> (i32, i32) {
    %c0_i32 = arith.constant 0 : i32
    %c0_i32_0 = arith.constant 0 : i32
    return %arg0, %c0_i32 : i32, i32
  }
  func.func @transform_2(%arg0: i32) -> (i32, i32) {
    %c0_i32 = arith.constant 0 : i32
    %c0_i32_0 = arith.constant 0 : i32
    return %arg0, %c0_i32 : i32, i32
  }
  func.func @transform_3(%arg0: i32) -> (i32, i32) {
    %c0_i32 = arith.constant 0 : i32
    %c0_i32_0 = arith.constant 0 : i32
    %c0_i32_1 = arith.constant 0 : i32
    return %c0_i32, %c0_i32_0 : i32, i32
  }
  func.func @transform_4(%arg0: i32) -> (i32, i32) {
    %c0_i32 = arith.constant 0 : i32
    %c0_i32_0 = arith.constant 0 : i32
    %c0_i32_1 = arith.constant 0 : i32
    return %c0_i32, %c0_i32_0 : i32, i32
  }
  func.func @transform_5(%arg0: i32) -> (i32, i32) {
    %c0_i32 = arith.constant 0 : i32
    %c0_i32_0 = arith.constant 0 : i32
    %c0_i32_1 = arith.constant 0 : i32
    return %c0_i32, %c0_i32_0 : i32, i32
  }
  func.func @transform_6(%arg0: i32) -> (i32, i32) {
    %c0_i32 = arith.constant 0 : i32
    %c0_i32_0 = arith.constant 0 : i32
    return %arg0, %c0_i32 : i32, i32
  }
}

</mosaic_0001>

<sc_bundles>
// kernel: kernel.19.cloned.1.call-start
scs
__scs_entry_jumppad:
0x0: {  	(pc) =	sbr.rel $0x88, $3  }
0x1: {  	(tag) =	ssettag $0x0;
	lr =	simm.s32 $0x1  }
0x2: {  	[smem:$0x3F8F] =	sst lr;
	_ =	strace $0xD0000000  }
0x3: {  	_ = 	snop  }
0x4: {  	_ = 	snop  }
0x5: {  	_ = 	snop  }
0x6: {  	_ = 	snop  }
0x7: {  	_ = 	snop  }
__scs_overlays_trampoline_lowered:
0x8: {  	[smem:$0x3F9E] =	sst s0  }
0x9: {  	[smem:$0x3F9F] =	sst s1  }
0xa: {  	[smem:$0x3FA0] =	sst s2  }
0xb: {  	[smem:$0x3FA1] =	sst s3  }
0xc: {  	[smem:$0x3FA2] =	sst s4  }
0xd: {  	[smem:$0x3FA3] =	sst s5  }
0xe: {  	[smem:$0x3FA4] =	sst s6  }
0xf: {  	[smem:$0x3FA5] =	sst s7  }
0x10: {  	[smem:$0x3FA6] =	sst s8  }
0x11: {  	[smem:$0x3FA7] =	sst s9;
	s0 =	simm.s32 @!p0 $0x0  }
0x12: {  	s1 =	sld [smem:$0x3F8D];
	s0 =	simm.s32 @p0 $0x1  }
0x13: {  	[smem:$0x3FA8] =	sst s0;
	s0 =	simm.s32 @!p1 $0x0  }
0x14: {  	s2 =	sld [smem:$0x3F8C];
	s0 =	simm.s32 @p1 $0x1  }
0x15: {  	[smem:$0x3FA9] =	sst s0;
	s0 =	simm.s32 @!p2 $0x0  }
0x16: {  	s3 =	sld [smem:$0x3FDB];
	s0 =	simm.s32 @p2 $0x1  }
0x17: {  	s4 =	simm.s32 $0x1BF5;
	[smem:$0x3FAB] =	sst s0  }
0x18: {  	s0 =	sld [smem:$0x3F8E];
	_ =	swait.ge [sflag:s4], $0x0  }
0x19: {  	s7 =	sld [smem:$0x3F8F]  }
0x1a: {  	s8 =	sadd.s32 $0xFFFFE003, lr  }
0x1b: {  	s9 =	sadd.s32 $0xFFFFFEF7, lr;
	s5 =	simm.s32 $0xFFFFFFFF;
	p2 =	slt.u32 s8, $0xFFFFF086  }
0x1c: {  	p1 =	slt.u32 s9, $0xF7A;
	s5 =	simm.s32 @!p2 $0x0  }
0x1d: {  	s5 =	simm.s32 @p1 $0x1;
	p0 =	seq.s32 s7, s2  }
0x1e: {  	s7 =	smul.u32 @!p0 $0xF7A, s2;
	p2 =	seq.s32 @!p0 s5, $0x0  }
0x1f: {  	s9 =	smul.u32 $0xF7A, s1;
	s8 =	simm.s32 @!p0 $0x1BF5;
	p2 =	por !p2, p0  }
0x20: {  	[sflag:s8] =	ssyncset.s32 @!p0 $0xFFFFF086;
	s6 =	sadd.s32 @!p0 s3, s7;
	s7 =	simm.s32 @!p0 $0x108  }
0x21: {  	s3 =	sadd.s32 s3, s9;
	s6 =	sadd.s32 @!p0 $0x88, s6;
	s7 =	simm.s32 @p2 $0x1082  }
0x22: {  	[simem:s7], [sflag:s8] =	dma.local @!p0 [hbm:s6], $0xF7A  }
0x23: {  	s9 =	sor.u32 $0xD0000000, s2;
	s6 =	simm.s32 $0x108;
	_ =	swait.ge @!p0 [sflag:s8], $0x0  }
0x24: {  	s3 =	sadd.s32 $0x88, s3;
	s6 =	simm.s32 @!p1 $0x1082;
	[sflag:s4] =	ssyncset.s32 $0xFFFFF086  }
0x25: {  	[simem:s6], [sflag:s4] =	dma.local [hbm:s3], $0xF7A  }
0x26: {  	[smem:$0x3F8F] =	sst s1;
	(tag) =	ssettag s2;
	_ =	strace s9  }
0x27: {  	s1 =	sld [smem:$0x3F9F]  }
0x28: {  	s2 =	sld [smem:$0x3FA0]  }
0x29: {  	s4 =	sld [smem:$0x3FA2]  }
0x2a: {  	p0 =	seq.s32 s5, $0x0;
	s5 =	sld [smem:$0x3FA3]  }
0x2b: {  	s6 =	sld [smem:$0x3FA4]  }
0x2c: {  	s7 =	sld [smem:$0x3FA5]  }
0x2d: {  	s3 =	simm.s32 $0x108;
	s8 =	sld [smem:$0x3FA6]  }
0x2e: {  	s3 =	simm.s32 @!p0 $0x1082;
	s9 =	sld [smem:$0x3FA7]  }
0x2f: {  	lr =	sadd.s32 s0, s3;
	s0 =	sld [smem:$0x3F9E]  }
0x30: {  	s3 =	sld [smem:$0x3FA1]  }
0x31: {  	[smem:$0x3FAA] =	sst s10  }
0x32: {  	s10 =	sld [smem:$0x3FA8];
	_ =	sdelay $0x3  }
0x33: {  	p0 =	seq.s32 s10, $0x1;
	s10 =	sld [smem:$0x3FAA];
	_ =	sdelay $0x3  }
0x34: {  	[smem:$0x3FAA] =	sst s10  }
0x35: {  	s10 =	sld [smem:$0x3FA9];
	_ =	sdelay $0x3  }
0x36: {  	p1 =	seq.s32 s10, $0x1;
	s10 =	sld [smem:$0x3FAA];
	_ =	sdelay $0x3  }
0x37: {  	[smem:$0x3FAA] =	sst s10  }
0x38: {  	s10 =	sld [smem:$0x3FAB]  }
0x39: {  	_ = 	snop;
	(pc) =	sbr.ind lr, $3  }
0x3a: {  	_ = 	snop  }
0x3b: {  	_ = 	snop  }
0x3c: {  	p2 =	seq.s32 s10, $0x1;
	s10 =	sld [smem:$0x3FAA]  }
0x3d: {  	_ =	shalt  }
0x3e: {  	_ =	shalt  }
0x3f: {  	_ =	shalt  }
0x40: {  	_ =	shalt  }
0x41: {  	_ =	shalt  }
0x42: {  	_ =	shalt  }
0x43: {  	_ =	shalt  }
0x44: {  	_ =	shalt  }
0x45: {  	_ =	shalt  }
0x46: {  	_ =	shalt  }
0x47: {  	_ =	shalt  }
0x48: {  	_ =	shalt  }
0x49: {  	_ =	shalt  }
0x4a: {  	_ =	shalt  }
0x4b: {  	_ =	shalt  }
0x4c: {  	_ =	shalt  }
0x4d: {  	_ =	shalt  }
0x4e: {  	_ =	shalt  }
0x4f: {  	_ =	shalt  }
0x50: {  	_ =	shalt  }
0x51: {  	_ =	shalt  }
0x52: {  	_ =	shalt  }
0x53: {  	_ =	shalt  }
0x54: {  	_ =	shalt  }
0x55: {  	_ =	shalt  }
0x56: {  	_ =	shalt  }
0x57: {  	_ =	shalt  }
0x58: {  	_ =	shalt  }
0x59: {  	_ =	shalt  }
0x5a: {  	_ =	shalt  }
0x5b: {  	_ =	shalt  }
0x5c: {  	_ =	shalt  }
0x5d: {  	_ =	shalt  }
0x5e: {  	_ =	shalt  }
0x5f: {  	_ =	shalt  }
0x60: {  	_ =	shalt  }
0x61: {  	_ =	shalt  }
0x62: {  	_ =	shalt  }
0x63: {  	_ =	shalt  }
0x64: {  	_ =	shalt  }
0x65: {  	_ =	shalt  }
0x66: {  	_ =	shalt  }
0x67: {  	_ =	shalt  }
0x68: {  	_ =	shalt  }
0x69: {  	_ =	shalt  }
0x6a: {  	_ =	shalt  }
0x6b: {  	_ =	shalt  }
0x6c: {  	_ =	shalt  }
0x6d: {  	_ =	shalt  }
0x6e: {  	_ =	shalt  }
0x6f: {  	_ =	shalt  }
0x70: {  	_ =	shalt  }
0x71: {  	_ =	shalt  }
0x72: {  	_ =	shalt  }
0x73: {  	_ =	shalt  }
0x74: {  	_ =	shalt  }
0x75: {  	_ =	shalt  }
0x76: {  	_ =	shalt  }
0x77: {  	_ =	shalt  }
0x78: {  	_ =	shalt  }
0x79: {  	_ =	shalt  }
0x7a: {  	_ =	shalt  }
0x7b: {  	_ =	shalt  }
0x7c: {  	_ =	shalt  }
0x7d: {  	_ =	shalt  }
0x7e: {  	_ =	shalt  }
0x7f: {  	_ =	shalt  }
0x80: {  	_ =	shalt  }
0x81: {  	_ =	shalt  }
0x82: {  	_ =	shalt  }
0x83: {  	_ =	shalt  }
0x84: {  	_ =	shalt  }
0x85: {  	_ =	shalt  }
0x86: {  	_ =	shalt  }
0x87: {  	_ =	shalt  }
.Lfunc_end0:
.L_simem_size_0:
called_computation_lowered:
.L_overlay_start_0:
0x88: {  	s2 =	sld [smem:$0x3FD9]  }
0x89: {  	s3 =	sld [smem:$0x3FFE];
	_ =	sdelay $0x1  }
0x8a: {  	s1 =	srdreg.scid  }
0x8b: {  	s0 =	sand.u32 $0x1, s1  }
0x8c: {  	s16 =	sshll.u32 s0, $0xA;
	s2 =	sadd.s32 s3, s2  }
0x8d: {  	s2 =	sadd.s32 s2, s16  }
0x8e: {  	[smem:$0x3FB6] =	sst s2  }
0x8f: {  	_ = 	snop  }
0x90: {  	(tm) =	ssettm $0x1  }
0x91: {  	s17 =	sld [smem:$0x3FFB];
	_ =	sdelay $0x3  }
0x92: {  	_ =	strace s17  }
0x93: {  	s2 =	sld [smem:$0x3FFC];
	_ =	sdelay $0x3  }
0x94: {  	_ =	strace s2  }
0x95: {  	s2 =	sld [smem:$0x3FFD];
	_ =	sdelay $0x3  }
0x96: {  	_ =	strace s2  }
0x97: {  	_ =	strace $0x8FFFFFFF  }
0x98: {  	s18 =	sld [smem:$0x3FDB];
	_ =	sdelay $0x1  }
0x99: {  	s19 =	simm.s32 $_scs_section_size  }
0x9a: {  	s4 =	simm.s32 $_size__tile_overlayer_lowered;
	s5 =	simm.s32 $_tile_overlayer_lowered  }
0x9b: {  	s22 =	simm.s32 $0x1BFF;
	s21 =	sshll.u32 s5, $0x1;
	s2 =	sadd.s32 s19, s18  }
0x9c: {  	s6 =	simm.s32 $0x0;
	s20 =	sshll.u32 s4, $0x1;
	s4 =	sadd.s32 s21, s2  }
0x9d: {  	[timem:s6], [sflag:s22] =	dma.local [hbm:s4], s20  }
0x9e: {  	_ =	swait.ge [sflag:s22], s20  }
0x9f: {  	s3 =	ssub.s32 $0x0, s20;
	[sflag:s22] =	ssyncset.done $0x0  }
0xa0: {  	[sflag:s22] =	ssyncadd.s32 s3;
	_ =	sdelay $0x1  }
0xa1: {  	s23 =	simm.s32 $0x1B8B  }
0xa2: {  	_ =	swait.ge [sflag:s23], $0x1  }
0xa3: {  	[sflag:s23] =	ssyncset.done $0x0  }
0xa4: {  	s25 =	simm.s32 $0x1B8E;
	s24 =	sld [smem:$0x3FFE];
	[sflag:s23] =	ssyncadd.s32 $0xFFFFFFFF  }
0xa5: {  	s26 =	simm.s32 $execute0_lowered;
	[smem:$0x3FD2] =	sst s25  }
0xa6: {  	s4 =	sshll.u32 s26, $0x1;
	_ =	strace $0x80000046;
	[dreg:$0x1] =	wrdreg $0xFFFFFFFF  }
0xa7: {  	s28 =	simm.s32 $_size_execute0_lowered;
	s2 =	sadd.s32 s2, s4;
	[dreg:$0x0] =	wrdreg $0x0  }
0xa8: {  	s4 =	sshll.u32 s28, $0x1;
	[dreg:$0x2] =	wrdreg s2  }
0xa9: {  	[dreg:$0x3] =	wrdreg s4  }
0xaa: {  	[dreg:$0x4] =	wrdreg $0xC0  }
0xab: {  	_ =	task [dreg:s6], $0x5FFFF  }
0xac: {  	[dreg:$0x1] =	wrdreg $0xFFFFFFFF  }
0xad: {  	[dreg:$0x0] =	wrdreg $0x60  }
0xae: {  	[dreg:$0x2] =	wrdreg s24  }
0xaf: {  	[dreg:$0x3] =	wrdreg $0x25000  }
0xb0: {  	[dreg:$0x4] =	wrdreg $0x9  }
0xb1: {  	_ =	task.clear_ibuf [dreg:s6], $0x5FFFF;
	_ =	strace $0x90000046  }
0xb2: {  	s29 =	simm.s32 $0x9;
	_ =	strace $0x80000048  }
0xb3: {  	_ =	swait.ge [sflag:s29], $0x1  }
0xb4: {  	[sflag:s29] =	ssyncadd.s32 $0xFFFFFFFF  }
0xb5: {  	_ =	strace $0x90000048  }
0xb6: {  	_ =	sfence  }
0xb7: {  	s30 =	sld [smem:$0x0];
	_ =	sdelay $0x2  }
0xb8: {  	s31 =	sshll.u32 s1, $0xD;
	s1 =	sshrl.u32 s1, $0x2  }
0xb9: {  	s3 =	sand.u32 $0x4000, s31;
	s1 =	sadd.s32 s1, s30  }
0xba: {  	s0 =	sor.u32 s3, s0;
	s1 =	sshll.u32 s1, $0x11  }
0xbb: {  	s0 =	sor.u32 s1, s0  }
0xbc: {  	s0 =	sadd.s32 $0x8F2B, s0  }
0xbd: {  	[sflag:s0] =	ssyncadd.remote.s32 $0x1  }
0xbe: {  	_ =	sfence.sel $0xFFFF  }
0xbf: {  	[dreg:$0x0] =	wrdreg $0xFFFFFFFF;
	(pc) =	sbr.abs _section_cstart, $3  }
0xc0: {  	[dreg:$0x1] =	wrdreg $0xFFFFFFFF  }
0xc1: {  	_ =	task.clear_ibuf [dreg:s6], $0x2FFFF;
	_ =	strace $0x9FFFFFFF  }
0xc2: {  	(tm) =	ssettm $0x7FFFFFFF  }
0xc3: {  	_ =	shalt  }
tec
execute0_lowered:
.L_overlay_start_1:
0x0: {  	(tag) =	ssettag $0x1  }
0x1: {  	s0 =	srdreg.scid  }
0x2: {  	s7 =	stileid.u32;
	s4 =	rddreg [dreg:$0x0]  }
0x3: {  	s2 =	rddreg [dreg:$0x1];
	s3 =	simm.s32 $0x0;
	s29 =	simm.s32 $0x1D00  }
0x4: {  	s30 =	simm.s32 $0x1;
	s31 =	simm.s32 $0x80;
	s0 =	sand.u32 $0x1, s0  }
0x5: {  	[smem:$0x7FF] =	sst s3;
	s6 =	smul.u32 $0xA800, s7;
	s1 =	sshll.u32 s0, $0x4  }
0x6: {  	s5 =	smul.u32 $0xA8000, s0;
	_ =	strace $0x80000047;
	s0 =	ssub.s32 $0x2, s0  }
0x7: {  	s1 =	sor.u32 s7, s1;
	s7 =	smul.u32 $0x2A000, s7;
	s24 =	sshrl.u32 s0, $0x1  }
0x8: {  	s1 =	smul.u32 $0x2A0, s1;
	s5 =	sadd.s32 s6, s5;
	s0 =	ssub.s32 s0, s24  }
0x9: {  	s5 =	sshrl.u32 s5, $0x3;
	s7 =	sshrl.u32 s7, $0x2;
	s0 =	smax.u32 s0, $0x1  }
0xa: {  	s1 =	sadd.s32 s1, s4;
	s5 =	sadd.s32 s5, s4;
	s4 =	sadd.s32 s7, s2  }
0xb: {  	[dreg:$0x4] =	wrdreg s0;
	s1 =	sadd.s32 $0xEE00, s1;
	s6 =	sadd.s32 $0x800, s4  }
0xc: {  	s25 =	sadd.s32 $0x1000, s4;
	s26 =	sadd.s32 $0x1800, s4;
	s10 =	sadd.s32 $0x2000, s4  }
0xd: {  	s11 =	sadd.s32 $0x2800, s4;
	s12 =	sadd.s32 $0x3000, s4;
	s13 =	sadd.s32 $0x3800, s4  }
0xe: {  	s14 =	sadd.s32 $0x4000, s4;
	s15 =	sadd.s32 $0x4800, s4;
	s16 =	sadd.s32 $0x5000, s4  }
0xf: {  	s17 =	sadd.s32 $0x5800, s4;
	s18 =	sadd.s32 $0x6000, s4;
	s19 =	sadd.s32 $0x6800, s4  }
0x10: {  	s20 =	sadd.s32 $0x7000, s4;
	s21 =	sadd.s32 $0x7800, s4;
	[dreg:$0x3] =	wrdreg s1  }
0x11: {  	s22 =	sadd.s32 $0x8000, s4;
	s23 =	sadd.s32 $0x8800, s4;
	[dreg:$0x5] =	wrdreg s25  }
0x12: {  	s24 =	sadd.s32 $0x9000, s4;
	s28 =	sadd.s32 $0xA000, s4;
	[dreg:$0x6] =	wrdreg s26  }
0x13: {  	v0 =	vimm.f32 $1.000000000e+00;
	v1 =	vimm.f32 $0.0e+00;
	s25 =	sadd.s32 $0x14200, s5;
	s26 =	sadd.s32 $0x9800, s4;
	s1 =	simm.s32 $0x1500  }
.LBB2_1:
0x14: {  	s0 =	simm.s32 $0x40;
	s5 =	simm.s32 $0x0  }
.LBB2_2:
0x15: {  	p0 =	sne.s32 s0, $0x1FC0;
	[tilespmem:s5+$0x1500] =	vst v0;
	s7 =	smov.u32 s0;
	s0 =	sadd.s32 $0x40, s0  }
.Ltmp0:
0x16: {  	[tilespmem:s5+$0x1D00] =	vst v1;
	(pc) =	sbr.rel @p0 .LBB2_2-.Ltmp0, $2  }
0x17: {  	_ =	sdelay $0x2  }
0x18: {  	s5 =	sshra.s32 s7, $0x2  }
0x19: {  	[tilespmem:s5+$0x1500] =	vst v0  }
0x1a: {  	[tilespmem:s5+$0x1D00] =	vst v1  }
0x1b: {  	[spmem:s4] =	stream.linear.scatter [tilespmem:s29], [sflag:$0x1], $0x800, $0x38;
	[tilespmem:$0xCD00] =	vst v63  }
0x1c: {  	_ =	swait.ge [sflag:s30], $0x800  }
0x1d: {  	[sflag:s30] =	ssyncset.done $0x0  }
0x1e: {  	[sflag:s30] =	ssyncadd.s32 $0xFFFFF800  }
0x1f: {  	[spmem:s6] =	stream.linear.scatter [tilespmem:s29], [sflag:$0x1], $0x800, $0x38;
	[tilespmem:$0xCD00] =	vst v63  }
0x20: {  	_ =	swait.ge [sflag:s30], $0x800  }
0x21: {  	[sflag:s30] =	ssyncset.done $0x0  }
0x22: {  	s0 =	rddreg [dreg:$0x5];
	[sflag:s30] =	ssyncadd.s32 $0xFFFFF800  }
0x23: {  	[spmem:s0] =	stream.linear.scatter [tilespmem:s29], [sflag:$0x1], $0x800, $0x38;
	[tilespmem:$0xCD00] =	vst v63  }
0x24: {  	_ =	swait.ge [sflag:s30], $0x800  }
0x25: {  	[sflag:s30] =	ssyncset.done $0x0  }
0x26: {  	s5 =	rddreg [dreg:$0x6];
	[sflag:s30] =	ssyncadd.s32 $0xFFFFF800  }
0x27: {  	[spmem:s5] =	stream.linear.scatter [tilespmem:s29], [sflag:$0x1], $0x800, $0x38;
	[tilespmem:$0xCD00] =	vst v63  }
0x28: {  	_ =	swait.ge [sflag:s30], $0x800  }
0x29: {  	[sflag:s30] =	ssyncset.done $0x0  }
0x2a: {  	[sflag:s30] =	ssyncadd.s32 $0xFFFFF800  }
0x2b: {  	[spmem:s10] =	stream.linear.scatter [tilespmem:s29], [sflag:$0x1], $0x800, $0x38;
	[tilespmem:$0xCD00] =	vst v63  }
0x2c: {  	_ =	swait.ge [sflag:s30], $0x800  }
0x2d: {  	[sflag:s30] =	ssyncset.done $0x0  }
0x2e: {  	[sflag:s30] =	ssyncadd.s32 $0xFFFFF800  }
0x2f: {  	[spmem:s11] =	stream.linear.scatter [tilespmem:s29], [sflag:$0x1], $0x800, $0x38;
	[tilespmem:$0xCD00] =	vst v63  }
0x30: {  	_ =	swait.ge [sflag:s30], $0x800  }
0x31: {  	[sflag:s30] =	ssyncset.done $0x0  }
0x32: {  	[sflag:s30] =	ssyncadd.s32 $0xFFFFF800  }
0x33: {  	[spmem:s12] =	stream.linear.scatter [tilespmem:s29], [sflag:$0x1], $0x800, $0x38;
	[tilespmem:$0xCD00] =	vst v63  }
0x34: {  	_ =	swait.ge [sflag:s30], $0x800  }
0x35: {  	[sflag:s30] =	ssyncset.done $0x0  }
0x36: {  	[sflag:s30] =	ssyncadd.s32 $0xFFFFF800  }
0x37: {  	[spmem:s13] =	stream.linear.scatter [tilespmem:s29], [sflag:$0x1], $0x800, $0x38;
	[tilespmem:$0xCD00] =	vst v63  }
0x38: {  	_ =	swait.ge [sflag:s30], $0x800  }
0x39: {  	[sflag:s30] =	ssyncset.done $0x0  }
0x3a: {  	[sflag:s30] =	ssyncadd.s32 $0xFFFFF800  }
0x3b: {  	[spmem:s14] =	stream.linear.scatter [tilespmem:s29], [sflag:$0x1], $0x800, $0x38;
	[tilespmem:$0xCD00] =	vst v63  }
0x3c: {  	_ =	swait.ge [sflag:s30], $0x800  }
0x3d: {  	[sflag:s30] =	ssyncset.done $0x0  }
0x3e: {  	[sflag:s30] =	ssyncadd.s32 $0xFFFFF800  }
0x3f: {  	[spmem:s15] =	stream.linear.scatter [tilespmem:s29], [sflag:$0x1], $0x800, $0x38;
	[tilespmem:$0xCD00] =	vst v63  }
0x40: {  	_ =	swait.ge [sflag:s30], $0x800  }
0x41: {  	[sflag:s30] =	ssyncset.done $0x0  }
0x42: {  	[sflag:s30] =	ssyncadd.s32 $0xFFFFF800  }
0x43: {  	[spmem:s16] =	stream.linear.scatter [tilespmem:s29], [sflag:$0x1], $0x800, $0x38;
	[tilespmem:$0xCD00] =	vst v63  }
0x44: {  	_ =	swait.ge [sflag:s30], $0x800  }
0x45: {  	[sflag:s30] =	ssyncset.done $0x0  }
0x46: {  	[sflag:s30] =	ssyncadd.s32 $0xFFFFF800  }
0x47: {  	[spmem:s17] =	stream.linear.scatter [tilespmem:s29], [sflag:$0x1], $0x800, $0x38;
	[tilespmem:$0xCD00] =	vst v63  }
0x48: {  	_ =	swait.ge [sflag:s30], $0x800  }
0x49: {  	[sflag:s30] =	ssyncset.done $0x0  }
0x4a: {  	[sflag:s30] =	ssyncadd.s32 $0xFFFFF800  }
0x4b: {  	[spmem:s18] =	stream.linear.scatter [tilespmem:s29], [sflag:$0x1], $0x800, $0x38;
	[tilespmem:$0xCD00] =	vst v63  }
0x4c: {  	_ =	swait.ge [sflag:s30], $0x800  }
0x4d: {  	[sflag:s30] =	ssyncset.done $0x0  }
0x4e: {  	[sflag:s30] =	ssyncadd.s32 $0xFFFFF800  }
0x4f: {  	[spmem:s19] =	stream.linear.scatter [tilespmem:s29], [sflag:$0x1], $0x800, $0x38;
	[tilespmem:$0xCD00] =	vst v63  }
0x50: {  	_ =	swait.ge [sflag:s30], $0x800  }
0x51: {  	[sflag:s30] =	ssyncset.done $0x0  }
0x52: {  	[sflag:s30] =	ssyncadd.s32 $0xFFFFF800  }
0x53: {  	[spmem:s20] =	stream.linear.scatter [tilespmem:s29], [sflag:$0x1], $0x800, $0x38;
	[tilespmem:$0xCD00] =	vst v63  }
0x54: {  	_ =	swait.ge [sflag:s30], $0x800  }
0x55: {  	[sflag:s30] =	ssyncset.done $0x0  }
0x56: {  	[sflag:s30] =	ssyncadd.s32 $0xFFFFF800  }
0x57: {  	[spmem:s21] =	stream.linear.scatter [tilespmem:s29], [sflag:$0x1], $0x800, $0x38;
	[tilespmem:$0xCD00] =	vst v63  }
0x58: {  	_ =	swait.ge [sflag:s30], $0x800  }
0x59: {  	[sflag:s30] =	ssyncset.done $0x0  }
0x5a: {  	[sflag:s30] =	ssyncadd.s32 $0xFFFFF800  }
0x5b: {  	[spmem:s22] =	stream.linear.scatter [tilespmem:s29], [sflag:$0x1], $0x800, $0x38;
	[tilespmem:$0xCD00] =	vst v63  }
0x5c: {  	_ =	swait.ge [sflag:s30], $0x800  }
0x5d: {  	[sflag:s30] =	ssyncset.done $0x0  }
0x5e: {  	[sflag:s30] =	ssyncadd.s32 $0xFFFFF800  }
0x5f: {  	[spmem:s23] =	stream.linear.scatter [tilespmem:s29], [sflag:$0x1], $0x800, $0x38;
	[tilespmem:$0xCD00] =	vst v63  }
0x60: {  	_ =	swait.ge [sflag:s30], $0x800  }
0x61: {  	[sflag:s30] =	ssyncset.done $0x0  }
0x62: {  	[sflag:s30] =	ssyncadd.s32 $0xFFFFF800  }
0x63: {  	[spmem:s24] =	stream.linear.scatter [tilespmem:s29], [sflag:$0x1], $0x800, $0x38;
	[tilespmem:$0xCD00] =	vst v63  }
0x64: {  	_ =	swait.ge [sflag:s30], $0x800  }
0x65: {  	[sflag:s30] =	ssyncset.done $0x0  }
0x66: {  	[sflag:s30] =	ssyncadd.s32 $0xFFFFF800  }
0x67: {  	[spmem:s26] =	stream.linear.scatter [tilespmem:s29], [sflag:$0x1], $0x800, $0x38;
	[tilespmem:$0xCD00] =	vst v63  }
0x68: {  	_ =	swait.ge [sflag:s30], $0x800  }
0x69: {  	[sflag:s30] =	ssyncset.done $0x0  }
0x6a: {  	[sflag:s30] =	ssyncadd.s32 $0xFFFFF800  }
0x6b: {  	[spmem:s28] =	stream.linear.scatter [tilespmem:s29], [sflag:$0x1], $0x800, $0x38;
	[tilespmem:$0xCD00] =	vst v63  }
0x6c: {  	_ =	swait.ge [sflag:s30], $0x800  }
0x6d: {  	[sflag:s30] =	ssyncset.done $0x0  }
0x6e: {  	s7 =	simm.s32 $0x0;
	s8 =	rddreg [dreg:$0x3];
	[sflag:s30] =	ssyncadd.s32 $0xFFFFF800  }
0x6f: {  	[tilespmem:s7], [sflag:$0x1] =	stream.linear.gather [hbm4b:s8+s7], $0x1500, $0x38;
	[tilespmem:$0xCD00] =	vst v63  }
0x70: {  	_ =	swait.ge [sflag:s30], $0x1500  }
0x71: {  	[sflag:s30] =	ssyncset.done $0x0  }
0x72: {  	[sflag:s30] =	ssyncadd.s32 $0xFFFFEB00  }
0x73: {  	s9 =	simm.s32 $0x0;
	[bflag:$0x0] =	sbarrier.arrive $0xFFFF  }
0x74: {  	[spmem:s2] =	stream.indirect.scatter.add.f32 [tilespmem:s1], [sflag:$0x1], $0x10, s9, s31, $0xb8;
	[tilespmem:$0xCD00] =	vst v63  }
0x75: {  	_ =	swait.ge [sflag:s30], $0x800  }
0x76: {  	s0 =	simm.s32 $0x200;
	[sflag:s30] =	ssyncset.done $0x0  }
.LBB2_4:
0x77: {  	s5 =	sshra.s32 s0, $0x2;
	[sflag:s30] =	ssyncadd.s32 $0xFFFFF800;
	p0 =	sne.s32 s0, $0x5200  }
0x78: {  	[spmem:s2] =	stream.indirect.scatter.add.f32 [tilespmem:s1], [sflag:$0x1], $0x10, s5, s31, $0xb8;
	[tilespmem:$0xCD00] =	vst v63  }
.Ltmp1:
0x79: {  	_ = 	snop;
	(pc) =	sbr.rel @p0 .LBB2_4-.Ltmp1, $4  }
0x7a: {  	_ = 	snop  }
0x7b: {  	s0 =	sadd.s32 $0x200, s0  }
0x7c: {  	_ =	swait.ge [sflag:s30], $0x800  }
0x7d: {  	[sflag:s30] =	ssyncset.done $0x0  }
0x7e: {  	s0 =	stileid.u32  }
0x7f: {  	[sflag:s30] =	ssyncadd.s32 $0xFFFFF800;
	s5 =	sadd.s32 $0x0, s25;
	s0 =	sshll.u32 s0, $0x6  }
0x80: {  	s7 =	sshrl.u32 s4, $0x3;
	[bflag:$0x0] =	sbarrier.arrive $0xFFFF;
	s0 =	sor.u32 $0x1C01, s0  }
0x81: {  	[hbm:s5], [sflag:s0] =	dma.local [spmem:s7], $0x100  }
0x82: {  	s5 =	simm.s32 $0x100;
	s7 =	smov.u32 s6;
	_ =	swait.ge [sflag:s30], $0x100  }
.LBB2_6:
0x83: {  	s8 =	sadd.s32 s5, s25;
	[sflag:s30] =	ssyncset.done $0x0;
	p0 =	sne.s32 s5, $0x1400  }
.Ltmp2:
0x84: {  	s9 =	sshrl.u32 s7, $0x3;
	[sflag:s30] =	ssyncadd.s32 $0xFFFFFF00;
	(pc) =	sbr.rel @p0 .LBB2_6-.Ltmp2, $3  }
0x85: {  	[hbm:s8], [sflag:s0] =	dma.local [spmem:s9], $0x100  }
0x86: {  	s5 =	sadd.s32 $0x100, s5;
	_ =	sdelay $0x1  }
0x87: {  	s7 =	sadd.s32 $0x800, s7;
	_ =	swait.ge [sflag:s30], $0x100  }
0x88: {  	s3 =	sadd.s32 $0x1, s3;
	s0 =	rddreg [dreg:$0x4]  }
0x89: {  	p0 =	sne.s32 s3, s0  }
.Ltmp3:
0x8a: {  	_ = 	snop;
	(pc) =	sbr.rel @p0 .LBB2_1-.Ltmp3, $3  }
0x8b: {  	_ =	sdelay $0x1  }
0x8c: {  	[sflag:s30] =	ssyncset.done $0x0  }
0x8d: {  	[sflag:s30] =	ssyncadd.s32 $0xFFFFFF00  }
0x8e: {  	_ =	sfence.sel $0x180000  }
0x8f: {  	[bflag:$0x0] =	sbarrier.arrive $0xFFFF  }
0x90: {  	_ =	strace $0x90000047  }
0x91: {  	s0 =	stileid.u32;
	[bflag:$0x2] =	sbarrier.arrive $0xFFFF  }
0x92: {  	p0 =	sne.s32 s0, $0x0;
	s0 =	rddreg [dreg:$0x2]  }
0x93: {  	s0 =	sadd.s32 @!p0 $0x100000, s0  }
0x94: {  	[sflag:s0] =	ssyncadd.tile.s32 @!p0 $0x1;
	_ =	shalt  }
.Lfunc_end2:
_tile_overlayer_lowered:
.L_overlay_start_2:
0x95: {  	(tag) =	ssettag $0x2  }
0x96: {  	s0 =	rddreg [dreg:$0x0];
	s2 =	stileid.u32  }
0x97: {  	s1 =	rddreg [dreg:$0x1];
	p0 =	sne.s32 s2, $0x0  }
0x98: {  	s3 =	rddreg [dreg:$0x2];
	[bflag:$0x3] =	sbarrier.arrive $0xFFFF;
	s2 =	simm.s32 @!p0 $0x1C01  }
0x99: {  	[timem:s3], [sflag:s2] =	dma.local @!p0 [hbm:s0], s1  }
0x9a: {  	s0 =	simm.s32 @!p0 $0x1  }
0x9b: {  	_ =	swait.ge @!p0 [sflag:s0], s1  }
0x9c: {  	s1 =	ssub.s32 @!p0 $0x0, s1;
	[sflag:s0] =	ssyncset.done @!p0 $0x0  }
0x9d: {  	[sflag:s0] =	ssyncadd.s32 @!p0 s1  }
0x9e: {  	[bflag:$0x3] =	sbarrier.arrive $0xFFFF  }
0x9f: {  	_ =	shalt  }

// kernel: kernel.22.cloned.1.call-start
scs
__scs_entry_jumppad:
0x0: {  	(pc) =	sbr.rel $0x88, $3  }
0x1: {  	(tag) =	ssettag $0x0;
	lr =	simm.s32 $0x1  }
0x2: {  	[smem:$0x3F8F] =	sst lr;
	_ =	strace $0xD0000000  }
0x3: {  	_ = 	snop  }
0x4: {  	_ = 	snop  }
0x5: {  	_ = 	snop  }
0x6: {  	_ = 	snop  }
0x7: {  	_ = 	snop  }
__scs_overlays_trampoline_lowered:
0x8: {  	[smem:$0x3F9E] =	sst s0  }
0x9: {  	[smem:$0x3F9F] =	sst s1  }
0xa: {  	[smem:$0x3FA0] =	sst s2  }
0xb: {  	[smem:$0x3FA1] =	sst s3  }
0xc: {  	[smem:$0x3FA2] =	sst s4  }
0xd: {  	[smem:$0x3FA3] =	sst s5  }
0xe: {  	[smem:$0x3FA4] =	sst s6  }
0xf: {  	[smem:$0x3FA5] =	sst s7  }
0x10: {  	[smem:$0x3FA6] =	sst s8  }
0x11: {  	[smem:$0x3FA7] =	sst s9;
	s0 =	simm.s32 @!p0 $0x0  }
0x12: {  	s1 =	sld [smem:$0x3F8D];
	s0 =	simm.s32 @p0 $0x1  }
0x13: {  	[smem:$0x3FA8] =	sst s0;
	s0 =	simm.s32 @!p1 $0x0  }
0x14: {  	s2 =	sld [smem:$0x3F8C];
	s0 =	simm.s32 @p1 $0x1  }
0x15: {  	[smem:$0x3FA9] =	sst s0;
	s0 =	simm.s32 @!p2 $0x0  }
0x16: {  	s3 =	sld [smem:$0x3FDB];
	s0 =	simm.s32 @p2 $0x1  }
0x17: {  	s4 =	simm.s32 $0x1BF5;
	[smem:$0x3FAB] =	sst s0  }
0x18: {  	s0 =	sld [smem:$0x3F8E];
	_ =	swait.ge [sflag:s4], $0x0  }
0x19: {  	s7 =	sld [smem:$0x3F8F]  }
0x1a: {  	s8 =	sadd.s32 $0xFFFFE003, lr  }
0x1b: {  	s9 =	sadd.s32 $0xFFFFFEF7, lr;
	s5 =	simm.s32 $0xFFFFFFFF;
	p2 =	slt.u32 s8, $0xFFFFF086  }
0x1c: {  	p1 =	slt.u32 s9, $0xF7A;
	s5 =	simm.s32 @!p2 $0x0  }
0x1d: {  	s5 =	simm.s32 @p1 $0x1;
	p0 =	seq.s32 s7, s2  }
0x1e: {  	s7 =	smul.u32 @!p0 $0xF7A, s2;
	p2 =	seq.s32 @!p0 s5, $0x0  }
0x1f: {  	s9 =	smul.u32 $0xF7A, s1;
	s8 =	simm.s32 @!p0 $0x1BF5;
	p2 =	por !p2, p0  }
0x20: {  	[sflag:s8] =	ssyncset.s32 @!p0 $0xFFFFF086;
	s6 =	sadd.s32 @!p0 s3, s7;
	s7 =	simm.s32 @!p0 $0x108  }
0x21: {  	s3 =	sadd.s32 s3, s9;
	s6 =	sadd.s32 @!p0 $0x88, s6;
	s7 =	simm.s32 @p2 $0x1082  }
0x22: {  	[simem:s7], [sflag:s8] =	dma.local @!p0 [hbm:s6], $0xF7A  }
0x23: {  	s9 =	sor.u32 $0xD0000000, s2;
	s6 =	simm.s32 $0x108;
	_ =	swait.ge @!p0 [sflag:s8], $0x0  }
0x24: {  	s3 =	sadd.s32 $0x88, s3;
	s6 =	simm.s32 @!p1 $0x1082;
	[sflag:s4] =	ssyncset.s32 $0xFFFFF086  }
0x25: {  	[simem:s6], [sflag:s4] =	dma.local [hbm:s3], $0xF7A  }
0x26: {  	[smem:$0x3F8F] =	sst s1;
	(tag) =	ssettag s2;
	_ =	strace s9  }
0x27: {  	s1 =	sld [smem:$0x3F9F]  }
0x28: {  	s2 =	sld [smem:$0x3FA0]  }
0x29: {  	s4 =	sld [smem:$0x3FA2]  }
0x2a: {  	p0 =	seq.s32 s5, $0x0;
	s5 =	sld [smem:$0x3FA3]  }
0x2b: {  	s6 =	sld [smem:$0x3FA4]  }
0x2c: {  	s7 =	sld [smem:$0x3FA5]  }
0x2d: {  	s3 =	simm.s32 $0x108;
	s8 =	sld [smem:$0x3FA6]  }
0x2e: {  	s3 =	simm.s32 @!p0 $0x1082;
	s9 =	sld [smem:$0x3FA7]  }
0x2f: {  	lr =	sadd.s32 s0, s3;
	s0 =	sld [smem:$0x3F9E]  }
0x30: {  	s3 =	sld [smem:$0x3FA1]  }
0x31: {  	[smem:$0x3FAA] =	sst s10  }
0x32: {  	s10 =	sld [smem:$0x3FA8];
	_ =	sdelay $0x3  }
0x33: {  	p0 =	seq.s32 s10, $0x1;
	s10 =	sld [smem:$0x3FAA];
	_ =	sdelay $0x3  }
0x34: {  	[smem:$0x3FAA] =	sst s10  }
0x35: {  	s10 =	sld [smem:$0x3FA9];
	_ =	sdelay $0x3  }
0x36: {  	p1 =	seq.s32 s10, $0x1;
	s10 =	sld [smem:$0x3FAA];
	_ =	sdelay $0x3  }
0x37: {  	[smem:$0x3FAA] =	sst s10  }
0x38: {  	s10 =	sld [smem:$0x3FAB]  }
0x39: {  	_ = 	snop;
	(pc) =	sbr.ind lr, $3  }
0x3a: {  	_ = 	snop  }
0x3b: {  	_ = 	snop  }
0x3c: {  	p2 =	seq.s32 s10, $0x1;
	s10 =	sld [smem:$0x3FAA]  }
0x3d: {  	_ =	shalt  }
0x3e: {  	_ =	shalt  }
0x3f: {  	_ =	shalt  }
0x40: {  	_ =	shalt  }
0x41: {  	_ =	shalt  }
0x42: {  	_ =	shalt  }
0x43: {  	_ =	shalt  }
0x44: {  	_ =	shalt  }
0x45: {  	_ =	shalt  }
0x46: {  	_ =	shalt  }
0x47: {  	_ =	shalt  }
0x48: {  	_ =	shalt  }
0x49: {  	_ =	shalt  }
0x4a: {  	_ =	shalt  }
0x4b: {  	_ =	shalt  }
0x4c: {  	_ =	shalt  }
0x4d: {  	_ =	shalt  }
0x4e: {  	_ =	shalt  }
0x4f: {  	_ =	shalt  }
0x50: {  	_ =	shalt  }
0x51: {  	_ =	shalt  }
0x52: {  	_ =	shalt  }
0x53: {  	_ =	shalt  }
0x54: {  	_ =	shalt  }
0x55: {  	_ =	shalt  }
0x56: {  	_ =	shalt  }
0x57: {  	_ =	shalt  }
0x58: {  	_ =	shalt  }
0x59: {  	_ =	shalt  }
0x5a: {  	_ =	shalt  }
0x5b: {  	_ =	shalt  }
0x5c: {  	_ =	shalt  }
0x5d: {  	_ =	shalt  }
0x5e: {  	_ =	shalt  }
0x5f: {  	_ =	shalt  }
0x60: {  	_ =	shalt  }
0x61: {  	_ =	shalt  }
0x62: {  	_ =	shalt  }
0x63: {  	_ =	shalt  }
0x64: {  	_ =	shalt  }
0x65: {  	_ =	shalt  }
0x66: {  	_ =	shalt  }
0x67: {  	_ =	shalt  }
0x68: {  	_ =	shalt  }
0x69: {  	_ =	shalt  }
0x6a: {  	_ =	shalt  }
0x6b: {  	_ =	shalt  }
0x6c: {  	_ =	shalt  }
0x6d: {  	_ =	shalt  }
0x6e: {  	_ =	shalt  }
0x6f: {  	_ =	shalt  }
0x70: {  	_ =	shalt  }
0x71: {  	_ =	shalt  }
0x72: {  	_ =	shalt  }
0x73: {  	_ =	shalt  }
0x74: {  	_ =	shalt  }
0x75: {  	_ =	shalt  }
0x76: {  	_ =	shalt  }
0x77: {  	_ =	shalt  }
0x78: {  	_ =	shalt  }
0x79: {  	_ =	shalt  }
0x7a: {  	_ =	shalt  }
0x7b: {  	_ =	shalt  }
0x7c: {  	_ =	shalt  }
0x7d: {  	_ =	shalt  }
0x7e: {  	_ =	shalt  }
0x7f: {  	_ =	shalt  }
0x80: {  	_ =	shalt  }
0x81: {  	_ =	shalt  }
0x82: {  	_ =	shalt  }
0x83: {  	_ =	shalt  }
0x84: {  	_ =	shalt  }
0x85: {  	_ =	shalt  }
0x86: {  	_ =	shalt  }
0x87: {  	_ =	shalt  }
.Lfunc_end0:
.L_simem_size_0:
called_computation.1_lowered:
.L_overlay_start_0:
0x88: {  	s2 =	sld [smem:$0x3FD9]  }
0x89: {  	s3 =	sld [smem:$0x3FFE];
	_ =	sdelay $0x1  }
0x8a: {  	s1 =	srdreg.scid  }
0x8b: {  	s0 =	sand.u32 $0x1, s1  }
0x8c: {  	s16 =	sshll.u32 s0, $0xA;
	s2 =	sadd.s32 s3, s2  }
0x8d: {  	s2 =	sadd.s32 s2, s16  }
0x8e: {  	[smem:$0x3FB6] =	sst s2  }
0x8f: {  	_ = 	snop  }
0x90: {  	(tm) =	ssettm $0x1  }
0x91: {  	s17 =	sld [smem:$0x3FFB];
	_ =	sdelay $0x3  }
0x92: {  	_ =	strace s17  }
0x93: {  	s2 =	sld [smem:$0x3FFC];
	_ =	sdelay $0x3  }
0x94: {  	_ =	strace s2  }
0x95: {  	s2 =	sld [smem:$0x3FFD];
	_ =	sdelay $0x3  }
0x96: {  	_ =	strace s2  }
0x97: {  	_ =	strace $0x8FFFFFFF  }
0x98: {  	s18 =	sld [smem:$0x3FDB];
	_ =	sdelay $0x1  }
0x99: {  	s19 =	simm.s32 $_scs_section_size  }
0x9a: {  	s4 =	simm.s32 $_size__tile_overlayer_lowered;
	s5 =	simm.s32 $_tile_overlayer_lowered  }
0x9b: {  	s22 =	simm.s32 $0x1BFF;
	s21 =	sshll.u32 s5, $0x1;
	s2 =	sadd.s32 s19, s18  }
0x9c: {  	s6 =	simm.s32 $0x0;
	s20 =	sshll.u32 s4, $0x1;
	s4 =	sadd.s32 s21, s2  }
0x9d: {  	[timem:s6], [sflag:s22] =	dma.local [hbm:s4], s20  }
0x9e: {  	_ =	swait.ge [sflag:s22], s20  }
0x9f: {  	s3 =	ssub.s32 $0x0, s20;
	[sflag:s22] =	ssyncset.done $0x0  }
0xa0: {  	[sflag:s22] =	ssyncadd.s32 s3;
	_ =	sdelay $0x1  }
0xa1: {  	s23 =	simm.s32 $0x1B8B  }
0xa2: {  	_ =	swait.ge [sflag:s23], $0x1  }
0xa3: {  	[sflag:s23] =	ssyncset.done $0x0  }
0xa4: {  	s25 =	simm.s32 $0x1B8E;
	s24 =	sld [smem:$0x3FFE];
	[sflag:s23] =	ssyncadd.s32 $0xFFFFFFFF  }
0xa5: {  	s26 =	simm.s32 $execute0_lowered;
	[smem:$0x3FD2] =	sst s25  }
0xa6: {  	s4 =	sshll.u32 s26, $0x1;
	_ =	strace $0x80000049;
	[dreg:$0x1] =	wrdreg $0xFFFFFFFF  }
0xa7: {  	s28 =	simm.s32 $_size_execute0_lowered;
	s2 =	sadd.s32 s2, s4;
	[dreg:$0x0] =	wrdreg $0x0  }
0xa8: {  	s4 =	sshll.u32 s28, $0x1;
	[dreg:$0x2] =	wrdreg s2  }
0xa9: {  	[dreg:$0x3] =	wrdreg s4  }
0xaa: {  	[dreg:$0x4] =	wrdreg $0xC0  }
0xab: {  	_ =	task [dreg:s6], $0x5FFFF  }
0xac: {  	[dreg:$0x1] =	wrdreg $0xFFFFFFFF  }
0xad: {  	[dreg:$0x0] =	wrdreg $0x60  }
0xae: {  	[dreg:$0x2] =	wrdreg s24  }
0xaf: {  	[dreg:$0x3] =	wrdreg $0x40000  }
0xb0: {  	[dreg:$0x4] =	wrdreg $0x9  }
0xb1: {  	_ =	task.clear_ibuf [dreg:s6], $0x5FFFF;
	_ =	strace $0x90000049  }
0xb2: {  	s29 =	simm.s32 $0x9;
	_ =	strace $0x8000004B  }
0xb3: {  	_ =	swait.ge [sflag:s29], $0x1  }
0xb4: {  	[sflag:s29] =	ssyncadd.s32 $0xFFFFFFFF  }
0xb5: {  	_ =	strace $0x9000004B  }
0xb6: {  	_ =	sfence  }
0xb7: {  	s30 =	sld [smem:$0x0];
	_ =	sdelay $0x2  }
0xb8: {  	s31 =	sshll.u32 s1, $0xD;
	s1 =	sshrl.u32 s1, $0x2  }
0xb9: {  	s3 =	sand.u32 $0x4000, s31;
	s1 =	sadd.s32 s1, s30  }
0xba: {  	s0 =	sor.u32 s3, s0;
	s1 =	sshll.u32 s1, $0x11  }
0xbb: {  	s0 =	sor.u32 s1, s0  }
0xbc: {  	s0 =	sadd.s32 $0x8F2B, s0  }
0xbd: {  	[sflag:s0] =	ssyncadd.remote.s32 $0x1  }
0xbe: {  	_ =	sfence.sel $0xFFFF  }
0xbf: {  	[dreg:$0x0] =	wrdreg $0xFFFFFFFF;
	(pc) =	sbr.abs _section_cstart, $3  }
0xc0: {  	[dreg:$0x1] =	wrdreg $0xFFFFFFFF  }
0xc1: {  	_ =	task.clear_ibuf [dreg:s6], $0x2FFFF;
	_ =	strace $0x9FFFFFFF  }
0xc2: {  	(tm) =	ssettm $0x7FFFFFFF  }
0xc3: {  	_ =	shalt  }
tec
execute0_lowered:
.L_overlay_start_1:
0x0: {  	(tag) =	ssettag $0x1  }
0x1: {  	s0 =	rddreg [dreg:$0x0]  }
0x2: {  	s1 =	rddreg [dreg:$0x1];
	s3 =	simm.s32 $0x0  }
0x3: {  	s2 =	srdreg.scid;
	s8 =	stileid.u32;
	s29 =	simm.s32 $0x80  }
0x4: {  	s30 =	simm.s32 $0x2000;
	s31 =	simm.s32 $0x1;
	[smem:$0x7FF] =	sst s3  }
0x5: {  	s2 =	sand.u32 $0x1, s2;
	s4 =	sadd.s32 $0x8EE00, s0;
	s6 =	sshll.u32 s8, $0x10  }
0x6: {  	s8 =	sshll.u32 s8, $0x9;
	_ =	strace $0x8000004A;
	s7 =	sshll.u32 s2, $0xD  }
0x7: {  	s5 =	sshll.u32 s2, $0x14;
	s2 =	ssub.s32 $0x2, s2;
	s7 =	sor.u32 s8, s7  }
0x8: {  	s5 =	sor.u32 s6, s5;
	s24 =	sshrl.u32 s2, $0x1;
	s7 =	sadd.s32 s7, s0  }
0x9: {  	s5 =	sshrl.u32 s5, $0x3;
	s2 =	ssub.s32 s2, s24;
	s25 =	sadd.s32 $0x4600, s7  }
0xa: {  	s0 =	sadd.s32 s5, s0;
	s26 =	sadd.s32 $0x8600, s7;
	[dreg:$0x3] =	wrdreg s25  }
0xb: {  	s5 =	sadd.s32 s6, s1;
	s8 =	smax.u32 s2, $0x1;
	[dreg:$0x4] =	wrdreg s26  }
0xc: {  	s28 =	sadd.s32 $0x1000, s5;
	s10 =	sadd.s32 $0x2000, s5;
	s11 =	sadd.s32 $0x3000, s5  }
0xd: {  	s12 =	sadd.s32 $0x4000, s5;
	s13 =	sadd.s32 $0x5000, s5;
	s14 =	sadd.s32 $0x6000, s5  }
0xe: {  	s15 =	sadd.s32 $0x7000, s5;
	s16 =	sadd.s32 $0x8000, s5;
	s17 =	sadd.s32 $0x9000, s5  }
0xf: {  	s18 =	sadd.s32 $0xA000, s5;
	s19 =	sadd.s32 $0xB000, s5;
	s20 =	sadd.s32 $0xC000, s5  }
0x10: {  	s21 =	sadd.s32 $0xD000, s5;
	s22 =	sadd.s32 $0xE000, s5;
	s23 =	sadd.s32 $0xF000, s5  }
0x11: {  	v0 =	vimm.f32 $0.0e+00;
	s24 =	sadd.s32 $0x1E6200, s0;
	s25 =	simm.s32 $0x3000;
	s26 =	simm.s32 $0x2  }
.LBB2_1:
0x12: {  	s0 =	simm.s32 $0x80;
	s2 =	simm.s32 $0x0  }
.LBB2_2:
0x13: {  	p0 =	sne.s32 s0, $0x3F80;
	[tilespmem:s2+$0x3000] =	vst v0;
	s9 =	smov.u32 s0;
	s0 =	sadd.s32 $0x80, s0  }
.Ltmp0:
0x14: {  	[tilespmem:s2+$0x3010] =	vst v0;
	(pc) =	sbr.rel @p0 .LBB2_2-.Ltmp0, $2  }
0x15: {  	_ =	sdelay $0x2  }
0x16: {  	s2 =	sshra.s32 s9, $0x2  }
0x17: {  	[tilespmem:s2+$0x3000] =	vst v0  }
0x18: {  	[tilespmem:s2+$0x3010] =	vst v0  }
0x19: {  	[spmem:s5] =	stream.linear.scatter [tilespmem:s25], [sflag:$0x2], $0x1000, $0x38;
	[tilespmem:$0x14000] =	vst v63  }
0x1a: {  	_ =	swait.ge [sflag:s26], $0x1000  }
0x1b: {  	[sflag:s26] =	ssyncset.done $0x0  }
0x1c: {  	[sflag:s26] =	ssyncadd.s32 $0xFFFFF000  }
0x1d: {  	[spmem:s28] =	stream.linear.scatter [tilespmem:s25], [sflag:$0x2], $0x1000, $0x38;
	[tilespmem:$0x14000] =	vst v63  }
0x1e: {  	_ =	swait.ge [sflag:s26], $0x1000  }
0x1f: {  	[sflag:s26] =	ssyncset.done $0x0  }
0x20: {  	[sflag:s26] =	ssyncadd.s32 $0xFFFFF000  }
0x21: {  	[spmem:s10] =	stream.linear.scatter [tilespmem:s25], [sflag:$0x2], $0x1000, $0x38;
	[tilespmem:$0x14000] =	vst v63  }
0x22: {  	_ =	swait.ge [sflag:s26], $0x1000  }
0x23: {  	[sflag:s26] =	ssyncset.done $0x0  }
0x24: {  	[sflag:s26] =	ssyncadd.s32 $0xFFFFF000  }
0x25: {  	[spmem:s11] =	stream.linear.scatter [tilespmem:s25], [sflag:$0x2], $0x1000, $0x38;
	[tilespmem:$0x14000] =	vst v63  }
0x26: {  	_ =	swait.ge [sflag:s26], $0x1000  }
0x27: {  	[sflag:s26] =	ssyncset.done $0x0  }
0x28: {  	[sflag:s26] =	ssyncadd.s32 $0xFFFFF000  }
0x29: {  	[spmem:s12] =	stream.linear.scatter [tilespmem:s25], [sflag:$0x2], $0x1000, $0x38;
	[tilespmem:$0x14000] =	vst v63  }
0x2a: {  	_ =	swait.ge [sflag:s26], $0x1000  }
0x2b: {  	[sflag:s26] =	ssyncset.done $0x0  }
0x2c: {  	[sflag:s26] =	ssyncadd.s32 $0xFFFFF000  }
0x2d: {  	[spmem:s13] =	stream.linear.scatter [tilespmem:s25], [sflag:$0x2], $0x1000, $0x38;
	[tilespmem:$0x14000] =	vst v63  }
0x2e: {  	_ =	swait.ge [sflag:s26], $0x1000  }
0x2f: {  	[sflag:s26] =	ssyncset.done $0x0  }
0x30: {  	[sflag:s26] =	ssyncadd.s32 $0xFFFFF000  }
0x31: {  	[spmem:s14] =	stream.linear.scatter [tilespmem:s25], [sflag:$0x2], $0x1000, $0x38;
	[tilespmem:$0x14000] =	vst v63  }
0x32: {  	_ =	swait.ge [sflag:s26], $0x1000  }
0x33: {  	[sflag:s26] =	ssyncset.done $0x0  }
0x34: {  	[sflag:s26] =	ssyncadd.s32 $0xFFFFF000  }
0x35: {  	[spmem:s15] =	stream.linear.scatter [tilespmem:s25], [sflag:$0x2], $0x1000, $0x38;
	[tilespmem:$0x14000] =	vst v63  }
0x36: {  	_ =	swait.ge [sflag:s26], $0x1000  }
0x37: {  	[sflag:s26] =	ssyncset.done $0x0  }
0x38: {  	[sflag:s26] =	ssyncadd.s32 $0xFFFFF000  }
0x39: {  	[spmem:s16] =	stream.linear.scatter [tilespmem:s25], [sflag:$0x2], $0x1000, $0x38;
	[tilespmem:$0x14000] =	vst v63  }
0x3a: {  	_ =	swait.ge [sflag:s26], $0x1000  }
0x3b: {  	[sflag:s26] =	ssyncset.done $0x0  }
0x3c: {  	[sflag:s26] =	ssyncadd.s32 $0xFFFFF000  }
0x3d: {  	[spmem:s17] =	stream.linear.scatter [tilespmem:s25], [sflag:$0x2], $0x1000, $0x38;
	[tilespmem:$0x14000] =	vst v63  }
0x3e: {  	_ =	swait.ge [sflag:s26], $0x1000  }
0x3f: {  	[sflag:s26] =	ssyncset.done $0x0  }
0x40: {  	[sflag:s26] =	ssyncadd.s32 $0xFFFFF000  }
0x41: {  	[spmem:s18] =	stream.linear.scatter [tilespmem:s25], [sflag:$0x2], $0x1000, $0x38;
	[tilespmem:$0x14000] =	vst v63  }
0x42: {  	_ =	swait.ge [sflag:s26], $0x1000  }
0x43: {  	[sflag:s26] =	ssyncset.done $0x0  }
0x44: {  	[sflag:s26] =	ssyncadd.s32 $0xFFFFF000  }
0x45: {  	[spmem:s19] =	stream.linear.scatter [tilespmem:s25], [sflag:$0x2], $0x1000, $0x38;
	[tilespmem:$0x14000] =	vst v63  }
0x46: {  	_ =	swait.ge [sflag:s26], $0x1000  }
0x47: {  	[sflag:s26] =	ssyncset.done $0x0  }
0x48: {  	[sflag:s26] =	ssyncadd.s32 $0xFFFFF000  }
0x49: {  	[spmem:s20] =	stream.linear.scatter [tilespmem:s25], [sflag:$0x2], $0x1000, $0x38;
	[tilespmem:$0x14000] =	vst v63  }
0x4a: {  	_ =	swait.ge [sflag:s26], $0x1000  }
0x4b: {  	[sflag:s26] =	ssyncset.done $0x0  }
0x4c: {  	[sflag:s26] =	ssyncadd.s32 $0xFFFFF000  }
0x4d: {  	[spmem:s21] =	stream.linear.scatter [tilespmem:s25], [sflag:$0x2], $0x1000, $0x38;
	[tilespmem:$0x14000] =	vst v63  }
0x4e: {  	_ =	swait.ge [sflag:s26], $0x1000  }
0x4f: {  	[sflag:s26] =	ssyncset.done $0x0  }
0x50: {  	[sflag:s26] =	ssyncadd.s32 $0xFFFFF000  }
0x51: {  	[spmem:s22] =	stream.linear.scatter [tilespmem:s25], [sflag:$0x2], $0x1000, $0x38;
	[tilespmem:$0x14000] =	vst v63  }
0x52: {  	_ =	swait.ge [sflag:s26], $0x1000  }
0x53: {  	[sflag:s26] =	ssyncset.done $0x0  }
0x54: {  	[sflag:s26] =	ssyncadd.s32 $0xFFFFF000  }
0x55: {  	[spmem:s23] =	stream.linear.scatter [tilespmem:s25], [sflag:$0x2], $0x1000, $0x38;
	[tilespmem:$0x14000] =	vst v63  }
0x56: {  	_ =	swait.ge [sflag:s26], $0x1000  }
0x57: {  	[sflag:s26] =	ssyncset.done $0x0  }
0x58: {  	s0 =	simm.s32 $0x0;
	s7 =	rddreg [dreg:$0x3];
	[sflag:s26] =	ssyncadd.s32 $0xFFFFF000  }
0x59: {  	[tilespmem:s0], [sflag:$0x2] =	stream.linear.gather [hbm4b:s7+s0], $0x1000, $0x38;
	[tilespmem:$0x14000] =	vst v63  }
0x5a: {  	_ =	swait.ge [sflag:s26], $0x1000  }
0x5b: {  	[sflag:s26] =	ssyncset.done $0x0  }
0x5c: {  	s6 =	simm.s32 $0x1000;
	s9 =	rddreg [dreg:$0x4];
	[sflag:s26] =	ssyncadd.s32 $0xFFFFF000  }
0x5d: {  	[tilespmem:s6], [sflag:$0x2] =	stream.linear.gather [hbm4b:s9+s0], $0x1000, $0x38;
	[tilespmem:$0x14000] =	vst v63  }
0x5e: {  	_ =	swait.ge [sflag:s26], $0x1000  }
0x5f: {  	[sflag:s26] =	ssyncset.done $0x0  }
0x60: {  	[sflag:s26] =	ssyncadd.s32 $0xFFFFF000  }
0x61: {  	s7 =	simm.s32 $0x0;
	[bflag:$0x0] =	sbarrier.arrive $0xFFFF  }
0x62: {  	[tilespmem:s30], [sflag:$0x1] =	stream.indirect.gather [hbm4b:s4+s29], $0x20, s7, s29, $0xb8;
	[tilespmem:$0x14000] =	vst v63  }
0x63: {  	_ =	swait.ge [sflag:s31], $0x1000  }
0x64: {  	[sflag:s31] =	ssyncset.done $0x0  }
0x65: {  	s9 =	simm.s32 $0x1000;
	[sflag:s31] =	ssyncadd.s32 $0xFFFFF000  }
0x66: {  	[spmem:s1] =	stream.indirect.scatter.add.f32 [tilespmem:s30], [sflag:$0x2], $0x20, s9, s29, $0xb8;
	[tilespmem:$0x14000] =	vst v63  }
0x67: {  	_ =	swait.ge [sflag:s26], $0x1000  }
0x68: {  	s2 =	simm.s32 $0x400;
	s0 =	simm.s32 $0x200;
	[sflag:s26] =	ssyncset.done $0x0  }
.LBB2_4:
0x69: {  	s9 =	sshra.s32 s0, $0x2  }
0x6a: {  	[sflag:s26] =	ssyncadd.s32 $0xFFFFF000;
	s0 =	smov.u32 s2;
	s6 =	sadd.s32 $0x200, s2  }
0x6b: {  	[tilespmem:s30], [sflag:$0x1] =	stream.indirect.gather [hbm4b:s4+s29], $0x20, s9, s29, $0xb8;
	[tilespmem:$0x14000] =	vst v63  }
0x6c: {  	p0 =	sne.s32 s2, $0x3E00;
	_ =	swait.ge [sflag:s31], $0x1000  }
.Ltmp1:
0x6d: {  	[sflag:s31] =	ssyncset.done $0x0;
	(pc) =	sbr.rel @p0 .LBB2_4-.Ltmp1, $4  }
0x6e: {  	s2 =	sadd.s32 $0x1000, s9;
	[sflag:s31] =	ssyncadd.s32 $0xFFFFF000  }
0x6f: {  	[spmem:s1] =	stream.indirect.scatter.add.f32 [tilespmem:s30], [sflag:$0x2], $0x20, s2, s29, $0xb8;
	[tilespmem:$0x14000] =	vst v63  }
0x70: {  	_ =	swait.ge [sflag:s26], $0x1000  }
0x71: {  	s2 =	smov.u32 s6;
	[sflag:s26] =	ssyncset.done $0x0  }
0x72: {  	s0 =	sshra.s32 s0, $0x2;
	[sflag:s26] =	ssyncadd.s32 $0xFFFFF000  }
0x73: {  	[tilespmem:s30], [sflag:$0x1] =	stream.indirect.gather [hbm4b:s4+s29], $0x20, s0, s29, $0xb8;
	[tilespmem:$0x14000] =	vst v63  }
0x74: {  	_ =	swait.ge [sflag:s31], $0x1000  }
0x75: {  	[sflag:s31] =	ssyncset.done $0x0  }
0x76: {  	s0 =	sadd.s32 $0x1000, s0;
	[sflag:s31] =	ssyncadd.s32 $0xFFFFF000  }
0x77: {  	[spmem:s1] =	stream.indirect.scatter.add.f32 [tilespmem:s30], [sflag:$0x2], $0x20, s0, s29, $0xb8;
	[tilespmem:$0x14000] =	vst v63  }
0x78: {  	_ =	swait.ge [sflag:s26], $0x1000  }
0x79: {  	s9 =	stileid.u32;
	[sflag:s26] =	ssyncset.done $0x0  }
0x7a: {  	s2 =	sadd.s32 $0x0, s24;
	s0 =	sshll.u32 s9, $0x6;
	[sflag:s26] =	ssyncadd.s32 $0xFFFFF000  }
0x7b: {  	s6 =	sshrl.u32 s5, $0x3;
	s0 =	sor.u32 $0x1C02, s0;
	[bflag:$0x0] =	sbarrier.arrive $0xFFFF  }
0x7c: {  	[hbm:s2], [sflag:s0] =	dma.local [spmem:s6], $0x200  }
0x7d: {  	s9 =	smov.u32 s28;
	s2 =	simm.s32 $0x200;
	_ =	swait.ge [sflag:s26], $0x200  }
.LBB2_6:
0x7e: {  	s6 =	sadd.s32 s2, s24;
	[sflag:s26] =	ssyncset.done $0x0;
	p0 =	sne.s32 s2, $0x1E00  }
.Ltmp2:
0x7f: {  	s7 =	sshrl.u32 s9, $0x3;
	[sflag:s26] =	ssyncadd.s32 $0xFFFFFE00;
	(pc) =	sbr.rel @p0 .LBB2_6-.Ltmp2, $3  }
0x80: {  	[hbm:s6], [sflag:s0] =	dma.local [spmem:s7], $0x200  }
0x81: {  	s2 =	sadd.s32 $0x200, s2;
	_ =	sdelay $0x1  }
0x82: {  	s9 =	sadd.s32 $0x1000, s9;
	_ =	swait.ge [sflag:s26], $0x200  }
0x83: {  	s3 =	sadd.s32 $0x1, s3  }
0x84: {  	p0 =	sne.s32 s3, s8  }
.Ltmp3:
0x85: {  	_ = 	snop;
	(pc) =	sbr.rel @p0 .LBB2_1-.Ltmp3, $3  }
0x86: {  	_ =	sdelay $0x1  }
0x87: {  	[sflag:s26] =	ssyncset.done $0x0  }
0x88: {  	[sflag:s26] =	ssyncadd.s32 $0xFFFFFE00  }
0x89: {  	_ =	sfence.sel $0x180000  }
0x8a: {  	[bflag:$0x0] =	sbarrier.arrive $0xFFFF  }
0x8b: {  	_ =	strace $0x9000004A  }
0x8c: {  	s0 =	stileid.u32;
	[bflag:$0x2] =	sbarrier.arrive $0xFFFF  }
0x8d: {  	p0 =	sne.s32 s0, $0x0;
	s0 =	rddreg [dreg:$0x2]  }
0x8e: {  	s0 =	sadd.s32 @!p0 $0x100000, s0  }
0x8f: {  	[sflag:s0] =	ssyncadd.tile.s32 @!p0 $0x1;
	_ =	shalt  }
.Lfunc_end2:
_tile_overlayer_lowered:
.L_overlay_start_2:
0x90: {  	(tag) =	ssettag $0x2  }
0x91: {  	s0 =	rddreg [dreg:$0x0];
	s2 =	stileid.u32  }
0x92: {  	s1 =	rddreg [dreg:$0x1];
	p0 =	sne.s32 s2, $0x0  }
0x93: {  	s3 =	rddreg [dreg:$0x2];
	[bflag:$0x3] =	sbarrier.arrive $0xFFFF;
	s2 =	simm.s32 @!p0 $0x1C02  }
0x94: {  	[timem:s3], [sflag:s2] =	dma.local @!p0 [hbm:s0], s1  }
0x95: {  	s0 =	simm.s32 @!p0 $0x2  }
0x96: {  	_ =	swait.ge @!p0 [sflag:s0], s1  }
0x97: {  	s1 =	ssub.s32 @!p0 $0x0, s1;
	[sflag:s0] =	ssyncset.done @!p0 $0x0  }
0x98: {  	[sflag:s0] =	ssyncadd.s32 @!p0 s1  }
0x99: {  	[bflag:$0x3] =	sbarrier.arrive $0xFFFF  }
0x9a: {  	_ =	shalt  }

// kernel: kernel.25.cloned.1.call-start
scs
__scs_entry_jumppad:
0x0: {  	(pc) =	sbr.rel $0x88, $3  }
0x1: {  	(tag) =	ssettag $0x0;
	lr =	simm.s32 $0x1  }
0x2: {  	[smem:$0x3F8F] =	sst lr;
	_ =	strace $0xD0000000  }
0x3: {  	_ = 	snop  }
0x4: {  	_ = 	snop  }
0x5: {  	_ = 	snop  }
0x6: {  	_ = 	snop  }
0x7: {  	_ = 	snop  }
__scs_overlays_trampoline_lowered:
0x8: {  	[smem:$0x3F9E] =	sst s0  }
0x9: {  	[smem:$0x3F9F] =	sst s1  }
0xa: {  	[smem:$0x3FA0] =	sst s2  }
0xb: {  	[smem:$0x3FA1] =	sst s3  }
0xc: {  	[smem:$0x3FA2] =	sst s4  }
0xd: {  	[smem:$0x3FA3] =	sst s5  }
0xe: {  	[smem:$0x3FA4] =	sst s6  }
0xf: {  	[smem:$0x3FA5] =	sst s7  }
0x10: {  	[smem:$0x3FA6] =	sst s8  }
0x11: {  	[smem:$0x3FA7] =	sst s9;
	s0 =	simm.s32 @!p0 $0x0  }
0x12: {  	s1 =	sld [smem:$0x3F8D];
	s0 =	simm.s32 @p0 $0x1  }
0x13: {  	[smem:$0x3FA8] =	sst s0;
	s0 =	simm.s32 @!p1 $0x0  }
0x14: {  	s2 =	sld [smem:$0x3F8C];
	s0 =	simm.s32 @p1 $0x1  }
0x15: {  	[smem:$0x3FA9] =	sst s0;
	s0 =	simm.s32 @!p2 $0x0  }
0x16: {  	s3 =	sld [smem:$0x3FDB];
	s0 =	simm.s32 @p2 $0x1  }
0x17: {  	s4 =	simm.s32 $0x1BF5;
	[smem:$0x3FAB] =	sst s0  }
0x18: {  	s0 =	sld [smem:$0x3F8E];
	_ =	swait.ge [sflag:s4], $0x0  }
0x19: {  	s7 =	sld [smem:$0x3F8F]  }
0x1a: {  	s8 =	sadd.s32 $0xFFFFE003, lr  }
0x1b: {  	s9 =	sadd.s32 $0xFFFFFEF7, lr;
	s5 =	simm.s32 $0xFFFFFFFF;
	p2 =	slt.u32 s8, $0xFFFFF086  }
0x1c: {  	p1 =	slt.u32 s9, $0xF7A;
	s5 =	simm.s32 @!p2 $0x0  }
0x1d: {  	s5 =	simm.s32 @p1 $0x1;
	p0 =	seq.s32 s7, s2  }
0x1e: {  	s7 =	smul.u32 @!p0 $0xF7A, s2;
	p2 =	seq.s32 @!p0 s5, $0x0  }
0x1f: {  	s9 =	smul.u32 $0xF7A, s1;
	s8 =	simm.s32 @!p0 $0x1BF5;
	p2 =	por !p2, p0  }
0x20: {  	[sflag:s8] =	ssyncset.s32 @!p0 $0xFFFFF086;
	s6 =	sadd.s32 @!p0 s3, s7;
	s7 =	simm.s32 @!p0 $0x108  }
0x21: {  	s3 =	sadd.s32 s3, s9;
	s6 =	sadd.s32 @!p0 $0x88, s6;
	s7 =	simm.s32 @p2 $0x1082  }
0x22: {  	[simem:s7], [sflag:s8] =	dma.local @!p0 [hbm:s6], $0xF7A  }
0x23: {  	s9 =	sor.u32 $0xD0000000, s2;
	s6 =	simm.s32 $0x108;
	_ =	swait.ge @!p0 [sflag:s8], $0x0  }
0x24: {  	s3 =	sadd.s32 $0x88, s3;
	s6 =	simm.s32 @!p1 $0x1082;
	[sflag:s4] =	ssyncset.s32 $0xFFFFF086  }
0x25: {  	[simem:s6], [sflag:s4] =	dma.local [hbm:s3], $0xF7A  }
0x26: {  	[smem:$0x3F8F] =	sst s1;
	(tag) =	ssettag s2;
	_ =	strace s9  }
0x27: {  	s1 =	sld [smem:$0x3F9F]  }
0x28: {  	s2 =	sld [smem:$0x3FA0]  }
0x29: {  	s4 =	sld [smem:$0x3FA2]  }
0x2a: {  	p0 =	seq.s32 s5, $0x0;
	s5 =	sld [smem:$0x3FA3]  }
0x2b: {  	s6 =	sld [smem:$0x3FA4]  }
0x2c: {  	s7 =	sld [smem:$0x3FA5]  }
0x2d: {  	s3 =	simm.s32 $0x108;
	s8 =	sld [smem:$0x3FA6]  }
0x2e: {  	s3 =	simm.s32 @!p0 $0x1082;
	s9 =	sld [smem:$0x3FA7]  }
0x2f: {  	lr =	sadd.s32 s0, s3;
	s0 =	sld [smem:$0x3F9E]  }
0x30: {  	s3 =	sld [smem:$0x3FA1]  }
0x31: {  	[smem:$0x3FAA] =	sst s10  }
0x32: {  	s10 =	sld [smem:$0x3FA8];
	_ =	sdelay $0x3  }
0x33: {  	p0 =	seq.s32 s10, $0x1;
	s10 =	sld [smem:$0x3FAA];
	_ =	sdelay $0x3  }
0x34: {  	[smem:$0x3FAA] =	sst s10  }
0x35: {  	s10 =	sld [smem:$0x3FA9];
	_ =	sdelay $0x3  }
0x36: {  	p1 =	seq.s32 s10, $0x1;
	s10 =	sld [smem:$0x3FAA];
	_ =	sdelay $0x3  }
0x37: {  	[smem:$0x3FAA] =	sst s10  }
0x38: {  	s10 =	sld [smem:$0x3FAB]  }
0x39: {  	_ = 	snop;
	(pc) =	sbr.ind lr, $3  }
0x3a: {  	_ = 	snop  }
0x3b: {  	_ = 	snop  }
0x3c: {  	p2 =	seq.s32 s10, $0x1;
	s10 =	sld [smem:$0x3FAA]  }
0x3d: {  	_ =	shalt  }
0x3e: {  	_ =	shalt  }
0x3f: {  	_ =	shalt  }
0x40: {  	_ =	shalt  }
0x41: {  	_ =	shalt  }
0x42: {  	_ =	shalt  }
0x43: {  	_ =	shalt  }
0x44: {  	_ =	shalt  }
0x45: {  	_ =	shalt  }
0x46: {  	_ =	shalt  }
0x47: {  	_ =	shalt  }
0x48: {  	_ =	shalt  }
0x49: {  	_ =	shalt  }
0x4a: {  	_ =	shalt  }
0x4b: {  	_ =	shalt  }
0x4c: {  	_ =	shalt  }
0x4d: {  	_ =	shalt  }
0x4e: {  	_ =	shalt  }
0x4f: {  	_ =	shalt  }
0x50: {  	_ =	shalt  }
0x51: {  	_ =	shalt  }
0x52: {  	_ =	shalt  }
0x53: {  	_ =	shalt  }
0x54: {  	_ =	shalt  }
0x55: {  	_ =	shalt  }
0x56: {  	_ =	shalt  }
0x57: {  	_ =	shalt  }
0x58: {  	_ =	shalt  }
0x59: {  	_ =	shalt  }
0x5a: {  	_ =	shalt  }
0x5b: {  	_ =	shalt  }
0x5c: {  	_ =	shalt  }
0x5d: {  	_ =	shalt  }
0x5e: {  	_ =	shalt  }
0x5f: {  	_ =	shalt  }
0x60: {  	_ =	shalt  }
0x61: {  	_ =	shalt  }
0x62: {  	_ =	shalt  }
0x63: {  	_ =	shalt  }
0x64: {  	_ =	shalt  }
0x65: {  	_ =	shalt  }
0x66: {  	_ =	shalt  }
0x67: {  	_ =	shalt  }
0x68: {  	_ =	shalt  }
0x69: {  	_ =	shalt  }
0x6a: {  	_ =	shalt  }
0x6b: {  	_ =	shalt  }
0x6c: {  	_ =	shalt  }
0x6d: {  	_ =	shalt  }
0x6e: {  	_ =	shalt  }
0x6f: {  	_ =	shalt  }
0x70: {  	_ =	shalt  }
0x71: {  	_ =	shalt  }
0x72: {  	_ =	shalt  }
0x73: {  	_ =	shalt  }
0x74: {  	_ =	shalt  }
0x75: {  	_ =	shalt  }
0x76: {  	_ =	shalt  }
0x77: {  	_ =	shalt  }
0x78: {  	_ =	shalt  }
0x79: {  	_ =	shalt  }
0x7a: {  	_ =	shalt  }
0x7b: {  	_ =	shalt  }
0x7c: {  	_ =	shalt  }
0x7d: {  	_ =	shalt  }
0x7e: {  	_ =	shalt  }
0x7f: {  	_ =	shalt  }
0x80: {  	_ =	shalt  }
0x81: {  	_ =	shalt  }
0x82: {  	_ =	shalt  }
0x83: {  	_ =	shalt  }
0x84: {  	_ =	shalt  }
0x85: {  	_ =	shalt  }
0x86: {  	_ =	shalt  }
0x87: {  	_ =	shalt  }
.Lfunc_end0:
.L_simem_size_0:
called_computation.2_lowered:
.L_overlay_start_0:
0x88: {  	s2 =	sld [smem:$0x3FD9]  }
0x89: {  	s3 =	sld [smem:$0x3FFE];
	_ =	sdelay $0x1  }
0x8a: {  	s1 =	srdreg.scid  }
0x8b: {  	s0 =	sand.u32 $0x1, s1  }
0x8c: {  	s16 =	sshll.u32 s0, $0xA;
	s2 =	sadd.s32 s3, s2  }
0x8d: {  	s2 =	sadd.s32 s2, s16  }
0x8e: {  	[smem:$0x3FB6] =	sst s2  }
0x8f: {  	_ = 	snop  }
0x90: {  	(tm) =	ssettm $0x1  }
0x91: {  	s17 =	sld [smem:$0x3FFB];
	_ =	sdelay $0x3  }
0x92: {  	_ =	strace s17  }
0x93: {  	s2 =	sld [smem:$0x3FFC];
	_ =	sdelay $0x3  }
0x94: {  	_ =	strace s2  }
0x95: {  	s2 =	sld [smem:$0x3FFD];
	_ =	sdelay $0x3  }
0x96: {  	_ =	strace s2  }
0x97: {  	_ =	strace $0x8FFFFFFF  }
0x98: {  	s18 =	sld [smem:$0x3FDB];
	_ =	sdelay $0x1  }
0x99: {  	s19 =	simm.s32 $_scs_section_size  }
0x9a: {  	s4 =	simm.s32 $_size__tile_overlayer_lowered;
	s5 =	simm.s32 $_tile_overlayer_lowered  }
0x9b: {  	s22 =	simm.s32 $0x1BFF;
	s21 =	sshll.u32 s5, $0x1;
	s2 =	sadd.s32 s19, s18  }
0x9c: {  	s6 =	simm.s32 $0x0;
	s20 =	sshll.u32 s4, $0x1;
	s4 =	sadd.s32 s21, s2  }
0x9d: {  	[timem:s6], [sflag:s22] =	dma.local [hbm:s4], s20  }
0x9e: {  	_ =	swait.ge [sflag:s22], s20  }
0x9f: {  	s3 =	ssub.s32 $0x0, s20;
	[sflag:s22] =	ssyncset.done $0x0  }
0xa0: {  	[sflag:s22] =	ssyncadd.s32 s3;
	_ =	sdelay $0x1  }
0xa1: {  	s23 =	simm.s32 $0x1B8B  }
0xa2: {  	_ =	swait.ge [sflag:s23], $0x1  }
0xa3: {  	[sflag:s23] =	ssyncset.done $0x0  }
0xa4: {  	s25 =	simm.s32 $0x1B8E;
	s24 =	sld [smem:$0x3FFE];
	[sflag:s23] =	ssyncadd.s32 $0xFFFFFFFF  }
0xa5: {  	s26 =	simm.s32 $execute0_lowered;
	[smem:$0x3FD2] =	sst s25  }
0xa6: {  	s4 =	sshll.u32 s26, $0x1;
	_ =	strace $0x8000004C;
	[dreg:$0x1] =	wrdreg $0xFFFFFFFF  }
0xa7: {  	s28 =	simm.s32 $_size_execute0_lowered;
	s2 =	sadd.s32 s2, s4;
	[dreg:$0x0] =	wrdreg $0x0  }
0xa8: {  	s4 =	sshll.u32 s28, $0x1;
	[dreg:$0x2] =	wrdreg s2  }
0xa9: {  	[dreg:$0x3] =	wrdreg s4  }
0xaa: {  	[dreg:$0x4] =	wrdreg $0xC0  }
0xab: {  	_ =	task [dreg:s6], $0x5FFFF  }
0xac: {  	[dreg:$0x1] =	wrdreg $0xFFFFFFFF  }
0xad: {  	[dreg:$0x0] =	wrdreg $0x60  }
0xae: {  	[dreg:$0x2] =	wrdreg s24  }
0xaf: {  	[dreg:$0x3] =	wrdreg $0x28000  }
0xb0: {  	[dreg:$0x4] =	wrdreg $0x9  }
0xb1: {  	_ =	task.clear_ibuf [dreg:s6], $0x5FFFF;
	_ =	strace $0x9000004C  }
0xb2: {  	s29 =	simm.s32 $0x9;
	_ =	strace $0x8000004E  }
0xb3: {  	_ =	swait.ge [sflag:s29], $0x1  }
0xb4: {  	[sflag:s29] =	ssyncadd.s32 $0xFFFFFFFF  }
0xb5: {  	_ =	strace $0x9000004E  }
0xb6: {  	_ =	sfence  }
0xb7: {  	s30 =	sld [smem:$0x0];
	_ =	sdelay $0x2  }
0xb8: {  	s31 =	sshll.u32 s1, $0xD;
	s1 =	sshrl.u32 s1, $0x2  }
0xb9: {  	s3 =	sand.u32 $0x4000, s31;
	s1 =	sadd.s32 s1, s30  }
0xba: {  	s0 =	sor.u32 s3, s0;
	s1 =	sshll.u32 s1, $0x11  }
0xbb: {  	s0 =	sor.u32 s1, s0  }
0xbc: {  	s0 =	sadd.s32 $0x8F2B, s0  }
0xbd: {  	[sflag:s0] =	ssyncadd.remote.s32 $0x1  }
0xbe: {  	_ =	sfence.sel $0xFFFF  }
0xbf: {  	[dreg:$0x0] =	wrdreg $0xFFFFFFFF;
	(pc) =	sbr.abs _section_cstart, $3  }
0xc0: {  	[dreg:$0x1] =	wrdreg $0xFFFFFFFF  }
0xc1: {  	_ =	task.clear_ibuf [dreg:s6], $0x2FFFF;
	_ =	strace $0x9FFFFFFF  }
0xc2: {  	(tm) =	ssettm $0x7FFFFFFF  }
0xc3: {  	_ =	shalt  }
tec
execute0_lowered:
.L_overlay_start_1:
0x0: {  	(tag) =	ssettag $0x1  }
0x1: {  	s0 =	rddreg [dreg:$0x0]  }
0x2: {  	s2 =	rddreg [dreg:$0x1]  }
0x3: {  	s1 =	srdreg.scid;
	s6 =	stileid.u32  }
0x4: {  	s3 =	simm.s32 $0x0;
	s18 =	simm.s32 $0x400;
	s19 =	simm.s32 $0x80  }
0x5: {  	s20 =	simm.s32 $0x800;
	s21 =	simm.s32 $0x1;
	s28 =	simm.s32 $0x700  }
0x6: {  	s29 =	simm.s32 $0x380;
	s30 =	simm.s32 $0x780;
	s31 =	simm.s32 $0x0  }
0x7: {  	s1 =	sand.u32 $0x1, s1;
	s5 =	sshll.u32 s6, $0x7;
	[smem:$0x7FF] =	sst s3  }
0x8: {  	s13 =	sshll.u32 s6, $0xE;
	s4 =	sshll.u32 s1, $0xB;
	_ =	strace $0x8000004D  }
0x9: {  	s22 =	ssub.s32 $0x2, s1;
	s1 =	sshll.u32 s1, $0x12;
	s14 =	sor.u32 $0x1000, s13  }
0xa: {  	s16 =	sor.u32 $0x2000, s13;
	s17 =	sor.u32 $0x3000, s13;
	s5 =	sor.u32 s5, s4  }
0xb: {  	s4 =	sadd.s32 $0x8EE00, s0;
	s23 =	sshrl.u32 s22, $0x1;
	s8 =	sor.u32 s1, s13  }
0xc: {  	s15 =	sor.u32 s1, s14;
	s24 =	sor.u32 s1, s16;
	s1 =	sor.u32 s1, s17  }
0xd: {  	s26 =	sadd.s32 s17, s2;
	s17 =	simm.s32 $0x2;
	s7 =	sadd.s32 s5, s0  }
0xe: {  	s0 =	sadd.s32 $0x96E00, s0;
	s9 =	ssub.s32 s22, s23;
	s5 =	sadd.s32 s13, s2  }
0xf: {  	s8 =	sshrl.u32 s8, $0x3;
	s15 =	sshrl.u32 s15, $0x3;
	s22 =	sadd.s32 s14, s2  }
0x10: {  	s25 =	sshrl.u32 s24, $0x3;
	s1 =	sshrl.u32 s1, $0x3;
	s24 =	sadd.s32 s16, s2  }
0x11: {  	s16 =	simm.s32 $0x1800;
	s6 =	sadd.s32 $0xD600, s7;
	s7 =	sadd.s32 $0xC600, s7  }
0x12: {  	s8 =	sadd.s32 s0, s8;
	s9 =	smax.u32 s9, $0x1;
	s10 =	sadd.s32 $0x1000, s5  }
0x13: {  	s11 =	sadd.s32 $0x2000, s5;
	s12 =	sadd.s32 $0x3000, s5;
	s13 =	sadd.s32 s0, s15  }
0x14: {  	s14 =	sadd.s32 s0, s25;
	s15 =	sadd.s32 s0, s1;
	s23 =	sshrl.u32 s22, $0x3  }
0x15: {  	v0 =	vimm.f32 $0.0e+00;
	s24 =	sshrl.u32 s24, $0x3;
	s25 =	sshrl.u32 s26, $0x3;
	s26 =	simm.s32 $0x300  }
.LBB2_1:
0x16: {  	s0 =	simm.s32 $0x80;
	s1 =	simm.s32 $0x0  }
.LBB2_2:
0x17: {  	p0 =	sne.s32 s0, $0x3F80;
	[tilespmem:s1+$0x1800] =	vst v0;
	s22 =	smov.u32 s0;
	s0 =	sadd.s32 $0x80, s0  }
.Ltmp0:
0x18: {  	[tilespmem:s1+$0x1810] =	vst v0;
	(pc) =	sbr.rel @p0 .LBB2_2-.Ltmp0, $2  }
0x19: {  	_ =	sdelay $0x2  }
0x1a: {  	s1 =	sshra.s32 s22, $0x2  }
0x1b: {  	[tilespmem:s1+$0x1800] =	vst v0  }
0x1c: {  	[tilespmem:s1+$0x1810] =	vst v0  }
0x1d: {  	[spmem:s5] =	stream.linear.scatter [tilespmem:s16], [sflag:$0x2], $0x1000, $0x38;
	[tilespmem:$0x6800] =	vst v63  }
0x1e: {  	_ =	swait.ge [sflag:s17], $0x1000  }
0x1f: {  	[sflag:s17] =	ssyncset.done $0x0  }
0x20: {  	[sflag:s17] =	ssyncadd.s32 $0xFFFFF000  }
0x21: {  	[spmem:s10] =	stream.linear.scatter [tilespmem:s16], [sflag:$0x2], $0x1000, $0x38;
	[tilespmem:$0x6800] =	vst v63  }
0x22: {  	_ =	swait.ge [sflag:s17], $0x1000  }
0x23: {  	[sflag:s17] =	ssyncset.done $0x0  }
0x24: {  	[sflag:s17] =	ssyncadd.s32 $0xFFFFF000  }
0x25: {  	[spmem:s11] =	stream.linear.scatter [tilespmem:s16], [sflag:$0x2], $0x1000, $0x38;
	[tilespmem:$0x6800] =	vst v63  }
0x26: {  	_ =	swait.ge [sflag:s17], $0x1000  }
0x27: {  	[sflag:s17] =	ssyncset.done $0x0  }
0x28: {  	[sflag:s17] =	ssyncadd.s32 $0xFFFFF000  }
0x29: {  	[spmem:s12] =	stream.linear.scatter [tilespmem:s16], [sflag:$0x2], $0x1000, $0x38;
	[tilespmem:$0x6800] =	vst v63  }
0x2a: {  	_ =	swait.ge [sflag:s17], $0x1000  }
0x2b: {  	[sflag:s17] =	ssyncset.done $0x0  }
0x2c: {  	[sflag:s17] =	ssyncadd.s32 $0xFFFFF000  }
0x2d: {  	[tilespmem:s3], [sflag:$0x2] =	stream.linear.gather [hbm4b:s6+s3], $0x400, $0x38;
	[tilespmem:$0x6800] =	vst v63  }
0x2e: {  	_ =	swait.ge [sflag:s17], $0x400  }
0x2f: {  	[sflag:s17] =	ssyncset.done $0x0  }
0x30: {  	[sflag:s17] =	ssyncadd.s32 $0xFFFFFC00  }
0x31: {  	[tilespmem:s18], [sflag:$0x2] =	stream.linear.gather [hbm4b:s7+s3], $0x400, $0x38;
	[tilespmem:$0x6800] =	vst v63  }
0x32: {  	_ =	swait.ge [sflag:s17], $0x400  }
0x33: {  	[sflag:s17] =	ssyncset.done $0x0  }
0x34: {  	[sflag:s17] =	ssyncadd.s32 $0xFFFFFC00  }
0x35: {  	[bflag:$0x0] =	sbarrier.arrive $0xFFFF  }
0x36: {  	[tilespmem:s20], [sflag:$0x1] =	stream.indirect.gather [hbm4b:s4+s19], $0x20, s3, s19, $0xb8;
	[tilespmem:$0x6800] =	vst v63  }
0x37: {  	_ =	swait.ge [sflag:s21], $0x1000  }
0x38: {  	[sflag:s21] =	ssyncset.done $0x0  }
0x39: {  	[sflag:s21] =	ssyncadd.s32 $0xFFFFF000  }
0x3a: {  	[spmem:s2] =	stream.indirect.scatter.add.f32 [tilespmem:s20], [sflag:$0x2], $0x20, s18, s19, $0xb8;
	[tilespmem:$0x6800] =	vst v63  }
0x3b: {  	_ =	swait.ge [sflag:s17], $0x1000  }
0x3c: {  	[sflag:s17] =	ssyncset.done $0x0  }
0x3d: {  	[sflag:s17] =	ssyncadd.s32 $0xFFFFF000  }
0x3e: {  	[tilespmem:s20], [sflag:$0x1] =	stream.indirect.gather [hbm4b:s4+s19], $0x20, s19, s19, $0xb8;
	[tilespmem:$0x6800] =	vst v63  }
0x3f: {  	_ =	swait.ge [sflag:s21], $0x1000  }
0x40: {  	[sflag:s21] =	ssyncset.done $0x0  }
0x41: {  	s0 =	simm.s32 $0x480;
	[sflag:s21] =	ssyncadd.s32 $0xFFFFF000  }
0x42: {  	[spmem:s2] =	stream.indirect.scatter.add.f32 [tilespmem:s20], [sflag:$0x2], $0x20, s0, s19, $0xb8;
	[tilespmem:$0x6800] =	vst v63  }
0x43: {  	_ =	swait.ge [sflag:s17], $0x1000  }
0x44: {  	[sflag:s17] =	ssyncset.done $0x0  }
0x45: {  	s1 =	simm.s32 $0x100;
	[sflag:s17] =	ssyncadd.s32 $0xFFFFF000  }
0x46: {  	[tilespmem:s20], [sflag:$0x1] =	stream.indirect.gather [hbm4b:s4+s19], $0x20, s1, s19, $0xb8;
	[tilespmem:$0x6800] =	vst v63  }
0x47: {  	_ =	swait.ge [sflag:s21], $0x1000  }
0x48: {  	[sflag:s21] =	ssyncset.done $0x0  }
0x49: {  	s22 =	simm.s32 $0x500;
	[sflag:s21] =	ssyncadd.s32 $0xFFFFF000  }
0x4a: {  	[spmem:s2] =	stream.indirect.scatter.add.f32 [tilespmem:s20], [sflag:$0x2], $0x20, s22, s19, $0xb8;
	[tilespmem:$0x6800] =	vst v63  }
0x4b: {  	_ =	swait.ge [sflag:s17], $0x1000  }
0x4c: {  	[sflag:s17] =	ssyncset.done $0x0  }
0x4d: {  	s1 =	simm.s32 $0x180;
	[sflag:s17] =	ssyncadd.s32 $0xFFFFF000  }
0x4e: {  	[tilespmem:s20], [sflag:$0x1] =	stream.indirect.gather [hbm4b:s4+s19], $0x20, s1, s19, $0xb8;
	[tilespmem:$0x6800] =	vst v63  }
0x4f: {  	_ =	swait.ge [sflag:s21], $0x1000  }
0x50: {  	[sflag:s21] =	ssyncset.done $0x0  }
0x51: {  	s22 =	simm.s32 $0x580;
	[sflag:s21] =	ssyncadd.s32 $0xFFFFF000  }
0x52: {  	[spmem:s2] =	stream.indirect.scatter.add.f32 [tilespmem:s20], [sflag:$0x2], $0x20, s22, s19, $0xb8;
	[tilespmem:$0x6800] =	vst v63  }
0x53: {  	_ =	swait.ge [sflag:s17], $0x1000  }
0x54: {  	[sflag:s17] =	ssyncset.done $0x0  }
0x55: {  	s1 =	simm.s32 $0x200;
	[sflag:s17] =	ssyncadd.s32 $0xFFFFF000  }
0x56: {  	[tilespmem:s20], [sflag:$0x1] =	stream.indirect.gather [hbm4b:s4+s19], $0x20, s1, s19, $0xb8;
	[tilespmem:$0x6800] =	vst v63  }
0x57: {  	_ =	swait.ge [sflag:s21], $0x1000  }
0x58: {  	[sflag:s21] =	ssyncset.done $0x0  }
0x59: {  	s22 =	simm.s32 $0x600;
	[sflag:s21] =	ssyncadd.s32 $0xFFFFF000  }
0x5a: {  	[spmem:s2] =	stream.indirect.scatter.add.f32 [tilespmem:s20], [sflag:$0x2], $0x20, s22, s19, $0xb8;
	[tilespmem:$0x6800] =	vst v63  }
0x5b: {  	_ =	swait.ge [sflag:s17], $0x1000  }
0x5c: {  	[sflag:s17] =	ssyncset.done $0x0  }
0x5d: {  	s1 =	simm.s32 $0x280;
	[sflag:s17] =	ssyncadd.s32 $0xFFFFF000  }
0x5e: {  	[tilespmem:s20], [sflag:$0x1] =	stream.indirect.gather [hbm4b:s4+s19], $0x20, s1, s19, $0xb8;
	[tilespmem:$0x6800] =	vst v63  }
0x5f: {  	_ =	swait.ge [sflag:s21], $0x1000  }
0x60: {  	[sflag:s21] =	ssyncset.done $0x0  }
0x61: {  	s22 =	simm.s32 $0x680;
	[sflag:s21] =	ssyncadd.s32 $0xFFFFF000  }
0x62: {  	[spmem:s2] =	stream.indirect.scatter.add.f32 [tilespmem:s20], [sflag:$0x2], $0x20, s22, s19, $0xb8;
	[tilespmem:$0x6800] =	vst v63  }
0x63: {  	_ =	swait.ge [sflag:s17], $0x1000  }
0x64: {  	[sflag:s17] =	ssyncset.done $0x0  }
0x65: {  	[sflag:s17] =	ssyncadd.s32 $0xFFFFF000  }
0x66: {  	[tilespmem:s20], [sflag:$0x1] =	stream.indirect.gather [hbm4b:s4+s19], $0x20, s26, s19, $0xb8;
	[tilespmem:$0x6800] =	vst v63  }
0x67: {  	_ =	swait.ge [sflag:s21], $0x1000  }
0x68: {  	[sflag:s21] =	ssyncset.done $0x0  }
0x69: {  	[sflag:s21] =	ssyncadd.s32 $0xFFFFF000  }
0x6a: {  	[spmem:s2] =	stream.indirect.scatter.add.f32 [tilespmem:s20], [sflag:$0x2], $0x20, s28, s19, $0xb8;
	[tilespmem:$0x6800] =	vst v63  }
0x6b: {  	_ =	swait.ge [sflag:s17], $0x1000  }
0x6c: {  	[sflag:s17] =	ssyncset.done $0x0  }
0x6d: {  	[sflag:s17] =	ssyncadd.s32 $0xFFFFF000  }
0x6e: {  	[tilespmem:s20], [sflag:$0x1] =	stream.indirect.gather [hbm4b:s4+s19], $0x20, s29, s19, $0xb8;
	[tilespmem:$0x6800] =	vst v63  }
0x6f: {  	_ =	swait.ge [sflag:s21], $0x1000  }
0x70: {  	[sflag:s21] =	ssyncset.done $0x0  }
0x71: {  	[sflag:s21] =	ssyncadd.s32 $0xFFFFF000  }
0x72: {  	[spmem:s2] =	stream.indirect.scatter.add.f32 [tilespmem:s20], [sflag:$0x2], $0x20, s30, s19, $0xb8;
	[tilespmem:$0x6800] =	vst v63  }
0x73: {  	_ =	swait.ge [sflag:s17], $0x1000  }
0x74: {  	s1 =	stileid.u32;
	[sflag:s17] =	ssyncset.done $0x0  }
0x75: {  	s0 =	sshll.u32 s1, $0x6;
	[sflag:s17] =	ssyncadd.s32 $0xFFFFF000  }
0x76: {  	s0 =	sor.u32 $0x1C02, s0;
	s22 =	sshrl.u32 s5, $0x3;
	[bflag:$0x0] =	sbarrier.arrive $0xFFFF  }
0x77: {  	[hbm:s8], [sflag:s0] =	dma.local [spmem:s22], $0x200  }
0x78: {  	_ =	swait.ge [sflag:s17], $0x200  }
0x79: {  	[sflag:s17] =	ssyncset.done $0x0  }
0x7a: {  	[sflag:s17] =	ssyncadd.s32 $0xFFFFFE00  }
0x7b: {  	[hbm:s13], [sflag:s0] =	dma.local [spmem:s23], $0x200  }
0x7c: {  	_ =	swait.ge [sflag:s17], $0x200  }
0x7d: {  	[sflag:s17] =	ssyncset.done $0x0  }
0x7e: {  	[sflag:s17] =	ssyncadd.s32 $0xFFFFFE00  }
0x7f: {  	[hbm:s14], [sflag:s0] =	dma.local [spmem:s24], $0x200  }
0x80: {  	s31 =	sadd.s32 $0x1, s31;
	_ =	swait.ge [sflag:s17], $0x200  }
0x81: {  	p0 =	sne.s32 s31, s9;
	[sflag:s17] =	ssyncset.done $0x0  }
.Ltmp1:
0x82: {  	[sflag:s17] =	ssyncadd.s32 $0xFFFFFE00;
	(pc) =	sbr.rel @p0 .LBB2_1-.Ltmp1, $4  }
0x83: {  	[hbm:s15], [sflag:s0] =	dma.local [spmem:s25], $0x200  }
0x84: {  	_ =	swait.ge [sflag:s17], $0x200  }
0x85: {  	[sflag:s17] =	ssyncset.done $0x0  }
0x86: {  	[sflag:s17] =	ssyncadd.s32 $0xFFFFFE00  }
0x87: {  	_ =	sfence.sel $0x180000  }
0x88: {  	[bflag:$0x0] =	sbarrier.arrive $0xFFFF  }
0x89: {  	_ =	strace $0x9000004D  }
0x8a: {  	s0 =	stileid.u32;
	[bflag:$0x2] =	sbarrier.arrive $0xFFFF  }
0x8b: {  	p0 =	sne.s32 s0, $0x0;
	s0 =	rddreg [dreg:$0x2]  }
0x8c: {  	s0 =	sadd.s32 @!p0 $0x100000, s0  }
0x8d: {  	[sflag:s0] =	ssyncadd.tile.s32 @!p0 $0x1;
	_ =	shalt  }
.Lfunc_end2:
_tile_overlayer_lowered:
.L_overlay_start_2:
0x8e: {  	(tag) =	ssettag $0x2  }
0x8f: {  	s0 =	rddreg [dreg:$0x0];
	s2 =	stileid.u32  }
0x90: {  	s1 =	rddreg [dreg:$0x1];
	p0 =	sne.s32 s2, $0x0  }
0x91: {  	s3 =	rddreg [dreg:$0x2];
	[bflag:$0x3] =	sbarrier.arrive $0xFFFF;
	s2 =	simm.s32 @!p0 $0x1C02  }
0x92: {  	[timem:s3], [sflag:s2] =	dma.local @!p0 [hbm:s0], s1  }
0x93: {  	s0 =	simm.s32 @!p0 $0x2  }
0x94: {  	_ =	swait.ge @!p0 [sflag:s0], s1  }
0x95: {  	s1 =	ssub.s32 @!p0 $0x0, s1;
	[sflag:s0] =	ssyncset.done @!p0 $0x0  }
0x96: {  	[sflag:s0] =	ssyncadd.s32 @!p0 s1  }
0x97: {  	[bflag:$0x3] =	sbarrier.arrive $0xFFFF  }
0x98: {  	_ =	shalt  }

// kernel: kernel.28.cloned.1.call-start
scs
__scs_entry_jumppad:
0x0: {  	(pc) =	sbr.rel $0x88, $3  }
0x1: {  	(tag) =	ssettag $0x0;
	lr =	simm.s32 $0x1  }
0x2: {  	[smem:$0x3F8F] =	sst lr;
	_ =	strace $0xD0000000  }
0x3: {  	_ = 	snop  }
0x4: {  	_ = 	snop  }
0x5: {  	_ = 	snop  }
0x6: {  	_ = 	snop  }
0x7: {  	_ = 	snop  }
__scs_overlays_trampoline_lowered:
0x8: {  	[smem:$0x3F9E] =	sst s0  }
0x9: {  	[smem:$0x3F9F] =	sst s1  }
0xa: {  	[smem:$0x3FA0] =	sst s2  }
0xb: {  	[smem:$0x3FA1] =	sst s3  }
0xc: {  	[smem:$0x3FA2] =	sst s4  }
0xd: {  	[smem:$0x3FA3] =	sst s5  }
0xe: {  	[smem:$0x3FA4] =	sst s6  }
0xf: {  	[smem:$0x3FA5] =	sst s7  }
0x10: {  	[smem:$0x3FA6] =	sst s8  }
0x11: {  	[smem:$0x3FA7] =	sst s9;
	s0 =	simm.s32 @!p0 $0x0  }
0x12: {  	s1 =	sld [smem:$0x3F8D];
	s0 =	simm.s32 @p0 $0x1  }
0x13: {  	[smem:$0x3FA8] =	sst s0;
	s0 =	simm.s32 @!p1 $0x0  }
0x14: {  	s2 =	sld [smem:$0x3F8C];
	s0 =	simm.s32 @p1 $0x1  }
0x15: {  	[smem:$0x3FA9] =	sst s0;
	s0 =	simm.s32 @!p2 $0x0  }
0x16: {  	s3 =	sld [smem:$0x3FDB];
	s0 =	simm.s32 @p2 $0x1  }
0x17: {  	s4 =	simm.s32 $0x1BF5;
	[smem:$0x3FAB] =	sst s0  }
0x18: {  	s0 =	sld [smem:$0x3F8E];
	_ =	swait.ge [sflag:s4], $0x0  }
0x19: {  	s7 =	sld [smem:$0x3F8F]  }
0x1a: {  	s8 =	sadd.s32 $0xFFFFE003, lr  }
0x1b: {  	s9 =	sadd.s32 $0xFFFFFEF7, lr;
	s5 =	simm.s32 $0xFFFFFFFF;
	p2 =	slt.u32 s8, $0xFFFFF086  }
0x1c: {  	p1 =	slt.u32 s9, $0xF7A;
	s5 =	simm.s32 @!p2 $0x0  }
0x1d: {  	s5 =	simm.s32 @p1 $0x1;
	p0 =	seq.s32 s7, s2  }
0x1e: {  	s7 =	smul.u32 @!p0 $0xF7A, s2;
	p2 =	seq.s32 @!p0 s5, $0x0  }
0x1f: {  	s9 =	smul.u32 $0xF7A, s1;
	s8 =	simm.s32 @!p0 $0x1BF5;
	p2 =	por !p2, p0  }
0x20: {  	[sflag:s8] =	ssyncset.s32 @!p0 $0xFFFFF086;
	s6 =	sadd.s32 @!p0 s3, s7;
	s7 =	simm.s32 @!p0 $0x108  }
0x21: {  	s3 =	sadd.s32 s3, s9;
	s6 =	sadd.s32 @!p0 $0x88, s6;
	s7 =	simm.s32 @p2 $0x1082  }
0x22: {  	[simem:s7], [sflag:s8] =	dma.local @!p0 [hbm:s6], $0xF7A  }
0x23: {  	s9 =	sor.u32 $0xD0000000, s2;
	s6 =	simm.s32 $0x108;
	_ =	swait.ge @!p0 [sflag:s8], $0x0  }
0x24: {  	s3 =	sadd.s32 $0x88, s3;
	s6 =	simm.s32 @!p1 $0x1082;
	[sflag:s4] =	ssyncset.s32 $0xFFFFF086  }
0x25: {  	[simem:s6], [sflag:s4] =	dma.local [hbm:s3], $0xF7A  }
0x26: {  	[smem:$0x3F8F] =	sst s1;
	(tag) =	ssettag s2;
	_ =	strace s9  }
0x27: {  	s1 =	sld [smem:$0x3F9F]  }
0x28: {  	s2 =	sld [smem:$0x3FA0]  }
0x29: {  	s4 =	sld [smem:$0x3FA2]  }
0x2a: {  	p0 =	seq.s32 s5, $0x0;
	s5 =	sld [smem:$0x3FA3]  }
0x2b: {  	s6 =	sld [smem:$0x3FA4]  }
0x2c: {  	s7 =	sld [smem:$0x3FA5]  }
0x2d: {  	s3 =	simm.s32 $0x108;
	s8 =	sld [smem:$0x3FA6]  }
0x2e: {  	s3 =	simm.s32 @!p0 $0x1082;
	s9 =	sld [smem:$0x3FA7]  }
0x2f: {  	lr =	sadd.s32 s0, s3;
	s0 =	sld [smem:$0x3F9E]  }
0x30: {  	s3 =	sld [smem:$0x3FA1]  }
0x31: {  	[smem:$0x3FAA] =	sst s10  }
0x32: {  	s10 =	sld [smem:$0x3FA8];
	_ =	sdelay $0x3  }
0x33: {  	p0 =	seq.s32 s10, $0x1;
	s10 =	sld [smem:$0x3FAA];
	_ =	sdelay $0x3  }
0x34: {  	[smem:$0x3FAA] =	sst s10  }
0x35: {  	s10 =	sld [smem:$0x3FA9];
	_ =	sdelay $0x3  }
0x36: {  	p1 =	seq.s32 s10, $0x1;
	s10 =	sld [smem:$0x3FAA];
	_ =	sdelay $0x3  }
0x37: {  	[smem:$0x3FAA] =	sst s10  }
0x38: {  	s10 =	sld [smem:$0x3FAB]  }
0x39: {  	_ = 	snop;
	(pc) =	sbr.ind lr, $3  }
0x3a: {  	_ = 	snop  }
0x3b: {  	_ = 	snop  }
0x3c: {  	p2 =	seq.s32 s10, $0x1;
	s10 =	sld [smem:$0x3FAA]  }
0x3d: {  	_ =	shalt  }
0x3e: {  	_ =	shalt  }
0x3f: {  	_ =	shalt  }
0x40: {  	_ =	shalt  }
0x41: {  	_ =	shalt  }
0x42: {  	_ =	shalt  }
0x43: {  	_ =	shalt  }
0x44: {  	_ =	shalt  }
0x45: {  	_ =	shalt  }
0x46: {  	_ =	shalt  }
0x47: {  	_ =	shalt  }
0x48: {  	_ =	shalt  }
0x49: {  	_ =	shalt  }
0x4a: {  	_ =	shalt  }
0x4b: {  	_ =	shalt  }
0x4c: {  	_ =	shalt  }
0x4d: {  	_ =	shalt  }
0x4e: {  	_ =	shalt  }
0x4f: {  	_ =	shalt  }
0x50: {  	_ =	shalt  }
0x51: {  	_ =	shalt  }
0x52: {  	_ =	shalt  }
0x53: {  	_ =	shalt  }
0x54: {  	_ =	shalt  }
0x55: {  	_ =	shalt  }
0x56: {  	_ =	shalt  }
0x57: {  	_ =	shalt  }
0x58: {  	_ =	shalt  }
0x59: {  	_ =	shalt  }
0x5a: {  	_ =	shalt  }
0x5b: {  	_ =	shalt  }
0x5c: {  	_ =	shalt  }
0x5d: {  	_ =	shalt  }
0x5e: {  	_ =	shalt  }
0x5f: {  	_ =	shalt  }
0x60: {  	_ =	shalt  }
0x61: {  	_ =	shalt  }
0x62: {  	_ =	shalt  }
0x63: {  	_ =	shalt  }
0x64: {  	_ =	shalt  }
0x65: {  	_ =	shalt  }
0x66: {  	_ =	shalt  }
0x67: {  	_ =	shalt  }
0x68: {  	_ =	shalt  }
0x69: {  	_ =	shalt  }
0x6a: {  	_ =	shalt  }
0x6b: {  	_ =	shalt  }
0x6c: {  	_ =	shalt  }
0x6d: {  	_ =	shalt  }
0x6e: {  	_ =	shalt  }
0x6f: {  	_ =	shalt  }
0x70: {  	_ =	shalt  }
0x71: {  	_ =	shalt  }
0x72: {  	_ =	shalt  }
0x73: {  	_ =	shalt  }
0x74: {  	_ =	shalt  }
0x75: {  	_ =	shalt  }
0x76: {  	_ =	shalt  }
0x77: {  	_ =	shalt  }
0x78: {  	_ =	shalt  }
0x79: {  	_ =	shalt  }
0x7a: {  	_ =	shalt  }
0x7b: {  	_ =	shalt  }
0x7c: {  	_ =	shalt  }
0x7d: {  	_ =	shalt  }
0x7e: {  	_ =	shalt  }
0x7f: {  	_ =	shalt  }
0x80: {  	_ =	shalt  }
0x81: {  	_ =	shalt  }
0x82: {  	_ =	shalt  }
0x83: {  	_ =	shalt  }
0x84: {  	_ =	shalt  }
0x85: {  	_ =	shalt  }
0x86: {  	_ =	shalt  }
0x87: {  	_ =	shalt  }
.Lfunc_end0:
.L_simem_size_0:
called_computation.3_lowered:
.L_overlay_start_0:
0x88: {  	s2 =	sld [smem:$0x3FD9]  }
0x89: {  	s3 =	sld [smem:$0x3FFE];
	_ =	sdelay $0x1  }
0x8a: {  	s1 =	srdreg.scid  }
0x8b: {  	s0 =	sand.u32 $0x1, s1  }
0x8c: {  	s17 =	sshll.u32 s0, $0xA;
	s2 =	sadd.s32 s3, s2  }
0x8d: {  	s2 =	sadd.s32 s2, s17  }
0x8e: {  	[smem:$0x3FB6] =	sst s2  }
0x8f: {  	_ = 	snop  }
0x90: {  	s2 =	sld [smem:$0x3FD0];
	(tm) =	ssettm $0x1  }
0x91: {  	s18 =	sld [smem:$0x3FFB];
	_ =	sdelay $0x3  }
0x92: {  	_ =	strace s18  }
0x93: {  	s3 =	sld [smem:$0x3FFC];
	_ =	sdelay $0x3  }
0x94: {  	_ =	strace s3  }
0x95: {  	s3 =	sld [smem:$0x3FFD];
	_ =	sdelay $0x3  }
0x96: {  	_ =	strace s3  }
0x97: {  	_ =	strace $0x8FFFFFFF  }
0x98: {  	s19 =	sld [smem:$0x3FDB];
	_ =	sdelay $0x1  }
0x99: {  	s4 =	simm.s32 $_scs_section_size  }
0x9a: {  	s5 =	simm.s32 $_size__tile_overlayer_lowered;
	s6 =	simm.s32 $_tile_overlayer_lowered  }
0x9b: {  	s22 =	simm.s32 $0x1BFF;
	s21 =	sshll.u32 s6, $0x1;
	s3 =	sadd.s32 s4, s19  }
0x9c: {  	s7 =	simm.s32 $0x0;
	s20 =	sshll.u32 s5, $0x1;
	s5 =	sadd.s32 s21, s3  }
0x9d: {  	[timem:s7], [sflag:s22] =	dma.local [hbm:s5], s20  }
0x9e: {  	_ =	swait.ge [sflag:s22], s20  }
0x9f: {  	s4 =	ssub.s32 $0x0, s20;
	[sflag:s22] =	ssyncset.done $0x0  }
0xa0: {  	[sflag:s22] =	ssyncadd.s32 s4;
	_ =	sdelay $0x1  }
0xa1: {  	s23 =	simm.s32 $0x1B8B  }
0xa2: {  	_ =	swait.ge [sflag:s23], $0x1  }
0xa3: {  	[sflag:s23] =	ssyncset.done $0x0  }
0xa4: {  	s25 =	simm.s32 $0x1B8E;
	s24 =	sld [smem:$0x3FFE];
	[sflag:s23] =	ssyncadd.s32 $0xFFFFFFFF  }
0xa5: {  	s26 =	simm.s32 $execute0_lowered;
	[smem:$0x3FD2] =	sst s25  }
0xa6: {  	s5 =	sshll.u32 s26, $0x1;
	_ =	strace $0x8000004F;
	[dreg:$0x1] =	wrdreg $0xFFFFFFFF  }
0xa7: {  	s28 =	simm.s32 $_size_execute0_lowered;
	s3 =	sadd.s32 s3, s5;
	[dreg:$0x0] =	wrdreg $0x0  }
0xa8: {  	s5 =	sshll.u32 s28, $0x1;
	[dreg:$0x2] =	wrdreg s3  }
0xa9: {  	[dreg:$0x3] =	wrdreg s5  }
0xaa: {  	[dreg:$0x4] =	wrdreg $0xC0  }
0xab: {  	_ =	task [dreg:s7], $0x5FFFF  }
0xac: {  	[dreg:$0x1] =	wrdreg $0xFFFFFFFF  }
0xad: {  	[dreg:$0x0] =	wrdreg $0x60  }
0xae: {  	[dreg:$0x2] =	wrdreg s2  }
0xaf: {  	[dreg:$0x3] =	wrdreg s24  }
0xb0: {  	[dreg:$0x4] =	wrdreg $0x22000  }
0xb1: {  	[dreg:$0x5] =	wrdreg $0x9  }
0xb2: {  	_ =	task.clear_ibuf [dreg:s7], $0x6FFFF;
	_ =	strace $0x9000004F  }
0xb3: {  	s29 =	simm.s32 $0x9;
	_ =	strace $0x80000051  }
0xb4: {  	_ =	swait.ge [sflag:s29], $0x1  }
0xb5: {  	[sflag:s29] =	ssyncadd.s32 $0xFFFFFFFF  }
0xb6: {  	_ =	strace $0x90000051  }
0xb7: {  	_ =	sfence  }
0xb8: {  	s30 =	sld [smem:$0x0];
	_ =	sdelay $0x2  }
0xb9: {  	s31 =	sshll.u32 s1, $0xD;
	s1 =	sshrl.u32 s1, $0x2  }
0xba: {  	s3 =	sand.u32 $0x4000, s31;
	s1 =	sadd.s32 s1, s30  }
0xbb: {  	s0 =	sor.u32 s3, s0;
	s1 =	sshll.u32 s1, $0x11  }
0xbc: {  	s0 =	sor.u32 s1, s0  }
0xbd: {  	s0 =	sadd.s32 $0x8F2B, s0  }
0xbe: {  	[sflag:s0] =	ssyncadd.remote.s32 $0x1  }
0xbf: {  	_ =	sfence.sel $0xFFFF  }
0xc0: {  	[dreg:$0x0] =	wrdreg $0xFFFFFFFF;
	(pc) =	sbr.abs _section_cstart, $3  }
0xc1: {  	[dreg:$0x1] =	wrdreg $0xFFFFFFFF  }
0xc2: {  	_ =	task.clear_ibuf [dreg:s7], $0x2FFFF;
	_ =	strace $0x9FFFFFFF  }
0xc3: {  	(tm) =	ssettm $0x7FFFFFFF  }
tec
execute0_lowered:
.L_overlay_start_1:
0x0: {  	(tag) =	ssettag $0x1  }
0x1: {  	s1 =	rddreg [dreg:$0x0]  }
0x2: {  	s5 =	rddreg [dreg:$0x1]  }
0x3: {  	s2 =	rddreg [dreg:$0x2]  }
0x4: {  	s0 =	rddreg [dreg:$0x3];
	s3 =	simm.s32 $0x0  }
0x5: {  	s4 =	srdreg.scid;
	s11 =	simm.s32 $0x2;
	s12 =	simm.s32 $0x100  }
0x6: {  	s13 =	simm.s32 $0x80;
	s14 =	simm.s32 $0x200;
	s15 =	simm.s32 $0x1  }
0x7: {  	s16 =	simm.s32 $0x180;
	s19 =	simm.s32 $0x0;
	[smem:$0x7FF] =	sst s3  }
0x8: {  	s6 =	sand.u32 $0x1, s4;
	s4 =	stileid.u32;
	_ =	strace $0x80000050  }
0x9: {  	s7 =	sshll.u32 s6, $0x9;
	s8 =	sshll.u32 s4, $0x5;
	s9 =	sshll.u32 s4, $0xC  }
0xa: {  	s10 =	sshll.u32 s6, $0x10;
	s6 =	ssub.s32 $0x2, s6;
	s17 =	sshll.u32 s4, $0x6  }
0xb: {  	s7 =	sor.u32 s8, s7;
	s30 =	sor.u32 s9, s10;
	s31 =	sshrl.u32 s6, $0x1  }
0xc: {  	s17 =	sor.u32 $0x1C02, s17;
	s7 =	sadd.s32 s7, s5;
	s8 =	sshrl.u32 s30, $0x3  }
0xd: {  	s10 =	ssub.s32 s6, s31;
	s8 =	sadd.s32 s8, s5;
	s5 =	sadd.s32 s9, s2  }
0xe: {  	s6 =	sadd.s32 $0xEA00, s7;
	s7 =	sadd.s32 $0xE600, s7;
	s9 =	smax.u32 s10, $0x1  }
0xf: {  	v0 =	vimm.f32 $0.0e+00;
	s10 =	simm.s32 $0x1200;
	s8 =	sadd.s32 $0x8EE00, s8;
	s18 =	sshrl.u32 s5, $0x3  }
.LBB2_1:
0x10: {  	s20 =	simm.s32 $0x80;
	s21 =	simm.s32 $0x0  }
.LBB2_2:
0x11: {  	p0 =	sne.s32 s20, $0x3F80;
	[tilespmem:s21+$0x1200] =	vst v0;
	s22 =	smov.u32 s20;
	s20 =	sadd.s32 $0x80, s20  }
.Ltmp0:
0x12: {  	[tilespmem:s21+$0x1210] =	vst v0;
	(pc) =	sbr.rel @p0 .LBB2_2-.Ltmp0, $2  }
0x13: {  	_ =	sdelay $0x2  }
0x14: {  	s21 =	sshra.s32 s22, $0x2  }
0x15: {  	[tilespmem:s21+$0x1200] =	vst v0  }
0x16: {  	[tilespmem:s21+$0x1210] =	vst v0  }
0x17: {  	[spmem:s5] =	stream.linear.scatter [tilespmem:s10], [sflag:$0x2], $0x1000, $0x38;
	[tilespmem:$0x3200] =	vst v63  }
0x18: {  	_ =	swait.ge [sflag:s11], $0x1000  }
0x19: {  	[sflag:s11] =	ssyncset.done $0x0  }
0x1a: {  	[sflag:s11] =	ssyncadd.s32 $0xFFFFF000  }
0x1b: {  	[tilespmem:s3], [sflag:$0x2] =	stream.linear.gather [hbm4b:s6+s3], $0x100, $0x38;
	[tilespmem:$0x3200] =	vst v63  }
0x1c: {  	_ =	swait.ge [sflag:s11], $0x100  }
0x1d: {  	[sflag:s11] =	ssyncset.done $0x0  }
0x1e: {  	[sflag:s11] =	ssyncadd.s32 $0xFFFFFF00  }
0x1f: {  	[tilespmem:s12], [sflag:$0x2] =	stream.linear.gather [hbm4b:s7+s3], $0x100, $0x38;
	[tilespmem:$0x3200] =	vst v63  }
0x20: {  	_ =	swait.ge [sflag:s11], $0x100  }
0x21: {  	[sflag:s11] =	ssyncset.done $0x0  }
0x22: {  	[sflag:s11] =	ssyncadd.s32 $0xFFFFFF00  }
0x23: {  	[bflag:$0x0] =	sbarrier.arrive $0xFFFF  }
0x24: {  	[tilespmem:s14], [sflag:$0x1] =	stream.indirect.gather [hbm4b:s1+s13], $0x20, s3, s13, $0xb8;
	[tilespmem:$0x3200] =	vst v63  }
0x25: {  	_ =	swait.ge [sflag:s15], $0x1000  }
0x26: {  	[sflag:s15] =	ssyncset.done $0x0  }
0x27: {  	[sflag:s15] =	ssyncadd.s32 $0xFFFFF000  }
0x28: {  	[spmem:s2] =	stream.indirect.scatter.add.f32 [tilespmem:s14], [sflag:$0x2], $0x20, s12, s13, $0xb8;
	[tilespmem:$0x3200] =	vst v63  }
0x29: {  	_ =	swait.ge [sflag:s11], $0x1000  }
0x2a: {  	[sflag:s11] =	ssyncset.done $0x0  }
0x2b: {  	[sflag:s11] =	ssyncadd.s32 $0xFFFFF000  }
0x2c: {  	[tilespmem:s14], [sflag:$0x1] =	stream.indirect.gather [hbm4b:s1+s13], $0x20, s13, s13, $0xb8;
	[tilespmem:$0x3200] =	vst v63  }
0x2d: {  	_ =	swait.ge [sflag:s15], $0x1000  }
0x2e: {  	[sflag:s15] =	ssyncset.done $0x0  }
0x2f: {  	[sflag:s15] =	ssyncadd.s32 $0xFFFFF000  }
0x30: {  	[spmem:s2] =	stream.indirect.scatter.add.f32 [tilespmem:s14], [sflag:$0x2], $0x20, s16, s13, $0xb8;
	[tilespmem:$0x3200] =	vst v63  }
0x31: {  	_ =	swait.ge [sflag:s11], $0x1000  }
0x32: {  	s19 =	sadd.s32 $0x1, s19;
	[sflag:s11] =	ssyncset.done $0x0  }
0x33: {  	p0 =	sne.s32 s19, s9;
	[sflag:s11] =	ssyncadd.s32 $0xFFFFF000  }
.Ltmp1:
0x34: {  	[bflag:$0x0] =	sbarrier.arrive $0xFFFF;
	(pc) =	sbr.rel @p0 .LBB2_1-.Ltmp1, $4  }
0x35: {  	[hbm:s8], [sflag:s17] =	dma.local [spmem:s18], $0x200  }
0x36: {  	_ =	swait.ge [sflag:s11], $0x200  }
0x37: {  	[sflag:s11] =	ssyncset.done $0x0  }
0x38: {  	[sflag:s11] =	ssyncadd.s32 $0xFFFFFE00  }
0x39: {  	_ =	sfence.sel $0x180000  }
0x3a: {  	[bflag:$0x0] =	sbarrier.arrive $0xFFFF  }
0x3b: {  	p0 =	sne.s32 s4, $0x0;
	_ =	strace $0x90000050  }
0x3c: {  	s0 =	sadd.s32 @!p0 $0x100000, s0;
	[bflag:$0x2] =	sbarrier.arrive $0xFFFF  }
0x3d: {  	[sflag:s0] =	ssyncadd.tile.s32 @!p0 $0x1;
	_ =	shalt  }
.Lfunc_end2:
_tile_overlayer_lowered:
.L_overlay_start_2:
0x3e: {  	(tag) =	ssettag $0x2  }
0x3f: {  	s0 =	rddreg [dreg:$0x0];
	s2 =	stileid.u32  }
0x40: {  	s1 =	rddreg [dreg:$0x1];
	p0 =	sne.s32 s2, $0x0  }
0x41: {  	s3 =	rddreg [dreg:$0x2];
	[bflag:$0x3] =	sbarrier.arrive $0xFFFF;
	s2 =	simm.s32 @!p0 $0x1C02  }
0x42: {  	[timem:s3], [sflag:s2] =	dma.local @!p0 [hbm:s0], s1  }
0x43: {  	s0 =	simm.s32 @!p0 $0x2  }
0x44: {  	_ =	swait.ge @!p0 [sflag:s0], s1  }
0x45: {  	s1 =	ssub.s32 @!p0 $0x0, s1;
	[sflag:s0] =	ssyncset.done @!p0 $0x0  }
0x46: {  	[sflag:s0] =	ssyncadd.s32 @!p0 s1  }
0x47: {  	[bflag:$0x3] =	sbarrier.arrive $0xFFFF  }
0x48: {  	_ =	shalt  }

// kernel: kernel.31.cloned.1.call-start
scs
__scs_entry_jumppad:
0x0: {  	(pc) =	sbr.rel $0x88, $3  }
0x1: {  	(tag) =	ssettag $0x0;
	lr =	simm.s32 $0x1  }
0x2: {  	[smem:$0x3F8F] =	sst lr;
	_ =	strace $0xD0000000  }
0x3: {  	_ = 	snop  }
0x4: {  	_ = 	snop  }
0x5: {  	_ = 	snop  }
0x6: {  	_ = 	snop  }
0x7: {  	_ = 	snop  }
__scs_overlays_trampoline_lowered:
0x8: {  	[smem:$0x3F9E] =	sst s0  }
0x9: {  	[smem:$0x3F9F] =	sst s1  }
0xa: {  	[smem:$0x3FA0] =	sst s2  }
0xb: {  	[smem:$0x3FA1] =	sst s3  }
0xc: {  	[smem:$0x3FA2] =	sst s4  }
0xd: {  	[smem:$0x3FA3] =	sst s5  }
0xe: {  	[smem:$0x3FA4] =	sst s6  }
0xf: {  	[smem:$0x3FA5] =	sst s7  }
0x10: {  	[smem:$0x3FA6] =	sst s8  }
0x11: {  	[smem:$0x3FA7] =	sst s9;
	s0 =	simm.s32 @!p0 $0x0  }
0x12: {  	s1 =	sld [smem:$0x3F8D];
	s0 =	simm.s32 @p0 $0x1  }
0x13: {  	[smem:$0x3FA8] =	sst s0;
	s0 =	simm.s32 @!p1 $0x0  }
0x14: {  	s2 =	sld [smem:$0x3F8C];
	s0 =	simm.s32 @p1 $0x1  }
0x15: {  	[smem:$0x3FA9] =	sst s0;
	s0 =	simm.s32 @!p2 $0x0  }
0x16: {  	s3 =	sld [smem:$0x3FDB];
	s0 =	simm.s32 @p2 $0x1  }
0x17: {  	s4 =	simm.s32 $0x1BF5;
	[smem:$0x3FAB] =	sst s0  }
0x18: {  	s0 =	sld [smem:$0x3F8E];
	_ =	swait.ge [sflag:s4], $0x0  }
0x19: {  	s7 =	sld [smem:$0x3F8F]  }
0x1a: {  	s8 =	sadd.s32 $0xFFFFE003, lr  }
0x1b: {  	s9 =	sadd.s32 $0xFFFFFEF7, lr;
	s5 =	simm.s32 $0xFFFFFFFF;
	p2 =	slt.u32 s8, $0xFFFFF086  }
0x1c: {  	p1 =	slt.u32 s9, $0xF7A;
	s5 =	simm.s32 @!p2 $0x0  }
0x1d: {  	s5 =	simm.s32 @p1 $0x1;
	p0 =	seq.s32 s7, s2  }
0x1e: {  	s7 =	smul.u32 @!p0 $0xF7A, s2;
	p2 =	seq.s32 @!p0 s5, $0x0  }
0x1f: {  	s9 =	smul.u32 $0xF7A, s1;
	s8 =	simm.s32 @!p0 $0x1BF5;
	p2 =	por !p2, p0  }
0x20: {  	[sflag:s8] =	ssyncset.s32 @!p0 $0xFFFFF086;
	s6 =	sadd.s32 @!p0 s3, s7;
	s7 =	simm.s32 @!p0 $0x108  }
0x21: {  	s3 =	sadd.s32 s3, s9;
	s6 =	sadd.s32 @!p0 $0x88, s6;
	s7 =	simm.s32 @p2 $0x1082  }
0x22: {  	[simem:s7], [sflag:s8] =	dma.local @!p0 [hbm:s6], $0xF7A  }
0x23: {  	s9 =	sor.u32 $0xD0000000, s2;
	s6 =	simm.s32 $0x108;
	_ =	swait.ge @!p0 [sflag:s8], $0x0  }
0x24: {  	s3 =	sadd.s32 $0x88, s3;
	s6 =	simm.s32 @!p1 $0x1082;
	[sflag:s4] =	ssyncset.s32 $0xFFFFF086  }
0x25: {  	[simem:s6], [sflag:s4] =	dma.local [hbm:s3], $0xF7A  }
0x26: {  	[smem:$0x3F8F] =	sst s1;
	(tag) =	ssettag s2;
	_ =	strace s9  }
0x27: {  	s1 =	sld [smem:$0x3F9F]  }
0x28: {  	s2 =	sld [smem:$0x3FA0]  }
0x29: {  	s4 =	sld [smem:$0x3FA2]  }
0x2a: {  	p0 =	seq.s32 s5, $0x0;
	s5 =	sld [smem:$0x3FA3]  }
0x2b: {  	s6 =	sld [smem:$0x3FA4]  }
0x2c: {  	s7 =	sld [smem:$0x3FA5]  }
0x2d: {  	s3 =	simm.s32 $0x108;
	s8 =	sld [smem:$0x3FA6]  }
0x2e: {  	s3 =	simm.s32 @!p0 $0x1082;
	s9 =	sld [smem:$0x3FA7]  }
0x2f: {  	lr =	sadd.s32 s0, s3;
	s0 =	sld [smem:$0x3F9E]  }
0x30: {  	s3 =	sld [smem:$0x3FA1]  }
0x31: {  	[smem:$0x3FAA] =	sst s10  }
0x32: {  	s10 =	sld [smem:$0x3FA8];
	_ =	sdelay $0x3  }
0x33: {  	p0 =	seq.s32 s10, $0x1;
	s10 =	sld [smem:$0x3FAA];
	_ =	sdelay $0x3  }
0x34: {  	[smem:$0x3FAA] =	sst s10  }
0x35: {  	s10 =	sld [smem:$0x3FA9];
	_ =	sdelay $0x3  }
0x36: {  	p1 =	seq.s32 s10, $0x1;
	s10 =	sld [smem:$0x3FAA];
	_ =	sdelay $0x3  }
0x37: {  	[smem:$0x3FAA] =	sst s10  }
0x38: {  	s10 =	sld [smem:$0x3FAB]  }
0x39: {  	_ = 	snop;
	(pc) =	sbr.ind lr, $3  }
0x3a: {  	_ = 	snop  }
0x3b: {  	_ = 	snop  }
0x3c: {  	p2 =	seq.s32 s10, $0x1;
	s10 =	sld [smem:$0x3FAA]  }
0x3d: {  	_ =	shalt  }
0x3e: {  	_ =	shalt  }
0x3f: {  	_ =	shalt  }
0x40: {  	_ =	shalt  }
0x41: {  	_ =	shalt  }
0x42: {  	_ =	shalt  }
0x43: {  	_ =	shalt  }
0x44: {  	_ =	shalt  }
0x45: {  	_ =	shalt  }
0x46: {  	_ =	shalt  }
0x47: {  	_ =	shalt  }
0x48: {  	_ =	shalt  }
0x49: {  	_ =	shalt  }
0x4a: {  	_ =	shalt  }
0x4b: {  	_ =	shalt  }
0x4c: {  	_ =	shalt  }
0x4d: {  	_ =	shalt  }
0x4e: {  	_ =	shalt  }
0x4f: {  	_ =	shalt  }
0x50: {  	_ =	shalt  }
0x51: {  	_ =	shalt  }
0x52: {  	_ =	shalt  }
0x53: {  	_ =	shalt  }
0x54: {  	_ =	shalt  }
0x55: {  	_ =	shalt  }
0x56: {  	_ =	shalt  }
0x57: {  	_ =	shalt  }
0x58: {  	_ =	shalt  }
0x59: {  	_ =	shalt  }
0x5a: {  	_ =	shalt  }
0x5b: {  	_ =	shalt  }
0x5c: {  	_ =	shalt  }
0x5d: {  	_ =	shalt  }
0x5e: {  	_ =	shalt  }
0x5f: {  	_ =	shalt  }
0x60: {  	_ =	shalt  }
0x61: {  	_ =	shalt  }
0x62: {  	_ =	shalt  }
0x63: {  	_ =	shalt  }
0x64: {  	_ =	shalt  }
0x65: {  	_ =	shalt  }
0x66: {  	_ =	shalt  }
0x67: {  	_ =	shalt  }
0x68: {  	_ =	shalt  }
0x69: {  	_ =	shalt  }
0x6a: {  	_ =	shalt  }
0x6b: {  	_ =	shalt  }
0x6c: {  	_ =	shalt  }
0x6d: {  	_ =	shalt  }
0x6e: {  	_ =	shalt  }
0x6f: {  	_ =	shalt  }
0x70: {  	_ =	shalt  }
0x71: {  	_ =	shalt  }
0x72: {  	_ =	shalt  }
0x73: {  	_ =	shalt  }
0x74: {  	_ =	shalt  }
0x75: {  	_ =	shalt  }
0x76: {  	_ =	shalt  }
0x77: {  	_ =	shalt  }
0x78: {  	_ =	shalt  }
0x79: {  	_ =	shalt  }
0x7a: {  	_ =	shalt  }
0x7b: {  	_ =	shalt  }
0x7c: {  	_ =	shalt  }
0x7d: {  	_ =	shalt  }
0x7e: {  	_ =	shalt  }
0x7f: {  	_ =	shalt  }
0x80: {  	_ =	shalt  }
0x81: {  	_ =	shalt  }
0x82: {  	_ =	shalt  }
0x83: {  	_ =	shalt  }
0x84: {  	_ =	shalt  }
0x85: {  	_ =	shalt  }
0x86: {  	_ =	shalt  }
0x87: {  	_ =	shalt  }
.Lfunc_end0:
.L_simem_size_0:
called_computation.4_lowered:
.L_overlay_start_0:
0x88: {  	s2 =	sld [smem:$0x3FD9]  }
0x89: {  	s3 =	sld [smem:$0x3FFE];
	_ =	sdelay $0x1  }
0x8a: {  	s1 =	srdreg.scid  }
0x8b: {  	s0 =	sand.u32 $0x1, s1  }
0x8c: {  	s16 =	sshll.u32 s0, $0xA;
	s2 =	sadd.s32 s3, s2  }
0x8d: {  	s2 =	sadd.s32 s2, s16  }
0x8e: {  	[smem:$0x3FB6] =	sst s2  }
0x8f: {  	_ = 	snop  }
0x90: {  	(tm) =	ssettm $0x1  }
0x91: {  	s17 =	sld [smem:$0x3FFB];
	_ =	sdelay $0x3  }
0x92: {  	_ =	strace s17  }
0x93: {  	s2 =	sld [smem:$0x3FFC];
	_ =	sdelay $0x3  }
0x94: {  	_ =	strace s2  }
0x95: {  	s2 =	sld [smem:$0x3FFD];
	_ =	sdelay $0x3  }
0x96: {  	_ =	strace s2  }
0x97: {  	_ =	strace $0x8FFFFFFF  }
0x98: {  	s18 =	sld [smem:$0x3FDB];
	_ =	sdelay $0x1  }
0x99: {  	s19 =	simm.s32 $_scs_section_size  }
0x9a: {  	s4 =	simm.s32 $_size__tile_overlayer_lowered;
	s5 =	simm.s32 $_tile_overlayer_lowered  }
0x9b: {  	s22 =	simm.s32 $0x1BFF;
	s21 =	sshll.u32 s5, $0x1;
	s2 =	sadd.s32 s19, s18  }
0x9c: {  	s6 =	simm.s32 $0x0;
	s20 =	sshll.u32 s4, $0x1;
	s4 =	sadd.s32 s21, s2  }
0x9d: {  	[timem:s6], [sflag:s22] =	dma.local [hbm:s4], s20  }
0x9e: {  	_ =	swait.ge [sflag:s22], s20  }
0x9f: {  	s3 =	ssub.s32 $0x0, s20;
	[sflag:s22] =	ssyncset.done $0x0  }
0xa0: {  	[sflag:s22] =	ssyncadd.s32 s3;
	_ =	sdelay $0x1  }
0xa1: {  	s23 =	simm.s32 $0x1B8B  }
0xa2: {  	_ =	swait.ge [sflag:s23], $0x1  }
0xa3: {  	[sflag:s23] =	ssyncset.done $0x0  }
0xa4: {  	s25 =	simm.s32 $0x1B8E;
	s24 =	sld [smem:$0x3FFE];
	[sflag:s23] =	ssyncadd.s32 $0xFFFFFFFF  }
0xa5: {  	s26 =	simm.s32 $execute0_lowered;
	[smem:$0x3FD2] =	sst s25  }
0xa6: {  	s4 =	sshll.u32 s26, $0x1;
	_ =	strace $0x80000052;
	[dreg:$0x1] =	wrdreg $0xFFFFFFFF  }
0xa7: {  	s28 =	simm.s32 $_size_execute0_lowered;
	s2 =	sadd.s32 s2, s4;
	[dreg:$0x0] =	wrdreg $0x0  }
0xa8: {  	s4 =	sshll.u32 s28, $0x1;
	[dreg:$0x2] =	wrdreg s2  }
0xa9: {  	[dreg:$0x3] =	wrdreg s4  }
0xaa: {  	[dreg:$0x4] =	wrdreg $0xC0  }
0xab: {  	_ =	task [dreg:s6], $0x5FFFF  }
0xac: {  	[dreg:$0x1] =	wrdreg $0xFFFFFFFF  }
0xad: {  	[dreg:$0x0] =	wrdreg $0x60  }
0xae: {  	[dreg:$0x2] =	wrdreg s24  }
0xaf: {  	[dreg:$0x3] =	wrdreg $0x28000  }
0xb0: {  	[dreg:$0x4] =	wrdreg $0x9  }
0xb1: {  	_ =	task.clear_ibuf [dreg:s6], $0x5FFFF;
	_ =	strace $0x90000052  }
0xb2: {  	s29 =	simm.s32 $0x9;
	_ =	strace $0x80000054  }
0xb3: {  	_ =	swait.ge [sflag:s29], $0x1  }
0xb4: {  	[sflag:s29] =	ssyncadd.s32 $0xFFFFFFFF  }
0xb5: {  	_ =	strace $0x90000054  }
0xb6: {  	_ =	sfence  }
0xb7: {  	s30 =	sld [smem:$0x0];
	_ =	sdelay $0x2  }
0xb8: {  	s31 =	sshll.u32 s1, $0xD;
	s1 =	sshrl.u32 s1, $0x2  }
0xb9: {  	s3 =	sand.u32 $0x4000, s31;
	s1 =	sadd.s32 s1, s30  }
0xba: {  	s0 =	sor.u32 s3, s0;
	s1 =	sshll.u32 s1, $0x11  }
0xbb: {  	s0 =	sor.u32 s1, s0  }
0xbc: {  	s0 =	sadd.s32 $0x8F2B, s0  }
0xbd: {  	[sflag:s0] =	ssyncadd.remote.s32 $0x1  }
0xbe: {  	_ =	sfence.sel $0xFFFF  }
0xbf: {  	[dreg:$0x0] =	wrdreg $0xFFFFFFFF;
	(pc) =	sbr.abs _section_cstart, $3  }
0xc0: {  	[dreg:$0x1] =	wrdreg $0xFFFFFFFF  }
0xc1: {  	_ =	task.clear_ibuf [dreg:s6], $0x2FFFF;
	_ =	strace $0x9FFFFFFF  }
0xc2: {  	(tm) =	ssettm $0x7FFFFFFF  }
0xc3: {  	_ =	shalt  }
tec
execute0_lowered:
.L_overlay_start_1:
0x0: {  	(tag) =	ssettag $0x1  }
0x1: {  	s0 =	rddreg [dreg:$0x0]  }
0x2: {  	s2 =	rddreg [dreg:$0x1]  }
0x3: {  	s1 =	srdreg.scid;
	s6 =	stileid.u32  }
0x4: {  	s3 =	simm.s32 $0x0;
	s18 =	simm.s32 $0x400;
	s19 =	simm.s32 $0x80  }
0x5: {  	s20 =	simm.s32 $0x800;
	s21 =	simm.s32 $0x1;
	s28 =	simm.s32 $0x700  }
0x6: {  	s29 =	simm.s32 $0x380;
	s30 =	simm.s32 $0x780;
	s31 =	simm.s32 $0x0  }
0x7: {  	s1 =	sand.u32 $0x1, s1;
	s5 =	sshll.u32 s6, $0x7;
	[smem:$0x7FF] =	sst s3  }
0x8: {  	s13 =	sshll.u32 s6, $0xE;
	s4 =	sshll.u32 s1, $0xB;
	_ =	strace $0x80000053  }
0x9: {  	s22 =	ssub.s32 $0x2, s1;
	s1 =	sshll.u32 s1, $0x12;
	s14 =	sor.u32 $0x1000, s13  }
0xa: {  	s16 =	sor.u32 $0x2000, s13;
	s17 =	sor.u32 $0x3000, s13;
	s5 =	sor.u32 s5, s4  }
0xb: {  	s4 =	sadd.s32 $0x8EE00, s0;
	s23 =	sshrl.u32 s22, $0x1;
	s8 =	sor.u32 s1, s13  }
0xc: {  	s15 =	sor.u32 s1, s14;
	s24 =	sor.u32 s1, s16;
	s1 =	sor.u32 s1, s17  }
0xd: {  	s26 =	sadd.s32 s17, s2;
	s17 =	simm.s32 $0x2;
	s7 =	sadd.s32 s5, s0  }
0xe: {  	s0 =	sadd.s32 $0x96E00, s0;
	s9 =	ssub.s32 s22, s23;
	s5 =	sadd.s32 s13, s2  }
0xf: {  	s8 =	sshrl.u32 s8, $0x3;
	s15 =	sshrl.u32 s15, $0x3;
	s22 =	sadd.s32 s14, s2  }
0x10: {  	s25 =	sshrl.u32 s24, $0x3;
	s1 =	sshrl.u32 s1, $0x3;
	s24 =	sadd.s32 s16, s2  }
0x11: {  	s16 =	simm.s32 $0x1800;
	s6 =	sadd.s32 $0xD600, s7;
	s7 =	sadd.s32 $0xC600, s7  }
0x12: {  	s8 =	sadd.s32 s0, s8;
	s9 =	smax.u32 s9, $0x1;
	s10 =	sadd.s32 $0x1000, s5  }
0x13: {  	s11 =	sadd.s32 $0x2000, s5;
	s12 =	sadd.s32 $0x3000, s5;
	s13 =	sadd.s32 s0, s15  }
0x14: {  	s14 =	sadd.s32 s0, s25;
	s15 =	sadd.s32 s0, s1;
	s23 =	sshrl.u32 s22, $0x3  }
0x15: {  	v0 =	vimm.f32 $0.0e+00;
	s24 =	sshrl.u32 s24, $0x3;
	s25 =	sshrl.u32 s26, $0x3;
	s26 =	simm.s32 $0x300  }
.LBB2_1:
0x16: {  	s0 =	simm.s32 $0x80;
	s1 =	simm.s32 $0x0  }
.LBB2_2:
0x17: {  	p0 =	sne.s32 s0, $0x3F80;
	[tilespmem:s1+$0x1800] =	vst v0;
	s22 =	smov.u32 s0;
	s0 =	sadd.s32 $0x80, s0  }
.Ltmp0:
0x18: {  	[tilespmem:s1+$0x1810] =	vst v0;
	(pc) =	sbr.rel @p0 .LBB2_2-.Ltmp0, $2  }
0x19: {  	_ =	sdelay $0x2  }
0x1a: {  	s1 =	sshra.s32 s22, $0x2  }
0x1b: {  	[tilespmem:s1+$0x1800] =	vst v0  }
0x1c: {  	[tilespmem:s1+$0x1810] =	vst v0  }
0x1d: {  	[spmem:s5] =	stream.linear.scatter [tilespmem:s16], [sflag:$0x2], $0x1000, $0x38;
	[tilespmem:$0x6800] =	vst v63  }
0x1e: {  	_ =	swait.ge [sflag:s17], $0x1000  }
0x1f: {  	[sflag:s17] =	ssyncset.done $0x0  }
0x20: {  	[sflag:s17] =	ssyncadd.s32 $0xFFFFF000  }
0x21: {  	[spmem:s10] =	stream.linear.scatter [tilespmem:s16], [sflag:$0x2], $0x1000, $0x38;
	[tilespmem:$0x6800] =	vst v63  }
0x22: {  	_ =	swait.ge [sflag:s17], $0x1000  }
0x23: {  	[sflag:s17] =	ssyncset.done $0x0  }
0x24: {  	[sflag:s17] =	ssyncadd.s32 $0xFFFFF000  }
0x25: {  	[spmem:s11] =	stream.linear.scatter [tilespmem:s16], [sflag:$0x2], $0x1000, $0x38;
	[tilespmem:$0x6800] =	vst v63  }
0x26: {  	_ =	swait.ge [sflag:s17], $0x1000  }
0x27: {  	[sflag:s17] =	ssyncset.done $0x0  }
0x28: {  	[sflag:s17] =	ssyncadd.s32 $0xFFFFF000  }
0x29: {  	[spmem:s12] =	stream.linear.scatter [tilespmem:s16], [sflag:$0x2], $0x1000, $0x38;
	[tilespmem:$0x6800] =	vst v63  }
0x2a: {  	_ =	swait.ge [sflag:s17], $0x1000  }
0x2b: {  	[sflag:s17] =	ssyncset.done $0x0  }
0x2c: {  	[sflag:s17] =	ssyncadd.s32 $0xFFFFF000  }
0x2d: {  	[tilespmem:s3], [sflag:$0x2] =	stream.linear.gather [hbm4b:s6+s3], $0x400, $0x38;
	[tilespmem:$0x6800] =	vst v63  }
0x2e: {  	_ =	swait.ge [sflag:s17], $0x400  }
0x2f: {  	[sflag:s17] =	ssyncset.done $0x0  }
0x30: {  	[sflag:s17] =	ssyncadd.s32 $0xFFFFFC00  }
0x31: {  	[tilespmem:s18], [sflag:$0x2] =	stream.linear.gather [hbm4b:s7+s3], $0x400, $0x38;
	[tilespmem:$0x6800] =	vst v63  }
0x32: {  	_ =	swait.ge [sflag:s17], $0x400  }
0x33: {  	[sflag:s17] =	ssyncset.done $0x0  }
0x34: {  	[sflag:s17] =	ssyncadd.s32 $0xFFFFFC00  }
0x35: {  	[bflag:$0x0] =	sbarrier.arrive $0xFFFF  }
0x36: {  	[tilespmem:s20], [sflag:$0x1] =	stream.indirect.gather [hbm4b:s4+s19], $0x20, s3, s19, $0xb8;
	[tilespmem:$0x6800] =	vst v63  }
0x37: {  	_ =	swait.ge [sflag:s21], $0x1000  }
0x38: {  	[sflag:s21] =	ssyncset.done $0x0  }
0x39: {  	[sflag:s21] =	ssyncadd.s32 $0xFFFFF000  }
0x3a: {  	[spmem:s2] =	stream.indirect.scatter.add.f32 [tilespmem:s20], [sflag:$0x2], $0x20, s18, s19, $0xb8;
	[tilespmem:$0x6800] =	vst v63  }
0x3b: {  	_ =	swait.ge [sflag:s17], $0x1000  }
0x3c: {  	[sflag:s17] =	ssyncset.done $0x0  }
0x3d: {  	[sflag:s17] =	ssyncadd.s32 $0xFFFFF000  }
0x3e: {  	[tilespmem:s20], [sflag:$0x1] =	stream.indirect.gather [hbm4b:s4+s19], $0x20, s19, s19, $0xb8;
	[tilespmem:$0x6800] =	vst v63  }
0x3f: {  	_ =	swait.ge [sflag:s21], $0x1000  }
0x40: {  	[sflag:s21] =	ssyncset.done $0x0  }
0x41: {  	s0 =	simm.s32 $0x480;
	[sflag:s21] =	ssyncadd.s32 $0xFFFFF000  }
0x42: {  	[spmem:s2] =	stream.indirect.scatter.add.f32 [tilespmem:s20], [sflag:$0x2], $0x20, s0, s19, $0xb8;
	[tilespmem:$0x6800] =	vst v63  }
0x43: {  	_ =	swait.ge [sflag:s17], $0x1000  }
0x44: {  	[sflag:s17] =	ssyncset.done $0x0  }
0x45: {  	s1 =	simm.s32 $0x100;
	[sflag:s17] =	ssyncadd.s32 $0xFFFFF000  }
0x46: {  	[tilespmem:s20], [sflag:$0x1] =	stream.indirect.gather [hbm4b:s4+s19], $0x20, s1, s19, $0xb8;
	[tilespmem:$0x6800] =	vst v63  }
0x47: {  	_ =	swait.ge [sflag:s21], $0x1000  }
0x48: {  	[sflag:s21] =	ssyncset.done $0x0  }
0x49: {  	s22 =	simm.s32 $0x500;
	[sflag:s21] =	ssyncadd.s32 $0xFFFFF000  }
0x4a: {  	[spmem:s2] =	stream.indirect.scatter.add.f32 [tilespmem:s20], [sflag:$0x2], $0x20, s22, s19, $0xb8;
	[tilespmem:$0x6800] =	vst v63  }
0x4b: {  	_ =	swait.ge [sflag:s17], $0x1000  }
0x4c: {  	[sflag:s17] =	ssyncset.done $0x0  }
0x4d: {  	s1 =	simm.s32 $0x180;
	[sflag:s17] =	ssyncadd.s32 $0xFFFFF000  }
0x4e: {  	[tilespmem:s20], [sflag:$0x1] =	stream.indirect.gather [hbm4b:s4+s19], $0x20, s1, s19, $0xb8;
	[tilespmem:$0x6800] =	vst v63  }
0x4f: {  	_ =	swait.ge [sflag:s21], $0x1000  }
0x50: {  	[sflag:s21] =	ssyncset.done $0x0  }
0x51: {  	s22 =	simm.s32 $0x580;
	[sflag:s21] =	ssyncadd.s32 $0xFFFFF000  }
0x52: {  	[spmem:s2] =	stream.indirect.scatter.add.f32 [tilespmem:s20], [sflag:$0x2], $0x20, s22, s19, $0xb8;
	[tilespmem:$0x6800] =	vst v63  }
0x53: {  	_ =	swait.ge [sflag:s17], $0x1000  }
0x54: {  	[sflag:s17] =	ssyncset.done $0x0  }
0x55: {  	s1 =	simm.s32 $0x200;
	[sflag:s17] =	ssyncadd.s32 $0xFFFFF000  }
0x56: {  	[tilespmem:s20], [sflag:$0x1] =	stream.indirect.gather [hbm4b:s4+s19], $0x20, s1, s19, $0xb8;
	[tilespmem:$0x6800] =	vst v63  }
0x57: {  	_ =	swait.ge [sflag:s21], $0x1000  }
0x58: {  	[sflag:s21] =	ssyncset.done $0x0  }
0x59: {  	s22 =	simm.s32 $0x600;
	[sflag:s21] =	ssyncadd.s32 $0xFFFFF000  }
0x5a: {  	[spmem:s2] =	stream.indirect.scatter.add.f32 [tilespmem:s20], [sflag:$0x2], $0x20, s22, s19, $0xb8;
	[tilespmem:$0x6800] =	vst v63  }
0x5b: {  	_ =	swait.ge [sflag:s17], $0x1000  }
0x5c: {  	[sflag:s17] =	ssyncset.done $0x0  }
0x5d: {  	s1 =	simm.s32 $0x280;
	[sflag:s17] =	ssyncadd.s32 $0xFFFFF000  }
0x5e: {  	[tilespmem:s20], [sflag:$0x1] =	stream.indirect.gather [hbm4b:s4+s19], $0x20, s1, s19, $0xb8;
	[tilespmem:$0x6800] =	vst v63  }
0x5f: {  	_ =	swait.ge [sflag:s21], $0x1000  }
0x60: {  	[sflag:s21] =	ssyncset.done $0x0  }
0x61: {  	s22 =	simm.s32 $0x680;
	[sflag:s21] =	ssyncadd.s32 $0xFFFFF000  }
0x62: {  	[spmem:s2] =	stream.indirect.scatter.add.f32 [tilespmem:s20], [sflag:$0x2], $0x20, s22, s19, $0xb8;
	[tilespmem:$0x6800] =	vst v63  }
0x63: {  	_ =	swait.ge [sflag:s17], $0x1000  }
0x64: {  	[sflag:s17] =	ssyncset.done $0x0  }
0x65: {  	[sflag:s17] =	ssyncadd.s32 $0xFFFFF000  }
0x66: {  	[tilespmem:s20], [sflag:$0x1] =	stream.indirect.gather [hbm4b:s4+s19], $0x20, s26, s19, $0xb8;
	[tilespmem:$0x6800] =	vst v63  }
0x67: {  	_ =	swait.ge [sflag:s21], $0x1000  }
0x68: {  	[sflag:s21] =	ssyncset.done $0x0  }
0x69: {  	[sflag:s21] =	ssyncadd.s32 $0xFFFFF000  }
0x6a: {  	[spmem:s2] =	stream.indirect.scatter.add.f32 [tilespmem:s20], [sflag:$0x2], $0x20, s28, s19, $0xb8;
	[tilespmem:$0x6800] =	vst v63  }
0x6b: {  	_ =	swait.ge [sflag:s17], $0x1000  }
0x6c: {  	[sflag:s17] =	ssyncset.done $0x0  }
0x6d: {  	[sflag:s17] =	ssyncadd.s32 $0xFFFFF000  }
0x6e: {  	[tilespmem:s20], [sflag:$0x1] =	stream.indirect.gather [hbm4b:s4+s19], $0x20, s29, s19, $0xb8;
	[tilespmem:$0x6800] =	vst v63  }
0x6f: {  	_ =	swait.ge [sflag:s21], $0x1000  }
0x70: {  	[sflag:s21] =	ssyncset.done $0x0  }
0x71: {  	[sflag:s21] =	ssyncadd.s32 $0xFFFFF000  }
0x72: {  	[spmem:s2] =	stream.indirect.scatter.add.f32 [tilespmem:s20], [sflag:$0x2], $0x20, s30, s19, $0xb8;
	[tilespmem:$0x6800] =	vst v63  }
0x73: {  	_ =	swait.ge [sflag:s17], $0x1000  }
0x74: {  	s1 =	stileid.u32;
	[sflag:s17] =	ssyncset.done $0x0  }
0x75: {  	s0 =	sshll.u32 s1, $0x6;
	[sflag:s17] =	ssyncadd.s32 $0xFFFFF000  }
0x76: {  	s0 =	sor.u32 $0x1C02, s0;
	s22 =	sshrl.u32 s5, $0x3;
	[bflag:$0x0] =	sbarrier.arrive $0xFFFF  }
0x77: {  	[hbm:s8], [sflag:s0] =	dma.local [spmem:s22], $0x200  }
0x78: {  	_ =	swait.ge [sflag:s17], $0x200  }
0x79: {  	[sflag:s17] =	ssyncset.done $0x0  }
0x7a: {  	[sflag:s17] =	ssyncadd.s32 $0xFFFFFE00  }
0x7b: {  	[hbm:s13], [sflag:s0] =	dma.local [spmem:s23], $0x200  }
0x7c: {  	_ =	swait.ge [sflag:s17], $0x200  }
0x7d: {  	[sflag:s17] =	ssyncset.done $0x0  }
0x7e: {  	[sflag:s17] =	ssyncadd.s32 $0xFFFFFE00  }
0x7f: {  	[hbm:s14], [sflag:s0] =	dma.local [spmem:s24], $0x200  }
0x80: {  	s31 =	sadd.s32 $0x1, s31;
	_ =	swait.ge [sflag:s17], $0x200  }
0x81: {  	p0 =	sne.s32 s31, s9;
	[sflag:s17] =	ssyncset.done $0x0  }
.Ltmp1:
0x82: {  	[sflag:s17] =	ssyncadd.s32 $0xFFFFFE00;
	(pc) =	sbr.rel @p0 .LBB2_1-.Ltmp1, $4  }
0x83: {  	[hbm:s15], [sflag:s0] =	dma.local [spmem:s25], $0x200  }
0x84: {  	_ =	swait.ge [sflag:s17], $0x200  }
0x85: {  	[sflag:s17] =	ssyncset.done $0x0  }
0x86: {  	[sflag:s17] =	ssyncadd.s32 $0xFFFFFE00  }
0x87: {  	_ =	sfence.sel $0x180000  }
0x88: {  	[bflag:$0x0] =	sbarrier.arrive $0xFFFF  }
0x89: {  	_ =	strace $0x90000053  }
0x8a: {  	s0 =	stileid.u32;
	[bflag:$0x2] =	sbarrier.arrive $0xFFFF  }
0x8b: {  	p0 =	sne.s32 s0, $0x0;
	s0 =	rddreg [dreg:$0x2]  }
0x8c: {  	s0 =	sadd.s32 @!p0 $0x100000, s0  }
0x8d: {  	[sflag:s0] =	ssyncadd.tile.s32 @!p0 $0x1;
	_ =	shalt  }
.Lfunc_end2:
_tile_overlayer_lowered:
.L_overlay_start_2:
0x8e: {  	(tag) =	ssettag $0x2  }
0x8f: {  	s0 =	rddreg [dreg:$0x0];
	s2 =	stileid.u32  }
0x90: {  	s1 =	rddreg [dreg:$0x1];
	p0 =	sne.s32 s2, $0x0  }
0x91: {  	s3 =	rddreg [dreg:$0x2];
	[bflag:$0x3] =	sbarrier.arrive $0xFFFF;
	s2 =	simm.s32 @!p0 $0x1C02  }
0x92: {  	[timem:s3], [sflag:s2] =	dma.local @!p0 [hbm:s0], s1  }
0x93: {  	s0 =	simm.s32 @!p0 $0x2  }
0x94: {  	_ =	swait.ge @!p0 [sflag:s0], s1  }
0x95: {  	s1 =	ssub.s32 @!p0 $0x0, s1;
	[sflag:s0] =	ssyncset.done @!p0 $0x0  }
0x96: {  	[sflag:s0] =	ssyncadd.s32 @!p0 s1  }
0x97: {  	[bflag:$0x3] =	sbarrier.arrive $0xFFFF  }
0x98: {  	_ =	shalt  }

// kernel: kernel.34.cloned.1.call-start
scs
__scs_entry_jumppad:
0x0: {  	(pc) =	sbr.rel $0x88, $3  }
0x1: {  	(tag) =	ssettag $0x0;
	lr =	simm.s32 $0x1  }
0x2: {  	[smem:$0x3F8F] =	sst lr;
	_ =	strace $0xD0000000  }
0x3: {  	_ = 	snop  }
0x4: {  	_ = 	snop  }
0x5: {  	_ = 	snop  }
0x6: {  	_ = 	snop  }
0x7: {  	_ = 	snop  }
__scs_overlays_trampoline_lowered:
0x8: {  	[smem:$0x3F9E] =	sst s0  }
0x9: {  	[smem:$0x3F9F] =	sst s1  }
0xa: {  	[smem:$0x3FA0] =	sst s2  }
0xb: {  	[smem:$0x3FA1] =	sst s3  }
0xc: {  	[smem:$0x3FA2] =	sst s4  }
0xd: {  	[smem:$0x3FA3] =	sst s5  }
0xe: {  	[smem:$0x3FA4] =	sst s6  }
0xf: {  	[smem:$0x3FA5] =	sst s7  }
0x10: {  	[smem:$0x3FA6] =	sst s8  }
0x11: {  	[smem:$0x3FA7] =	sst s9;
	s0 =	simm.s32 @!p0 $0x0  }
0x12: {  	s1 =	sld [smem:$0x3F8D];
	s0 =	simm.s32 @p0 $0x1  }
0x13: {  	[smem:$0x3FA8] =	sst s0;
	s0 =	simm.s32 @!p1 $0x0  }
0x14: {  	s2 =	sld [smem:$0x3F8C];
	s0 =	simm.s32 @p1 $0x1  }
0x15: {  	[smem:$0x3FA9] =	sst s0;
	s0 =	simm.s32 @!p2 $0x0  }
0x16: {  	s3 =	sld [smem:$0x3FDB];
	s0 =	simm.s32 @p2 $0x1  }
0x17: {  	s4 =	simm.s32 $0x1BF5;
	[smem:$0x3FAB] =	sst s0  }
0x18: {  	s0 =	sld [smem:$0x3F8E];
	_ =	swait.ge [sflag:s4], $0x0  }
0x19: {  	s7 =	sld [smem:$0x3F8F]  }
0x1a: {  	s8 =	sadd.s32 $0xFFFFE003, lr  }
0x1b: {  	s9 =	sadd.s32 $0xFFFFFEF7, lr;
	s5 =	simm.s32 $0xFFFFFFFF;
	p2 =	slt.u32 s8, $0xFFFFF086  }
0x1c: {  	p1 =	slt.u32 s9, $0xF7A;
	s5 =	simm.s32 @!p2 $0x0  }
0x1d: {  	s5 =	simm.s32 @p1 $0x1;
	p0 =	seq.s32 s7, s2  }
0x1e: {  	s7 =	smul.u32 @!p0 $0xF7A, s2;
	p2 =	seq.s32 @!p0 s5, $0x0  }
0x1f: {  	s9 =	smul.u32 $0xF7A, s1;
	s8 =	simm.s32 @!p0 $0x1BF5;
	p2 =	por !p2, p0  }
0x20: {  	[sflag:s8] =	ssyncset.s32 @!p0 $0xFFFFF086;
	s6 =	sadd.s32 @!p0 s3, s7;
	s7 =	simm.s32 @!p0 $0x108  }
0x21: {  	s3 =	sadd.s32 s3, s9;
	s6 =	sadd.s32 @!p0 $0x88, s6;
	s7 =	simm.s32 @p2 $0x1082  }
0x22: {  	[simem:s7], [sflag:s8] =	dma.local @!p0 [hbm:s6], $0xF7A  }
0x23: {  	s9 =	sor.u32 $0xD0000000, s2;
	s6 =	simm.s32 $0x108;
	_ =	swait.ge @!p0 [sflag:s8], $0x0  }
0x24: {  	s3 =	sadd.s32 $0x88, s3;
	s6 =	simm.s32 @!p1 $0x1082;
	[sflag:s4] =	ssyncset.s32 $0xFFFFF086  }
0x25: {  	[simem:s6], [sflag:s4] =	dma.local [hbm:s3], $0xF7A  }
0x26: {  	[smem:$0x3F8F] =	sst s1;
	(tag) =	ssettag s2;
	_ =	strace s9  }
0x27: {  	s1 =	sld [smem:$0x3F9F]  }
0x28: {  	s2 =	sld [smem:$0x3FA0]  }
0x29: {  	s4 =	sld [smem:$0x3FA2]  }
0x2a: {  	p0 =	seq.s32 s5, $0x0;
	s5 =	sld [smem:$0x3FA3]  }
0x2b: {  	s6 =	sld [smem:$0x3FA4]  }
0x2c: {  	s7 =	sld [smem:$0x3FA5]  }
0x2d: {  	s3 =	simm.s32 $0x108;
	s8 =	sld [smem:$0x3FA6]  }
0x2e: {  	s3 =	simm.s32 @!p0 $0x1082;
	s9 =	sld [smem:$0x3FA7]  }
0x2f: {  	lr =	sadd.s32 s0, s3;
	s0 =	sld [smem:$0x3F9E]  }
0x30: {  	s3 =	sld [smem:$0x3FA1]  }
0x31: {  	[smem:$0x3FAA] =	sst s10  }
0x32: {  	s10 =	sld [smem:$0x3FA8];
	_ =	sdelay $0x3  }
0x33: {  	p0 =	seq.s32 s10, $0x1;
	s10 =	sld [smem:$0x3FAA];
	_ =	sdelay $0x3  }
0x34: {  	[smem:$0x3FAA] =	sst s10  }
0x35: {  	s10 =	sld [smem:$0x3FA9];
	_ =	sdelay $0x3  }
0x36: {  	p1 =	seq.s32 s10, $0x1;
	s10 =	sld [smem:$0x3FAA];
	_ =	sdelay $0x3  }
0x37: {  	[smem:$0x3FAA] =	sst s10  }
0x38: {  	s10 =	sld [smem:$0x3FAB]  }
0x39: {  	_ = 	snop;
	(pc) =	sbr.ind lr, $3  }
0x3a: {  	_ = 	snop  }
0x3b: {  	_ = 	snop  }
0x3c: {  	p2 =	seq.s32 s10, $0x1;
	s10 =	sld [smem:$0x3FAA]  }
0x3d: {  	_ =	shalt  }
0x3e: {  	_ =	shalt  }
0x3f: {  	_ =	shalt  }
0x40: {  	_ =	shalt  }
0x41: {  	_ =	shalt  }
0x42: {  	_ =	shalt  }
0x43: {  	_ =	shalt  }
0x44: {  	_ =	shalt  }
0x45: {  	_ =	shalt  }
0x46: {  	_ =	shalt  }
0x47: {  	_ =	shalt  }
0x48: {  	_ =	shalt  }
0x49: {  	_ =	shalt  }
0x4a: {  	_ =	shalt  }
0x4b: {  	_ =	shalt  }
0x4c: {  	_ =	shalt  }
0x4d: {  	_ =	shalt  }
0x4e: {  	_ =	shalt  }
0x4f: {  	_ =	shalt  }
0x50: {  	_ =	shalt  }
0x51: {  	_ =	shalt  }
0x52: {  	_ =	shalt  }
0x53: {  	_ =	shalt  }
0x54: {  	_ =	shalt  }
0x55: {  	_ =	shalt  }
0x56: {  	_ =	shalt  }
0x57: {  	_ =	shalt  }
0x58: {  	_ =	shalt  }
0x59: {  	_ =	shalt  }
0x5a: {  	_ =	shalt  }
0x5b: {  	_ =	shalt  }
0x5c: {  	_ =	shalt  }
0x5d: {  	_ =	shalt  }
0x5e: {  	_ =	shalt  }
0x5f: {  	_ =	shalt  }
0x60: {  	_ =	shalt  }
0x61: {  	_ =	shalt  }
0x62: {  	_ =	shalt  }
0x63: {  	_ =	shalt  }
0x64: {  	_ =	shalt  }
0x65: {  	_ =	shalt  }
0x66: {  	_ =	shalt  }
0x67: {  	_ =	shalt  }
0x68: {  	_ =	shalt  }
0x69: {  	_ =	shalt  }
0x6a: {  	_ =	shalt  }
0x6b: {  	_ =	shalt  }
0x6c: {  	_ =	shalt  }
0x6d: {  	_ =	shalt  }
0x6e: {  	_ =	shalt  }
0x6f: {  	_ =	shalt  }
0x70: {  	_ =	shalt  }
0x71: {  	_ =	shalt  }
0x72: {  	_ =	shalt  }
0x73: {  	_ =	shalt  }
0x74: {  	_ =	shalt  }
0x75: {  	_ =	shalt  }
0x76: {  	_ =	shalt  }
0x77: {  	_ =	shalt  }
0x78: {  	_ =	shalt  }
0x79: {  	_ =	shalt  }
0x7a: {  	_ =	shalt  }
0x7b: {  	_ =	shalt  }
0x7c: {  	_ =	shalt  }
0x7d: {  	_ =	shalt  }
0x7e: {  	_ =	shalt  }
0x7f: {  	_ =	shalt  }
0x80: {  	_ =	shalt  }
0x81: {  	_ =	shalt  }
0x82: {  	_ =	shalt  }
0x83: {  	_ =	shalt  }
0x84: {  	_ =	shalt  }
0x85: {  	_ =	shalt  }
0x86: {  	_ =	shalt  }
0x87: {  	_ =	shalt  }
.Lfunc_end0:
.L_simem_size_0:
called_computation.5_lowered:
.L_overlay_start_0:
0x88: {  	s2 =	sld [smem:$0x3FD9]  }
0x89: {  	s3 =	sld [smem:$0x3FFE];
	_ =	sdelay $0x1  }
0x8a: {  	s1 =	srdreg.scid  }
0x8b: {  	s0 =	sand.u32 $0x1, s1  }
0x8c: {  	s16 =	sshll.u32 s0, $0xA;
	s2 =	sadd.s32 s3, s2  }
0x8d: {  	s2 =	sadd.s32 s2, s16  }
0x8e: {  	[smem:$0x3FB6] =	sst s2  }
0x8f: {  	_ = 	snop  }
0x90: {  	(tm) =	ssettm $0x1  }
0x91: {  	s17 =	sld [smem:$0x3FFB];
	_ =	sdelay $0x3  }
0x92: {  	_ =	strace s17  }
0x93: {  	s2 =	sld [smem:$0x3FFC];
	_ =	sdelay $0x3  }
0x94: {  	_ =	strace s2  }
0x95: {  	s2 =	sld [smem:$0x3FFD];
	_ =	sdelay $0x3  }
0x96: {  	_ =	strace s2  }
0x97: {  	_ =	strace $0x8FFFFFFF  }
0x98: {  	s18 =	sld [smem:$0x3FDB];
	_ =	sdelay $0x1  }
0x99: {  	s19 =	simm.s32 $_scs_section_size  }
0x9a: {  	s4 =	simm.s32 $_size__tile_overlayer_lowered;
	s5 =	simm.s32 $_tile_overlayer_lowered  }
0x9b: {  	s22 =	simm.s32 $0x1BFF;
	s21 =	sshll.u32 s5, $0x1;
	s2 =	sadd.s32 s19, s18  }
0x9c: {  	s6 =	simm.s32 $0x0;
	s20 =	sshll.u32 s4, $0x1;
	s4 =	sadd.s32 s21, s2  }
0x9d: {  	[timem:s6], [sflag:s22] =	dma.local [hbm:s4], s20  }
0x9e: {  	_ =	swait.ge [sflag:s22], s20  }
0x9f: {  	s3 =	ssub.s32 $0x0, s20;
	[sflag:s22] =	ssyncset.done $0x0  }
0xa0: {  	[sflag:s22] =	ssyncadd.s32 s3;
	_ =	sdelay $0x1  }
0xa1: {  	s23 =	simm.s32 $0x1B8B  }
0xa2: {  	_ =	swait.ge [sflag:s23], $0x1  }
0xa3: {  	[sflag:s23] =	ssyncset.done $0x0  }
0xa4: {  	s25 =	simm.s32 $0x1B8E;
	s24 =	sld [smem:$0x3FFE];
	[sflag:s23] =	ssyncadd.s32 $0xFFFFFFFF  }
0xa5: {  	s26 =	simm.s32 $execute0_lowered;
	[smem:$0x3FD2] =	sst s25  }
0xa6: {  	s4 =	sshll.u32 s26, $0x1;
	_ =	strace $0x80000055;
	[dreg:$0x1] =	wrdreg $0xFFFFFFFF  }
0xa7: {  	s28 =	simm.s32 $_size_execute0_lowered;
	s2 =	sadd.s32 s2, s4;
	[dreg:$0x0] =	wrdreg $0x0  }
0xa8: {  	s4 =	sshll.u32 s28, $0x1;
	[dreg:$0x2] =	wrdreg s2  }
0xa9: {  	[dreg:$0x3] =	wrdreg s4  }
0xaa: {  	[dreg:$0x4] =	wrdreg $0xC0  }
0xab: {  	_ =	task [dreg:s6], $0x5FFFF  }
0xac: {  	[dreg:$0x1] =	wrdreg $0xFFFFFFFF  }
0xad: {  	[dreg:$0x0] =	wrdreg $0x60  }
0xae: {  	[dreg:$0x2] =	wrdreg s24  }
0xaf: {  	[dreg:$0x3] =	wrdreg $0x40000  }
0xb0: {  	[dreg:$0x4] =	wrdreg $0x9  }
0xb1: {  	_ =	task.clear_ibuf [dreg:s6], $0x5FFFF;
	_ =	strace $0x90000055  }
0xb2: {  	s29 =	simm.s32 $0x9;
	_ =	strace $0x80000057  }
0xb3: {  	_ =	swait.ge [sflag:s29], $0x1  }
0xb4: {  	[sflag:s29] =	ssyncadd.s32 $0xFFFFFFFF  }
0xb5: {  	_ =	strace $0x90000057  }
0xb6: {  	_ =	sfence  }
0xb7: {  	s30 =	sld [smem:$0x0];
	_ =	sdelay $0x2  }
0xb8: {  	s31 =	sshll.u32 s1, $0xD;
	s1 =	sshrl.u32 s1, $0x2  }
0xb9: {  	s3 =	sand.u32 $0x4000, s31;
	s1 =	sadd.s32 s1, s30  }
0xba: {  	s0 =	sor.u32 s3, s0;
	s1 =	sshll.u32 s1, $0x11  }
0xbb: {  	s0 =	sor.u32 s1, s0  }
0xbc: {  	s0 =	sadd.s32 $0x8F2B, s0  }
0xbd: {  	[sflag:s0] =	ssyncadd.remote.s32 $0x1  }
0xbe: {  	_ =	sfence.sel $0xFFFF  }
0xbf: {  	[dreg:$0x0] =	wrdreg $0xFFFFFFFF;
	(pc) =	sbr.abs _section_cstart, $3  }
0xc0: {  	[dreg:$0x1] =	wrdreg $0xFFFFFFFF  }
0xc1: {  	_ =	task.clear_ibuf [dreg:s6], $0x2FFFF;
	_ =	strace $0x9FFFFFFF  }
0xc2: {  	(tm) =	ssettm $0x7FFFFFFF  }
0xc3: {  	_ =	shalt  }
tec
execute0_lowered:
.L_overlay_start_1:
0x0: {  	(tag) =	ssettag $0x1  }
0x1: {  	s0 =	rddreg [dreg:$0x0]  }
0x2: {  	s1 =	rddreg [dreg:$0x1];
	s3 =	simm.s32 $0x0  }
0x3: {  	s2 =	srdreg.scid;
	s8 =	stileid.u32;
	s29 =	simm.s32 $0x80  }
0x4: {  	s30 =	simm.s32 $0x2000;
	s31 =	simm.s32 $0x1;
	[smem:$0x7FF] =	sst s3  }
0x5: {  	s2 =	sand.u32 $0x1, s2;
	s4 =	sadd.s32 $0x8C600, s0;
	s6 =	sshll.u32 s8, $0x10  }
0x6: {  	s8 =	sshll.u32 s8, $0x9;
	_ =	strace $0x80000056;
	s7 =	sshll.u32 s2, $0xD  }
0x7: {  	s5 =	sshll.u32 s2, $0x14;
	s2 =	ssub.s32 $0x2, s2;
	s7 =	sor.u32 s8, s7  }
0x8: {  	s5 =	sor.u32 s6, s5;
	s24 =	sshrl.u32 s2, $0x1;
	s7 =	sadd.s32 s7, s0  }
0x9: {  	s5 =	sshrl.u32 s5, $0x3;
	s2 =	ssub.s32 s2, s24;
	s25 =	sadd.s32 $0x4600, s7  }
0xa: {  	s0 =	sadd.s32 s5, s0;
	s26 =	sadd.s32 $0x8600, s7;
	[dreg:$0x3] =	wrdreg s25  }
0xb: {  	s5 =	sadd.s32 s6, s1;
	s8 =	smax.u32 s2, $0x1;
	[dreg:$0x4] =	wrdreg s26  }
0xc: {  	s28 =	sadd.s32 $0x1000, s5;
	s10 =	sadd.s32 $0x2000, s5;
	s11 =	sadd.s32 $0x3000, s5  }
0xd: {  	s12 =	sadd.s32 $0x4000, s5;
	s13 =	sadd.s32 $0x5000, s5;
	s14 =	sadd.s32 $0x6000, s5  }
0xe: {  	s15 =	sadd.s32 $0x7000, s5;
	s16 =	sadd.s32 $0x8000, s5;
	s17 =	sadd.s32 $0x9000, s5  }
0xf: {  	s18 =	sadd.s32 $0xA000, s5;
	s19 =	sadd.s32 $0xB000, s5;
	s20 =	sadd.s32 $0xC000, s5  }
0x10: {  	s21 =	sadd.s32 $0xD000, s5;
	s22 =	sadd.s32 $0xE000, s5;
	s23 =	sadd.s32 $0xF000, s5  }
0x11: {  	v0 =	vimm.f32 $0.0e+00;
	s24 =	sadd.s32 $0xAC600, s0;
	s25 =	simm.s32 $0x3000;
	s26 =	simm.s32 $0x2  }
.LBB2_1:
0x12: {  	s0 =	simm.s32 $0x80;
	s2 =	simm.s32 $0x0  }
.LBB2_2:
0x13: {  	p0 =	sne.s32 s0, $0x3F80;
	[tilespmem:s2+$0x3000] =	vst v0;
	s9 =	smov.u32 s0;
	s0 =	sadd.s32 $0x80, s0  }
.Ltmp0:
0x14: {  	[tilespmem:s2+$0x3010] =	vst v0;
	(pc) =	sbr.rel @p0 .LBB2_2-.Ltmp0, $2  }
0x15: {  	_ =	sdelay $0x2  }
0x16: {  	s2 =	sshra.s32 s9, $0x2  }
0x17: {  	[tilespmem:s2+$0x3000] =	vst v0  }
0x18: {  	[tilespmem:s2+$0x3010] =	vst v0  }
0x19: {  	[spmem:s5] =	stream.linear.scatter [tilespmem:s25], [sflag:$0x2], $0x1000, $0x38;
	[tilespmem:$0x14000] =	vst v63  }
0x1a: {  	_ =	swait.ge [sflag:s26], $0x1000  }
0x1b: {  	[sflag:s26] =	ssyncset.done $0x0  }
0x1c: {  	[sflag:s26] =	ssyncadd.s32 $0xFFFFF000  }
0x1d: {  	[spmem:s28] =	stream.linear.scatter [tilespmem:s25], [sflag:$0x2], $0x1000, $0x38;
	[tilespmem:$0x14000] =	vst v63  }
0x1e: {  	_ =	swait.ge [sflag:s26], $0x1000  }
0x1f: {  	[sflag:s26] =	ssyncset.done $0x0  }
0x20: {  	[sflag:s26] =	ssyncadd.s32 $0xFFFFF000  }
0x21: {  	[spmem:s10] =	stream.linear.scatter [tilespmem:s25], [sflag:$0x2], $0x1000, $0x38;
	[tilespmem:$0x14000] =	vst v63  }
0x22: {  	_ =	swait.ge [sflag:s26], $0x1000  }
0x23: {  	[sflag:s26] =	ssyncset.done $0x0  }
0x24: {  	[sflag:s26] =	ssyncadd.s32 $0xFFFFF000  }
0x25: {  	[spmem:s11] =	stream.linear.scatter [tilespmem:s25], [sflag:$0x2], $0x1000, $0x38;
	[tilespmem:$0x14000] =	vst v63  }
0x26: {  	_ =	swait.ge [sflag:s26], $0x1000  }
0x27: {  	[sflag:s26] =	ssyncset.done $0x0  }
0x28: {  	[sflag:s26] =	ssyncadd.s32 $0xFFFFF000  }
0x29: {  	[spmem:s12] =	stream.linear.scatter [tilespmem:s25], [sflag:$0x2], $0x1000, $0x38;
	[tilespmem:$0x14000] =	vst v63  }
0x2a: {  	_ =	swait.ge [sflag:s26], $0x1000  }
0x2b: {  	[sflag:s26] =	ssyncset.done $0x0  }
0x2c: {  	[sflag:s26] =	ssyncadd.s32 $0xFFFFF000  }
0x2d: {  	[spmem:s13] =	stream.linear.scatter [tilespmem:s25], [sflag:$0x2], $0x1000, $0x38;
	[tilespmem:$0x14000] =	vst v63  }
0x2e: {  	_ =	swait.ge [sflag:s26], $0x1000  }
0x2f: {  	[sflag:s26] =	ssyncset.done $0x0  }
0x30: {  	[sflag:s26] =	ssyncadd.s32 $0xFFFFF000  }
0x31: {  	[spmem:s14] =	stream.linear.scatter [tilespmem:s25], [sflag:$0x2], $0x1000, $0x38;
	[tilespmem:$0x14000] =	vst v63  }
0x32: {  	_ =	swait.ge [sflag:s26], $0x1000  }
0x33: {  	[sflag:s26] =	ssyncset.done $0x0  }
0x34: {  	[sflag:s26] =	ssyncadd.s32 $0xFFFFF000  }
0x35: {  	[spmem:s15] =	stream.linear.scatter [tilespmem:s25], [sflag:$0x2], $0x1000, $0x38;
	[tilespmem:$0x14000] =	vst v63  }
0x36: {  	_ =	swait.ge [sflag:s26], $0x1000  }
0x37: {  	[sflag:s26] =	ssyncset.done $0x0  }
0x38: {  	[sflag:s26] =	ssyncadd.s32 $0xFFFFF000  }
0x39: {  	[spmem:s16] =	stream.linear.scatter [tilespmem:s25], [sflag:$0x2], $0x1000, $0x38;
	[tilespmem:$0x14000] =	vst v63  }
0x3a: {  	_ =	swait.ge [sflag:s26], $0x1000  }
0x3b: {  	[sflag:s26] =	ssyncset.done $0x0  }
0x3c: {  	[sflag:s26] =	ssyncadd.s32 $0xFFFFF000  }
0x3d: {  	[spmem:s17] =	stream.linear.scatter [tilespmem:s25], [sflag:$0x2], $0x1000, $0x38;
	[tilespmem:$0x14000] =	vst v63  }
0x3e: {  	_ =	swait.ge [sflag:s26], $0x1000  }
0x3f: {  	[sflag:s26] =	ssyncset.done $0x0  }
0x40: {  	[sflag:s26] =	ssyncadd.s32 $0xFFFFF000  }
0x41: {  	[spmem:s18] =	stream.linear.scatter [tilespmem:s25], [sflag:$0x2], $0x1000, $0x38;
	[tilespmem:$0x14000] =	vst v63  }
0x42: {  	_ =	swait.ge [sflag:s26], $0x1000  }
0x43: {  	[sflag:s26] =	ssyncset.done $0x0  }
0x44: {  	[sflag:s26] =	ssyncadd.s32 $0xFFFFF000  }
0x45: {  	[spmem:s19] =	stream.linear.scatter [tilespmem:s25], [sflag:$0x2], $0x1000, $0x38;
	[tilespmem:$0x14000] =	vst v63  }
0x46: {  	_ =	swait.ge [sflag:s26], $0x1000  }
0x47: {  	[sflag:s26] =	ssyncset.done $0x0  }
0x48: {  	[sflag:s26] =	ssyncadd.s32 $0xFFFFF000  }
0x49: {  	[spmem:s20] =	stream.linear.scatter [tilespmem:s25], [sflag:$0x2], $0x1000, $0x38;
	[tilespmem:$0x14000] =	vst v63  }
0x4a: {  	_ =	swait.ge [sflag:s26], $0x1000  }
0x4b: {  	[sflag:s26] =	ssyncset.done $0x0  }
0x4c: {  	[sflag:s26] =	ssyncadd.s32 $0xFFFFF000  }
0x4d: {  	[spmem:s21] =	stream.linear.scatter [tilespmem:s25], [sflag:$0x2], $0x1000, $0x38;
	[tilespmem:$0x14000] =	vst v63  }
0x4e: {  	_ =	swait.ge [sflag:s26], $0x1000  }
0x4f: {  	[sflag:s26] =	ssyncset.done $0x0  }
0x50: {  	[sflag:s26] =	ssyncadd.s32 $0xFFFFF000  }
0x51: {  	[spmem:s22] =	stream.linear.scatter [tilespmem:s25], [sflag:$0x2], $0x1000, $0x38;
	[tilespmem:$0x14000] =	vst v63  }
0x52: {  	_ =	swait.ge [sflag:s26], $0x1000  }
0x53: {  	[sflag:s26] =	ssyncset.done $0x0  }
0x54: {  	[sflag:s26] =	ssyncadd.s32 $0xFFFFF000  }
0x55: {  	[spmem:s23] =	stream.linear.scatter [tilespmem:s25], [sflag:$0x2], $0x1000, $0x38;
	[tilespmem:$0x14000] =	vst v63  }
0x56: {  	_ =	swait.ge [sflag:s26], $0x1000  }
0x57: {  	[sflag:s26] =	ssyncset.done $0x0  }
0x58: {  	s0 =	simm.s32 $0x0;
	s7 =	rddreg [dreg:$0x3];
	[sflag:s26] =	ssyncadd.s32 $0xFFFFF000  }
0x59: {  	[tilespmem:s0], [sflag:$0x2] =	stream.linear.gather [hbm4b:s7+s0], $0x1000, $0x38;
	[tilespmem:$0x14000] =	vst v63  }
0x5a: {  	_ =	swait.ge [sflag:s26], $0x1000  }
0x5b: {  	[sflag:s26] =	ssyncset.done $0x0  }
0x5c: {  	s6 =	simm.s32 $0x1000;
	s9 =	rddreg [dreg:$0x4];
	[sflag:s26] =	ssyncadd.s32 $0xFFFFF000  }
0x5d: {  	[tilespmem:s6], [sflag:$0x2] =	stream.linear.gather [hbm4b:s9+s0], $0x1000, $0x38;
	[tilespmem:$0x14000] =	vst v63  }
0x5e: {  	_ =	swait.ge [sflag:s26], $0x1000  }
0x5f: {  	[sflag:s26] =	ssyncset.done $0x0  }
0x60: {  	[sflag:s26] =	ssyncadd.s32 $0xFFFFF000  }
0x61: {  	s7 =	simm.s32 $0x0;
	[bflag:$0x0] =	sbarrier.arrive $0xFFFF  }
0x62: {  	[tilespmem:s30], [sflag:$0x1] =	stream.indirect.gather [hbm4b:s4+s29], $0x20, s7, s29, $0xb8;
	[tilespmem:$0x14000] =	vst v63  }
0x63: {  	_ =	swait.ge [sflag:s31], $0x1000  }
0x64: {  	[sflag:s31] =	ssyncset.done $0x0  }
0x65: {  	s9 =	simm.s32 $0x1000;
	[sflag:s31] =	ssyncadd.s32 $0xFFFFF000  }
0x66: {  	[spmem:s1] =	stream.indirect.scatter.add.f32 [tilespmem:s30], [sflag:$0x2], $0x20, s9, s29, $0xb8;
	[tilespmem:$0x14000] =	vst v63  }
0x67: {  	_ =	swait.ge [sflag:s26], $0x1000  }
0x68: {  	s2 =	simm.s32 $0x400;
	s0 =	simm.s32 $0x200;
	[sflag:s26] =	ssyncset.done $0x0  }
.LBB2_4:
0x69: {  	s9 =	sshra.s32 s0, $0x2  }
0x6a: {  	[sflag:s26] =	ssyncadd.s32 $0xFFFFF000;
	s0 =	smov.u32 s2;
	s6 =	sadd.s32 $0x200, s2  }
0x6b: {  	[tilespmem:s30], [sflag:$0x1] =	stream.indirect.gather [hbm4b:s4+s29], $0x20, s9, s29, $0xb8;
	[tilespmem:$0x14000] =	vst v63  }
0x6c: {  	p0 =	sne.s32 s2, $0x3E00;
	_ =	swait.ge [sflag:s31], $0x1000  }
.Ltmp1:
0x6d: {  	[sflag:s31] =	ssyncset.done $0x0;
	(pc) =	sbr.rel @p0 .LBB2_4-.Ltmp1, $4  }
0x6e: {  	s2 =	sadd.s32 $0x1000, s9;
	[sflag:s31] =	ssyncadd.s32 $0xFFFFF000  }
0x6f: {  	[spmem:s1] =	stream.indirect.scatter.add.f32 [tilespmem:s30], [sflag:$0x2], $0x20, s2, s29, $0xb8;
	[tilespmem:$0x14000] =	vst v63  }
0x70: {  	_ =	swait.ge [sflag:s26], $0x1000  }
0x71: {  	s2 =	smov.u32 s6;
	[sflag:s26] =	ssyncset.done $0x0  }
0x72: {  	s0 =	sshra.s32 s0, $0x2;
	[sflag:s26] =	ssyncadd.s32 $0xFFFFF000  }
0x73: {  	[tilespmem:s30], [sflag:$0x1] =	stream.indirect.gather [hbm4b:s4+s29], $0x20, s0, s29, $0xb8;
	[tilespmem:$0x14000] =	vst v63  }
0x74: {  	_ =	swait.ge [sflag:s31], $0x1000  }
0x75: {  	[sflag:s31] =	ssyncset.done $0x0  }
0x76: {  	s0 =	sadd.s32 $0x1000, s0;
	[sflag:s31] =	ssyncadd.s32 $0xFFFFF000  }
0x77: {  	[spmem:s1] =	stream.indirect.scatter.add.f32 [tilespmem:s30], [sflag:$0x2], $0x20, s0, s29, $0xb8;
	[tilespmem:$0x14000] =	vst v63  }
0x78: {  	_ =	swait.ge [sflag:s26], $0x1000  }
0x79: {  	s9 =	stileid.u32;
	[sflag:s26] =	ssyncset.done $0x0  }
0x7a: {  	s2 =	sadd.s32 $0x0, s24;
	s0 =	sshll.u32 s9, $0x6;
	[sflag:s26] =	ssyncadd.s32 $0xFFFFF000  }
0x7b: {  	s6 =	sshrl.u32 s5, $0x3;
	s0 =	sor.u32 $0x1C02, s0;
	[bflag:$0x0] =	sbarrier.arrive $0xFFFF  }
0x7c: {  	[hbm:s2], [sflag:s0] =	dma.local [spmem:s6], $0x200  }
0x7d: {  	s9 =	smov.u32 s28;
	s2 =	simm.s32 $0x200;
	_ =	swait.ge [sflag:s26], $0x200  }
.LBB2_6:
0x7e: {  	s6 =	sadd.s32 s2, s24;
	[sflag:s26] =	ssyncset.done $0x0;
	p0 =	sne.s32 s2, $0x1E00  }
.Ltmp2:
0x7f: {  	s7 =	sshrl.u32 s9, $0x3;
	[sflag:s26] =	ssyncadd.s32 $0xFFFFFE00;
	(pc) =	sbr.rel @p0 .LBB2_6-.Ltmp2, $3  }
0x80: {  	[hbm:s6], [sflag:s0] =	dma.local [spmem:s7], $0x200  }
0x81: {  	s2 =	sadd.s32 $0x200, s2;
	_ =	sdelay $0x1  }
0x82: {  	s9 =	sadd.s32 $0x1000, s9;
	_ =	swait.ge [sflag:s26], $0x200  }
0x83: {  	s3 =	sadd.s32 $0x1, s3  }
0x84: {  	p0 =	sne.s32 s3, s8  }
.Ltmp3:
0x85: {  	_ = 	snop;
	(pc) =	sbr.rel @p0 .LBB2_1-.Ltmp3, $3  }
0x86: {  	_ =	sdelay $0x1  }
0x87: {  	[sflag:s26] =	ssyncset.done $0x0  }
0x88: {  	[sflag:s26] =	ssyncadd.s32 $0xFFFFFE00  }
0x89: {  	_ =	sfence.sel $0x180000  }
0x8a: {  	[bflag:$0x0] =	sbarrier.arrive $0xFFFF  }
0x8b: {  	_ =	strace $0x90000056  }
0x8c: {  	s0 =	stileid.u32;
	[bflag:$0x2] =	sbarrier.arrive $0xFFFF  }
0x8d: {  	p0 =	sne.s32 s0, $0x0;
	s0 =	rddreg [dreg:$0x2]  }
0x8e: {  	s0 =	sadd.s32 @!p0 $0x100000, s0  }
0x8f: {  	[sflag:s0] =	ssyncadd.tile.s32 @!p0 $0x1;
	_ =	shalt  }
.Lfunc_end2:
_tile_overlayer_lowered:
.L_overlay_start_2:
0x90: {  	(tag) =	ssettag $0x2  }
0x91: {  	s0 =	rddreg [dreg:$0x0];
	s2 =	stileid.u32  }
0x92: {  	s1 =	rddreg [dreg:$0x1];
	p0 =	sne.s32 s2, $0x0  }
0x93: {  	s3 =	rddreg [dreg:$0x2];
	[bflag:$0x3] =	sbarrier.arrive $0xFFFF;
	s2 =	simm.s32 @!p0 $0x1C02  }
0x94: {  	[timem:s3], [sflag:s2] =	dma.local @!p0 [hbm:s0], s1  }
0x95: {  	s0 =	simm.s32 @!p0 $0x2  }
0x96: {  	_ =	swait.ge @!p0 [sflag:s0], s1  }
0x97: {  	s1 =	ssub.s32 @!p0 $0x0, s1;
	[sflag:s0] =	ssyncset.done @!p0 $0x0  }
0x98: {  	[sflag:s0] =	ssyncadd.s32 @!p0 s1  }
0x99: {  	[bflag:$0x3] =	sbarrier.arrive $0xFFFF  }
0x9a: {  	_ =	shalt  }

</sc_bundles>
